<compile_context>
chip_gen: v7x
topology: tpu7x:2x2x1
jax: 0.10.2.dev20260603
libtpu: 0.0.44.dev20260713+nightly
codegen_flags: <defaults>
</compile_context>

<pallas_src>
import functools

import jax
import jax.numpy as jnp
from jax import lax
from jax.experimental import pallas as pl
from jax.experimental.pallas import tpu as pltpu
from jax.experimental.pallas import tpu_sc as plsc

NUM_ENTITIES = 1000000
NUM_RELATIONS = 1000
D = 64
TIMESTEPS = 1000
B = 16384

NC, NS, L = 2, 16, 16
NW = NC * NS
ROWS_W = B // NW
PACK_W = ROWS_W // 2
BP = B // 2


@functools.cache
def _make_sc_gather():
    mesh = plsc.VectorSubcoreMesh(
        core_axis_name="c", subcore_axis_name="s",
        num_cores=NC, num_subcores=NS)
    return pl.kernel(
        _sc_gather_body,
        out_type=[
            jax.ShapeDtypeStruct((BP, 2 * D), jnp.float32),
            jax.ShapeDtypeStruct((BP, 2 * D), jnp.float32),
            jax.ShapeDtypeStruct((B // 128, 128), jnp.float32),
        ],
        mesh=mesh,
        compiler_params=pltpu.CompilerParams(
            needs_layout_passes=False, use_tc_tiling_on_sc=True),
        scratch_types=[
            pltpu.VMEM((ROWS_W,), jnp.int32),
            pltpu.VMEM((ROWS_W,), jnp.int32),
            pltpu.VMEM((ROWS_W,), jnp.int32),
            pltpu.VMEM((ROWS_W,), jnp.int32),
            pltpu.VMEM((PACK_W, 2 * D), jnp.float32),
            pltpu.VMEM((PACK_W, 2 * D), jnp.float32),
            pltpu.VMEM((PACK_W, 2 * D), jnp.float32),
            pltpu.VMEM((1008,), jnp.float32),
            pltpu.VMEM((4, 128), jnp.float32),
            pltpu.SemaphoreType.DMA,
            pltpu.SemaphoreType.DMA,
            pltpu.SemaphoreType.DMA,
        ],
    )


def _sc_gather_body(ent_hbm, rel_hbm, tstab_hbm, hidx_hbm, tidx_hbm, ridx_hbm,
                    tsidx_hbm, hmt_out, r_out, temb_out,
                    hidx_v, tidx_v, ridx_v, tsidx_v, h_v, t_v, r_v, tstab_v,
                    temb_v, sem_h, sem_t, sem_r):
    wid = lax.axis_index("s") * NC + lax.axis_index("c")
    rbase = wid * ROWS_W
    pbase = wid * PACK_W
    pltpu.sync_copy(hidx_hbm.at[pl.ds(rbase, ROWS_W)], hidx_v)
    pltpu.sync_copy(tidx_hbm.at[pl.ds(rbase, ROWS_W)], tidx_v)
    pltpu.sync_copy(ridx_hbm.at[pl.ds(rbase, ROWS_W)], ridx_v)
    pltpu.sync_copy(tsidx_hbm.at[pl.ds(rbase, ROWS_W)], tsidx_v)
    pltpu.sync_copy(tstab_hbm, tstab_v)

    def _fire(c, carry):
        hv16 = hidx_v[pl.ds(c * L, L)]
        tv16 = tidx_v[pl.ds(c * L, L)]
        rv16 = ridx_v[pl.ds(c * L, L)]
        for k in range(L):
            prow = c * (L // 2) + k // 2
            sl = pl.ds((k % 2) * D, D)
            pltpu.async_copy(ent_hbm.at[hv16[k]], h_v.at[prow, sl], sem_h)
            pltpu.async_copy(ent_hbm.at[tv16[k]], t_v.at[prow, sl], sem_t)
            pltpu.async_copy(rel_hbm.at[rv16[k]], r_v.at[prow, sl], sem_r)
        return carry

    lax.fori_loop(0, ROWS_W // L, _fire, 0)

    for c in range(ROWS_W // L):
        idx16 = tsidx_v[pl.ds(c * L, L)]
        temb_v[c // 8, pl.ds((c % 8) * L, L)] = plsc.load_gather(
            tstab_v, [idx16])

    pltpu.make_async_copy(hmt_out.at[pl.ds(0, PACK_W)], h_v, sem_h).wait()
    pltpu.make_async_copy(hmt_out.at[pl.ds(0, PACK_W)], t_v, sem_t).wait()

    def _sub(p, carry):
        for c in range(2 * D // L):
            sl = pl.ds(c * L, L)
            h_v[p, sl] = h_v[p, sl] - t_v[p, sl]
        return carry

    lax.fori_loop(0, PACK_W, _sub, 0)

    pltpu.make_async_copy(r_out.at[pl.ds(0, PACK_W)], r_v, sem_r).wait()

    pltpu.sync_copy(h_v, hmt_out.at[pl.ds(pbase, PACK_W)])
    pltpu.sync_copy(r_v, r_out.at[pl.ds(pbase, PACK_W)])
    pltpu.sync_copy(temb_v, temb_out.at[pl.ds(wid * 4, 4)])


PBLK = 1024
GRID = BP // PBLK


def _pack2(v):
    left = jnp.broadcast_to(v[:, 0:1], (PBLK, D))
    right = jnp.broadcast_to(v[:, 1:2], (PBLK, D))
    return jnp.concatenate([left, right], axis=1)


def _tc_body(ts_ref, temb_ref, hmt_ref, r_ref, nz_ref,
             w1bd_ref, w1l2_ref, b1t_ref, w2bd_ref, b2t_ref, ones_ref,
             score_ref, loss_ref):
    alpha = _pack2(1.0 - ts_ref[...].astype(jnp.float32) * (1.0 / TIMESTEPS))
    tex = _pack2(temb_ref[...])
    r = r_ref[...]
    nz = nz_ref[...]
    rt = alpha * r + (1.0 - alpha) * nz
    x1 = jnp.dot(rt, w1bd_ref[...], preferred_element_type=jnp.float32)
    x1 = x1 + tex * w1l2_ref[...] + b1t_ref[...]
    hdn = jnp.maximum(x1, 0.0)
    pred = jnp.dot(hdn, w2bd_ref[...], preferred_element_type=jnp.float32)
    pred = pred + b2t_ref[...]
    dn = pred - nz
    part = jnp.sum(dn * dn) * (1.0 / (B * D))

    @pl.when(pl.program_id(0) == 0)
    def _():
        loss_ref[...] = jnp.zeros_like(loss_ref)

    loss_ref[...] = loss_ref[...] + jnp.full((1, 128), part, jnp.float32)
    s = hmt_ref[...] + rt
    s2 = jnp.dot(s * s, ones_ref[...], preferred_element_type=jnp.float32)
    score_ref[...] = -jnp.sqrt(s2)


def kernel(h_idx, r_idx, t_idx, time_step, entity_emb, relation_emb,
           timestep_emb, W1, b1, W2, b2):
    hidx = h_idx.astype(jnp.int32)
    tidx = t_idx.astype(jnp.int32)
    ridx = r_idx.astype(jnp.int32)
    tsidx = time_step.astype(jnp.int32).reshape(B)
    tstab = jnp.concatenate(
        [timestep_emb[:, 0], jnp.zeros((1008 - (TIMESTEPS + 1),), jnp.float32)])
    hmt_g, r_g, temb_g = _make_sc_gather()(
        entity_emb, relation_emb, tstab, hidx, tidx, ridx, tsidx)

    noise = jax.random.normal(jax.random.key(42), (BP, 2 * D),
                              dtype=jnp.float32)
    W1rt = W1[:, :D].T
    zero = jnp.zeros((D, D), jnp.float32)
    W1bd = jnp.block([[W1rt, zero], [zero, W1rt]])
    W2T = W2.T
    W2bd = jnp.block([[W2T, zero], [zero, W2T]])
    w1l2 = jnp.tile(W1[:, D].reshape(1, D), (1, 2))
    b1t = jnp.tile(b1.reshape(1, D), (1, 2))
    b2t = jnp.tile(b2.reshape(1, D), (1, 2))
    onecol = jnp.ones((D, 1), jnp.float32)
    zcol = jnp.zeros((D, 1), jnp.float32)
    onesbd = jnp.block([[onecol, zcol], [zcol, onecol]])
    ts2 = time_step.reshape(BP, 2)
    temb2 = temb_g.reshape(BP, 2)

    score2, lossp = pl.pallas_call(
        _tc_body,
        grid=(GRID,),
        in_specs=[
            pl.BlockSpec((PBLK, 2), lambda i: (i, 0)),
            pl.BlockSpec((PBLK, 2), lambda i: (i, 0)),
            pl.BlockSpec((PBLK, 2 * D), lambda i: (i, 0)),
            pl.BlockSpec((PBLK, 2 * D), lambda i: (i, 0)),
            pl.BlockSpec((PBLK, 2 * D), lambda i: (i, 0)),
            pl.BlockSpec((2 * D, 2 * D), lambda i: (0, 0)),
            pl.BlockSpec((1, 2 * D), lambda i: (0, 0)),
            pl.BlockSpec((1, 2 * D), lambda i: (0, 0)),
            pl.BlockSpec((2 * D, 2 * D), lambda i: (0, 0)),
            pl.BlockSpec((1, 2 * D), lambda i: (0, 0)),
            pl.BlockSpec((2 * D, 2), lambda i: (0, 0)),
        ],
        out_specs=[
            pl.BlockSpec((PBLK, 2), lambda i: (i, 0)),
            pl.BlockSpec((1, 128), lambda i: (0, 0)),
        ],
        out_shape=[
            jax.ShapeDtypeStruct((BP, 2), jnp.float32),
            jax.ShapeDtypeStruct((1, 128), jnp.float32),
        ],
    )(ts2, temb2, hmt_g, r_g, noise, W1bd, w1l2, b1t, W2bd, b2t, onesbd)
    loss = lossp[0, 0]
    score = score2.reshape(B)
    return (loss, score)

# --- scband reference (transcript-rebuilt; emitter-appended) ---
"""Pipeline reference for scband-kgdm-8005819039862 (READ-ONLY COPY).

The authoritative reference and input builder live on the scoring server;
editing this copy changes nothing except your own understanding.
"""

import jax, jax.numpy as jnp
import numpy as np

NUM_ENTITIES = 1000000
NUM_RELATIONS = 1000
EMB_DIM = 64
TIMESTEPS = 1000
BATCH = 16384


def setup_inputs(seed: int = 0) -> dict:
    key = jax.random.key(seed)
    ks = jax.random.split(key, 12)
    h_idx = jax.random.randint(ks[0], (BATCH,), 0, NUM_ENTITIES)
    r_idx = jax.random.randint(ks[1], (BATCH,), 0, NUM_RELATIONS)
    t_idx = jax.random.randint(ks[2], (BATCH,), 0, NUM_ENTITIES)
    time_step = jax.random.randint(ks[3], (BATCH, 1), 0, TIMESTEPS)
    entity_emb = jax.random.normal(ks[4], (NUM_ENTITIES, EMB_DIM), dtype=jnp.float32) * 0.02
    relation_emb = jax.random.normal(ks[5], (NUM_RELATIONS, EMB_DIM), dtype=jnp.float32) * 0.02
    timestep_emb = jax.random.normal(ks[6], (TIMESTEPS + 1, 1), dtype=jnp.float32) * 0.02
    W1 = jax.random.normal(ks[7], (EMB_DIM, EMB_DIM + 1), dtype=jnp.float32) * (1.0 / np.sqrt(EMB_DIM + 1))
    b1 = jnp.zeros((EMB_DIM,), dtype=jnp.float32)
    W2 = jax.random.normal(ks[8], (EMB_DIM, EMB_DIM), dtype=jnp.float32) * (1.0 / np.sqrt(EMB_DIM))
    b2 = jnp.zeros((EMB_DIM,), dtype=jnp.float32)
    return {"h_idx": h_idx, "r_idx": r_idx, "t_idx": t_idx, "time_step": time_step,
            "entity_emb": entity_emb, "relation_emb": relation_emb, "timestep_emb": timestep_emb,
            "W1": W1, "b1": b1, "W2": W2, "b2": b2}


def reference(h_idx, r_idx, t_idx, time_step, entity_emb, relation_emb, timestep_emb, W1, b1, W2, b2):
    # embedding lookups (gather)
    h = jnp.take(entity_emb, h_idx, axis=0)
    r = jnp.take(relation_emb, r_idx, axis=0)
    tail = jnp.take(entity_emb, t_idx, axis=0)
    # forward diffusion: noise generated internally (fixed key for determinism)
    noise = jax.random.normal(jax.random.key(42), r.shape, dtype=r.dtype)
    alpha_t = 1.0 - time_step.astype(jnp.float32) / TIMESTEPS  # (B,1)
    r_t = alpha_t * r + (1.0 - alpha_t) * noise
    # denoise: f_theta(r_t, t)
    t_emb = jnp.squeeze(jnp.take(timestep_emb, time_step, axis=0), axis=-1)  # (B,1,1)->(B,1)
    x = jnp.concatenate([r_t, t_emb], axis=-1)  # (B, D+1)
    hdn = jax.nn.relu(x @ W1.T + b1)
    pred_noise = hdn @ W2.T + b2
    loss_denoise = jnp.mean((pred_noise - noise) ** 2)
    # TransE-style score
    score_pos = -jnp.linalg.norm(h + r_t - tail, ord=2, axis=1)
    return (loss_denoise, score_pos)

if __name__ == "__main__":
    import jax
    _d = setup_inputs()
    print(jax.jit(kernel)(*tuple(_d.values())))

</pallas_src>

<mosaic_0001>
#map = affine_map<(d0, d1) -> (0, 0)>
#map1 = affine_map<(d0, d1) -> (0)>
module attributes {stable_mosaic.version = 14 : i64} {
  func.func @_sc_gather_body(%arg0: i32, %arg1: i32, %arg2: memref<1000000x64xf32, #tpu.memory_space<hbm>>, %arg3: memref<1000x64xf32, #tpu.memory_space<hbm>>, %arg4: memref<1008xf32, #tpu.memory_space<hbm>>, %arg5: memref<16384xi32, #tpu.memory_space<hbm>>, %arg6: memref<16384xi32, #tpu.memory_space<hbm>>, %arg7: memref<16384xi32, #tpu.memory_space<hbm>>, %arg8: memref<16384xi32, #tpu.memory_space<hbm>>, %arg9: memref<8192x128xf32, #tpu.memory_space<hbm>>, %arg10: memref<8192x128xf32, #tpu.memory_space<hbm>>, %arg11: memref<128x128xf32, #tpu.memory_space<hbm>>, %arg12: memref<512xi32, #tpu.memory_space<vmem>>, %arg13: memref<512xi32, #tpu.memory_space<vmem>>, %arg14: memref<512xi32, #tpu.memory_space<vmem>>, %arg15: memref<512xi32, #tpu.memory_space<vmem>>, %arg16: memref<256x128xf32, #tpu.memory_space<vmem>>, %arg17: memref<256x128xf32, #tpu.memory_space<vmem>>, %arg18: memref<256x128xf32, #tpu.memory_space<vmem>>, %arg19: memref<1008xf32, #tpu.memory_space<vmem>>, %arg20: memref<4x128xf32, #tpu.memory_space<vmem>>, %arg21: memref<!tpu.dma_semaphore, #tpu.memory_space<semaphore_mem>>, %arg22: memref<!tpu.dma_semaphore, #tpu.memory_space<semaphore_mem>>, %arg23: memref<!tpu.dma_semaphore, #tpu.memory_space<semaphore_mem>>) attributes {dimension_semantics = [#tpu.dimension_semantics<core_parallel>, #tpu.dimension_semantics<subcore_parallel>], iteration_bounds = array<i64: 2, 16>, scalar_prefetch = 0 : i64, scratch_operands = 12 : i64, tpu.core_type = #tpu.core_type<sc_vector_subcore>, window_params = [{transform_indices = #map}, {transform_indices = #map}, {transform_indices = #map1}, {transform_indices = #map1}, {transform_indices = #map1}, {transform_indices = #map1}, {transform_indices = #map1}, {transform_indices = #map}, {transform_indices = #map}, {transform_indices = #map}]} {
    %mul3A = arith.constant 2 : i32
    %mul3A_0 = arith.muli %arg1, %mul3A : i32
    %add3A = arith.addi %mul3A_0, %arg0 : i32
    %mul3A_1 = arith.constant 512 : i32
    %mul3A_2 = arith.muli %add3A, %mul3A_1 : i32
    %mul3A_3 = arith.constant 256 : i32
    %mul3A_4 = arith.muli %add3A, %mul3A_3 : i32
    "tpu.region"() ({
      %run_scoped3A = tpu.sem_alloc : memref<!tpu.dma_semaphore, #tpu.memory_space<semaphore_mem>>
      %dma_start3A = tpu.memref_slice %arg5[%mul3A_2] : memref<16384xi32, #tpu.memory_space<hbm>> -> memref<512xi32, #tpu.memory_space<hbm>>
      %dma_start3A_256 = tpu.memref_slice %arg5[%mul3A_2] : memref<16384xi32, #tpu.memory_space<hbm>> -> memref<512xi32, #tpu.memory_space<hbm>>
      tpu.enqueue_dma source(%dma_start3A_256 : memref<512xi32, #tpu.memory_space<hbm>>) target(%arg12 : memref<512xi32, #tpu.memory_space<vmem>>) target_semaphore(%run_scoped3A : memref<!tpu.dma_semaphore, #tpu.memory_space<semaphore_mem>>)
      %dma_wait3A_257 = tpu.memref_slice %arg5[%mul3A_2] : memref<16384xi32, #tpu.memory_space<hbm>> -> memref<512xi32, #tpu.memory_space<hbm>>
      %dma_wait3A_258 = tpu.memref_slice %arg5[%mul3A_2] : memref<16384xi32, #tpu.memory_space<hbm>> -> memref<512xi32, #tpu.memory_space<hbm>>
      tpu.wait_dma2 semaphore(%run_scoped3A : memref<!tpu.dma_semaphore, #tpu.memory_space<semaphore_mem>>) src(%dma_wait3A_258 : memref<512xi32, #tpu.memory_space<hbm>>) dst(%arg12 : memref<512xi32, #tpu.memory_space<vmem>>)
      tpu.yield
    }) : () -> ()
    "tpu.region"() ({
      %run_scoped3A = tpu.sem_alloc : memref<!tpu.dma_semaphore, #tpu.memory_space<semaphore_mem>>
      %dma_start3A = tpu.memref_slice %arg6[%mul3A_2] : memref<16384xi32, #tpu.memory_space<hbm>> -> memref<512xi32, #tpu.memory_space<hbm>>
      %dma_start3A_256 = tpu.memref_slice %arg6[%mul3A_2] : memref<16384xi32, #tpu.memory_space<hbm>> -> memref<512xi32, #tpu.memory_space<hbm>>
      tpu.enqueue_dma source(%dma_start3A_256 : memref<512xi32, #tpu.memory_space<hbm>>) target(%arg13 : memref<512xi32, #tpu.memory_space<vmem>>) target_semaphore(%run_scoped3A : memref<!tpu.dma_semaphore, #tpu.memory_space<semaphore_mem>>)
      %dma_wait3A_257 = tpu.memref_slice %arg6[%mul3A_2] : memref<16384xi32, #tpu.memory_space<hbm>> -> memref<512xi32, #tpu.memory_space<hbm>>
      %dma_wait3A_258 = tpu.memref_slice %arg6[%mul3A_2] : memref<16384xi32, #tpu.memory_space<hbm>> -> memref<512xi32, #tpu.memory_space<hbm>>
      tpu.wait_dma2 semaphore(%run_scoped3A : memref<!tpu.dma_semaphore, #tpu.memory_space<semaphore_mem>>) src(%dma_wait3A_258 : memref<512xi32, #tpu.memory_space<hbm>>) dst(%arg13 : memref<512xi32, #tpu.memory_space<vmem>>)
      tpu.yield
    }) : () -> ()
    "tpu.region"() ({
      %run_scoped3A = tpu.sem_alloc : memref<!tpu.dma_semaphore, #tpu.memory_space<semaphore_mem>>
      %dma_start3A = tpu.memref_slice %arg7[%mul3A_2] : memref<16384xi32, #tpu.memory_space<hbm>> -> memref<512xi32, #tpu.memory_space<hbm>>
      %dma_start3A_256 = tpu.memref_slice %arg7[%mul3A_2] : memref<16384xi32, #tpu.memory_space<hbm>> -> memref<512xi32, #tpu.memory_space<hbm>>
      tpu.enqueue_dma source(%dma_start3A_256 : memref<512xi32, #tpu.memory_space<hbm>>) target(%arg14 : memref<512xi32, #tpu.memory_space<vmem>>) target_semaphore(%run_scoped3A : memref<!tpu.dma_semaphore, #tpu.memory_space<semaphore_mem>>)
      %dma_wait3A_257 = tpu.memref_slice %arg7[%mul3A_2] : memref<16384xi32, #tpu.memory_space<hbm>> -> memref<512xi32, #tpu.memory_space<hbm>>
      %dma_wait3A_258 = tpu.memref_slice %arg7[%mul3A_2] : memref<16384xi32, #tpu.memory_space<hbm>> -> memref<512xi32, #tpu.memory_space<hbm>>
      tpu.wait_dma2 semaphore(%run_scoped3A : memref<!tpu.dma_semaphore, #tpu.memory_space<semaphore_mem>>) src(%dma_wait3A_258 : memref<512xi32, #tpu.memory_space<hbm>>) dst(%arg14 : memref<512xi32, #tpu.memory_space<vmem>>)
      tpu.yield
    }) : () -> ()
    "tpu.region"() ({
      %run_scoped3A = tpu.sem_alloc : memref<!tpu.dma_semaphore, #tpu.memory_space<semaphore_mem>>
      %dma_start3A = tpu.memref_slice %arg8[%mul3A_2] : memref<16384xi32, #tpu.memory_space<hbm>> -> memref<512xi32, #tpu.memory_space<hbm>>
      %dma_start3A_256 = tpu.memref_slice %arg8[%mul3A_2] : memref<16384xi32, #tpu.memory_space<hbm>> -> memref<512xi32, #tpu.memory_space<hbm>>
      tpu.enqueue_dma source(%dma_start3A_256 : memref<512xi32, #tpu.memory_space<hbm>>) target(%arg15 : memref<512xi32, #tpu.memory_space<vmem>>) target_semaphore(%run_scoped3A : memref<!tpu.dma_semaphore, #tpu.memory_space<semaphore_mem>>)
      %dma_wait3A_257 = tpu.memref_slice %arg8[%mul3A_2] : memref<16384xi32, #tpu.memory_space<hbm>> -> memref<512xi32, #tpu.memory_space<hbm>>
      %dma_wait3A_258 = tpu.memref_slice %arg8[%mul3A_2] : memref<16384xi32, #tpu.memory_space<hbm>> -> memref<512xi32, #tpu.memory_space<hbm>>
      tpu.wait_dma2 semaphore(%run_scoped3A : memref<!tpu.dma_semaphore, #tpu.memory_space<semaphore_mem>>) src(%dma_wait3A_258 : memref<512xi32, #tpu.memory_space<hbm>>) dst(%arg15 : memref<512xi32, #tpu.memory_space<vmem>>)
      tpu.yield
    }) : () -> ()
    "tpu.region"() ({
      %run_scoped3A = tpu.sem_alloc : memref<!tpu.dma_semaphore, #tpu.memory_space<semaphore_mem>>
      tpu.enqueue_dma source(%arg4 : memref<1008xf32, #tpu.memory_space<hbm>>) target(%arg19 : memref<1008xf32, #tpu.memory_space<vmem>>) target_semaphore(%run_scoped3A : memref<!tpu.dma_semaphore, #tpu.memory_space<semaphore_mem>>)
      tpu.wait_dma2 semaphore(%run_scoped3A : memref<!tpu.dma_semaphore, #tpu.memory_space<semaphore_mem>>) src(%arg4 : memref<1008xf32, #tpu.memory_space<hbm>>) dst(%arg19 : memref<1008xf32, #tpu.memory_space<vmem>>)
      tpu.yield
    }) : () -> ()
    %scan3A = arith.constant 0 : i32
    %scan3A_5 = arith.constant 0 : i32
    %scan3A_6 = arith.constant 32 : i32
    %scan3A_7 = arith.addi %scan3A_5, %scan3A_6 : i32
    %scan3A_8 = arith.constant 1 : i32
    scf.for %scan3A_256 = %scan3A_5 to %scan3A_7 step %scan3A_8  : i32 {
      %mul3A_257 = arith.constant 16 : i32
      %mul3A_258 = arith.muli %scan3A_256, %mul3A_257 : i32
      %get3A_259 = arith.index_cast %mul3A_258 : i32 to index
      %get3A_260 = tpu.vector_load %arg12[%get3A_259] {strides = array<i32>} : memref<512xi32, #tpu.memory_space<vmem>>, vector<16xi32>,
      %mul3A_261 = arith.constant 16 : i32
      %mul3A_262 = arith.muli %scan3A_256, %mul3A_261 : i32
      %get3A_263 = arith.index_cast %mul3A_262 : i32 to index
      %get3A_264 = tpu.vector_load %arg13[%get3A_263] {strides = array<i32>} : memref<512xi32, #tpu.memory_space<vmem>>, vector<16xi32>,
      %mul3A_265 = arith.constant 16 : i32
      %mul3A_266 = arith.muli %scan3A_256, %mul3A_265 : i32
      %get3A_267 = arith.index_cast %mul3A_266 : i32 to index
      %get3A_268 = tpu.vector_load %arg14[%get3A_267] {strides = array<i32>} : memref<512xi32, #tpu.memory_space<vmem>>, vector<16xi32>,
      %mul3A_269 = arith.constant 8 : i32
      %mul3A_270 = arith.muli %scan3A_256, %mul3A_269 : i32
      %add3A_271 = arith.constant 0 : i32
      %add3A_272 = arith.addi %mul3A_270, %add3A_271 : i32
      %slice3A = vector.extract_strided_slice %get3A_260 {offsets = [0], sizes = [1], strides = [1]} : vector<16xi32> to vector<1xi32>
      %squeeze3A = vector.extract %slice3A[0] : i32 from vector<1xi32>
      %dma_start3A = arith.constant 0 : i32
      %dma_start3A_273 = tpu.memref_slice %arg16[%add3A_272, %dma_start3A] : memref<256x128xf32, #tpu.memory_space<vmem>> -> memref<1x64xf32, #tpu.memory_space<vmem>>
      %dma_start3A_274 = tpu.memref_squeeze %dma_start3A_273 : memref<1x64xf32, #tpu.memory_space<vmem>> -> memref<64xf32, #tpu.memory_space<vmem>>
      %dma_start3A_275 = arith.constant 0 : i32
      %dma_start3A_276 = tpu.memref_slice %arg2[%squeeze3A, %dma_start3A_275] : memref<1000000x64xf32, #tpu.memory_space<hbm>> -> memref<1x64xf32, #tpu.memory_space<hbm>>
      %dma_start3A_277 = tpu.memref_squeeze %dma_start3A_276 : memref<1x64xf32, #tpu.memory_space<hbm>> -> memref<64xf32, #tpu.memory_space<hbm>>
      %dma_start3A_278 = arith.constant 0 : i32
      %dma_start3A_279 = tpu.memref_slice %arg16[%add3A_272, %dma_start3A_278] : memref<256x128xf32, #tpu.memory_space<vmem>> -> memref<1x64xf32, #tpu.memory_space<vmem>>
      %dma_start3A_280 = tpu.memref_squeeze %dma_start3A_279 : memref<1x64xf32, #tpu.memory_space<vmem>> -> memref<64xf32, #tpu.memory_space<vmem>>
      %dma_start3A_281 = arith.constant 0 : i32
      %dma_start3A_282 = tpu.memref_slice %arg2[%squeeze3A, %dma_start3A_281] : memref<1000000x64xf32, #tpu.memory_space<hbm>> -> memref<1x64xf32, #tpu.memory_space<hbm>>
      %dma_start3A_283 = tpu.memref_squeeze %dma_start3A_282 : memref<1x64xf32, #tpu.memory_space<hbm>> -> memref<64xf32, #tpu.memory_space<hbm>>
      tpu.enqueue_dma source(%dma_start3A_283 : memref<64xf32, #tpu.memory_space<hbm>>) target(%dma_start3A_280 : memref<64xf32, #tpu.memory_space<vmem>>) target_semaphore(%arg21 : memref<!tpu.dma_semaphore, #tpu.memory_space<semaphore_mem>>)
      %slice3A_284 = vector.extract_strided_slice %get3A_264 {offsets = [0], sizes = [1], strides = [1]} : vector<16xi32> to vector<1xi32>
      %squeeze3A_285 = vector.extract %slice3A_284[0] : i32 from vector<1xi32>
      %dma_start3A_286 = arith.constant 0 : i32
      %dma_start3A_287 = tpu.memref_slice %arg17[%add3A_272, %dma_start3A_286] : memref<256x128xf32, #tpu.memory_space<vmem>> -> memref<1x64xf32, #tpu.memory_space<vmem>>
      %dma_start3A_288 = tpu.memref_squeeze %dma_start3A_287 : memref<1x64xf32, #tpu.memory_space<vmem>> -> memref<64xf32, #tpu.memory_space<vmem>>
      %dma_start3A_289 = arith.constant 0 : i32
      %dma_start3A_290 = tpu.memref_slice %arg2[%squeeze3A_285, %dma_start3A_289] : memref<1000000x64xf32, #tpu.memory_space<hbm>> -> memref<1x64xf32, #tpu.memory_space<hbm>>
      %dma_start3A_291 = tpu.memref_squeeze %dma_start3A_290 : memref<1x64xf32, #tpu.memory_space<hbm>> -> memref<64xf32, #tpu.memory_space<hbm>>
      %dma_start3A_292 = arith.constant 0 : i32
      %dma_start3A_293 = tpu.memref_slice %arg17[%add3A_272, %dma_start3A_292] : memref<256x128xf32, #tpu.memory_space<vmem>> -> memref<1x64xf32, #tpu.memory_space<vmem>>
      %dma_start3A_294 = tpu.memref_squeeze %dma_start3A_293 : memref<1x64xf32, #tpu.memory_space<vmem>> -> memref<64xf32, #tpu.memory_space<vmem>>
      %dma_start3A_295 = arith.constant 0 : i32
      %dma_start3A_296 = tpu.memref_slice %arg2[%squeeze3A_285, %dma_start3A_295] : memref<1000000x64xf32, #tpu.memory_space<hbm>> -> memref<1x64xf32, #tpu.memory_space<hbm>>
      %dma_start3A_297 = tpu.memref_squeeze %dma_start3A_296 : memref<1x64xf32, #tpu.memory_space<hbm>> -> memref<64xf32, #tpu.memory_space<hbm>>
      tpu.enqueue_dma source(%dma_start3A_297 : memref<64xf32, #tpu.memory_space<hbm>>) target(%dma_start3A_294 : memref<64xf32, #tpu.memory_space<vmem>>) target_semaphore(%arg22 : memref<!tpu.dma_semaphore, #tpu.memory_space<semaphore_mem>>)
      %slice3A_298 = vector.extract_strided_slice %get3A_268 {offsets = [0], sizes = [1], strides = [1]} : vector<16xi32> to vector<1xi32>
      %squeeze3A_299 = vector.extract %slice3A_298[0] : i32 from vector<1xi32>
      %dma_start3A_300 = arith.constant 0 : i32
      %dma_start3A_301 = tpu.memref_slice %arg18[%add3A_272, %dma_start3A_300] : memref<256x128xf32, #tpu.memory_space<vmem>> -> memref<1x64xf32, #tpu.memory_space<vmem>>
      %dma_start3A_302 = tpu.memref_squeeze %dma_start3A_301 : memref<1x64xf32, #tpu.memory_space<vmem>> -> memref<64xf32, #tpu.memory_space<vmem>>
      %dma_start3A_303 = arith.constant 0 : i32
      %dma_start3A_304 = tpu.memref_slice %arg3[%squeeze3A_299, %dma_start3A_303] : memref<1000x64xf32, #tpu.memory_space<hbm>> -> memref<1x64xf32, #tpu.memory_space<hbm>>
      %dma_start3A_305 = tpu.memref_squeeze %dma_start3A_304 : memref<1x64xf32, #tpu.memory_space<hbm>> -> memref<64xf32, #tpu.memory_space<hbm>>
      %dma_start3A_306 = arith.constant 0 : i32
      %dma_start3A_307 = tpu.memref_slice %arg18[%add3A_272, %dma_start3A_306] : memref<256x128xf32, #tpu.memory_space<vmem>> -> memref<1x64xf32, #tpu.memory_space<vmem>>
      %dma_start3A_308 = tpu.memref_squeeze %dma_start3A_307 : memref<1x64xf32, #tpu.memory_space<vmem>> -> memref<64xf32, #tpu.memory_space<vmem>>
      %dma_start3A_309 = arith.constant 0 : i32
      %dma_start3A_310 = tpu.memref_slice %arg3[%squeeze3A_299, %dma_start3A_309] : memref<1000x64xf32, #tpu.memory_space<hbm>> -> memref<1x64xf32, #tpu.memory_space<hbm>>
      %dma_start3A_311 = tpu.memref_squeeze %dma_start3A_310 : memref<1x64xf32, #tpu.memory_space<hbm>> -> memref<64xf32, #tpu.memory_space<hbm>>
      tpu.enqueue_dma source(%dma_start3A_311 : memref<64xf32, #tpu.memory_space<hbm>>) target(%dma_start3A_308 : memref<64xf32, #tpu.memory_space<vmem>>) target_semaphore(%arg23 : memref<!tpu.dma_semaphore, #tpu.memory_space<semaphore_mem>>)
      %mul3A_312 = arith.constant 8 : i32
      %mul3A_313 = arith.muli %scan3A_256, %mul3A_312 : i32
      %add3A_314 = arith.constant 0 : i32
      %add3A_315 = arith.addi %mul3A_313, %add3A_314 : i32
      %slice3A_316 = vector.extract_strided_slice %get3A_260 {offsets = [1], sizes = [1], strides = [1]} : vector<16xi32> to vector<1xi32>
      %squeeze3A_317 = vector.extract %slice3A_316[0] : i32 from vector<1xi32>
      %dma_start3A_318 = arith.constant 64 : i32
      %dma_start3A_319 = tpu.memref_slice %arg16[%add3A_315, %dma_start3A_318] : memref<256x128xf32, #tpu.memory_space<vmem>> -> memref<1x64xf32, #tpu.memory_space<vmem>>
      %dma_start3A_320 = tpu.memref_squeeze %dma_start3A_319 : memref<1x64xf32, #tpu.memory_space<vmem>> -> memref<64xf32, #tpu.memory_space<vmem>>
      %dma_start3A_321 = arith.constant 0 : i32
      %dma_start3A_322 = tpu.memref_slice %arg2[%squeeze3A_317, %dma_start3A_321] : memref<1000000x64xf32, #tpu.memory_space<hbm>> -> memref<1x64xf32, #tpu.memory_space<hbm>>
      %dma_start3A_323 = tpu.memref_squeeze %dma_start3A_322 : memref<1x64xf32, #tpu.memory_space<hbm>> -> memref<64xf32, #tpu.memory_space<hbm>>
      %dma_start3A_324 = arith.constant 64 : i32
      %dma_start3A_325 = tpu.memref_slice %arg16[%add3A_315, %dma_start3A_324] : memref<256x128xf32, #tpu.memory_space<vmem>> -> memref<1x64xf32, #tpu.memory_space<vmem>>
      %dma_start3A_326 = tpu.memref_squeeze %dma_start3A_325 : memref<1x64xf32, #tpu.memory_space<vmem>> -> memref<64xf32, #tpu.memory_space<vmem>>
      %dma_start3A_327 = arith.constant 0 : i32
      %dma_start3A_328 = tpu.memref_slice %arg2[%squeeze3A_317, %dma_start3A_327] : memref<1000000x64xf32, #tpu.memory_space<hbm>> -> memref<1x64xf32, #tpu.memory_space<hbm>>
      %dma_start3A_329 = tpu.memref_squeeze %dma_start3A_328 : memref<1x64xf32, #tpu.memory_space<hbm>> -> memref<64xf32, #tpu.memory_space<hbm>>
      tpu.enqueue_dma source(%dma_start3A_329 : memref<64xf32, #tpu.memory_space<hbm>>) target(%dma_start3A_326 : memref<64xf32, #tpu.memory_space<vmem>>) target_semaphore(%arg21 : memref<!tpu.dma_semaphore, #tpu.memory_space<semaphore_mem>>)
      %slice3A_330 = vector.extract_strided_slice %get3A_264 {offsets = [1], sizes = [1], strides = [1]} : vector<16xi32> to vector<1xi32>
      %squeeze3A_331 = vector.extract %slice3A_330[0] : i32 from vector<1xi32>
      %dma_start3A_332 = arith.constant 64 : i32
      %dma_start3A_333 = tpu.memref_slice %arg17[%add3A_315, %dma_start3A_332] : memref<256x128xf32, #tpu.memory_space<vmem>> -> memref<1x64xf32, #tpu.memory_space<vmem>>
      %dma_start3A_334 = tpu.memref_squeeze %dma_start3A_333 : memref<1x64xf32, #tpu.memory_space<vmem>> -> memref<64xf32, #tpu.memory_space<vmem>>
      %dma_start3A_335 = arith.constant 0 : i32
      %dma_start3A_336 = tpu.memref_slice %arg2[%squeeze3A_331, %dma_start3A_335] : memref<1000000x64xf32, #tpu.memory_space<hbm>> -> memref<1x64xf32, #tpu.memory_space<hbm>>
      %dma_start3A_337 = tpu.memref_squeeze %dma_start3A_336 : memref<1x64xf32, #tpu.memory_space<hbm>> -> memref<64xf32, #tpu.memory_space<hbm>>
      %dma_start3A_338 = arith.constant 64 : i32
      %dma_start3A_339 = tpu.memref_slice %arg17[%add3A_315, %dma_start3A_338] : memref<256x128xf32, #tpu.memory_space<vmem>> -> memref<1x64xf32, #tpu.memory_space<vmem>>
      %dma_start3A_340 = tpu.memref_squeeze %dma_start3A_339 : memref<1x64xf32, #tpu.memory_space<vmem>> -> memref<64xf32, #tpu.memory_space<vmem>>
      %dma_start3A_341 = arith.constant 0 : i32
      %dma_start3A_342 = tpu.memref_slice %arg2[%squeeze3A_331, %dma_start3A_341] : memref<1000000x64xf32, #tpu.memory_space<hbm>> -> memref<1x64xf32, #tpu.memory_space<hbm>>
      %dma_start3A_343 = tpu.memref_squeeze %dma_start3A_342 : memref<1x64xf32, #tpu.memory_space<hbm>> -> memref<64xf32, #tpu.memory_space<hbm>>
      tpu.enqueue_dma source(%dma_start3A_343 : memref<64xf32, #tpu.memory_space<hbm>>) target(%dma_start3A_340 : memref<64xf32, #tpu.memory_space<vmem>>) target_semaphore(%arg22 : memref<!tpu.dma_semaphore, #tpu.memory_space<semaphore_mem>>)
      %slice3A_344 = vector.extract_strided_slice %get3A_268 {offsets = [1], sizes = [1], strides = [1]} : vector<16xi32> to vector<1xi32>
      %squeeze3A_345 = vector.extract %slice3A_344[0] : i32 from vector<1xi32>
      %dma_start3A_346 = arith.constant 64 : i32
      %dma_start3A_347 = tpu.memref_slice %arg18[%add3A_315, %dma_start3A_346] : memref<256x128xf32, #tpu.memory_space<vmem>> -> memref<1x64xf32, #tpu.memory_space<vmem>>
      %dma_start3A_348 = tpu.memref_squeeze %dma_start3A_347 : memref<1x64xf32, #tpu.memory_space<vmem>> -> memref<64xf32, #tpu.memory_space<vmem>>
      %dma_start3A_349 = arith.constant 0 : i32
      %dma_start3A_350 = tpu.memref_slice %arg3[%squeeze3A_345, %dma_start3A_349] : memref<1000x64xf32, #tpu.memory_space<hbm>> -> memref<1x64xf32, #tpu.memory_space<hbm>>
      %dma_start3A_351 = tpu.memref_squeeze %dma_start3A_350 : memref<1x64xf32, #tpu.memory_space<hbm>> -> memref<64xf32, #tpu.memory_space<hbm>>
      %dma_start3A_352 = arith.constant 64 : i32
      %dma_start3A_353 = tpu.memref_slice %arg18[%add3A_315, %dma_start3A_352] : memref<256x128xf32, #tpu.memory_space<vmem>> -> memref<1x64xf32, #tpu.memory_space<vmem>>
      %dma_start3A_354 = tpu.memref_squeeze %dma_start3A_353 : memref<1x64xf32, #tpu.memory_space<vmem>> -> memref<64xf32, #tpu.memory_space<vmem>>
      %dma_start3A_355 = arith.constant 0 : i32
      %dma_start3A_356 = tpu.memref_slice %arg3[%squeeze3A_345, %dma_start3A_355] : memref<1000x64xf32, #tpu.memory_space<hbm>> -> memref<1x64xf32, #tpu.memory_space<hbm>>
      %dma_start3A_357 = tpu.memref_squeeze %dma_start3A_356 : memref<1x64xf32, #tpu.memory_space<hbm>> -> memref<64xf32, #tpu.memory_space<hbm>>
      tpu.enqueue_dma source(%dma_start3A_357 : memref<64xf32, #tpu.memory_space<hbm>>) target(%dma_start3A_354 : memref<64xf32, #tpu.memory_space<vmem>>) target_semaphore(%arg23 : memref<!tpu.dma_semaphore, #tpu.memory_space<semaphore_mem>>)
      %mul3A_358 = arith.constant 8 : i32
      %mul3A_359 = arith.muli %scan3A_256, %mul3A_358 : i32
      %add3A_360 = arith.constant 1 : i32
      %add3A_361 = arith.addi %mul3A_359, %add3A_360 : i32
      %slice3A_362 = vector.extract_strided_slice %get3A_260 {offsets = [2], sizes = [1], strides = [1]} : vector<16xi32> to vector<1xi32>
      %squeeze3A_363 = vector.extract %slice3A_362[0] : i32 from vector<1xi32>
      %dma_start3A_364 = arith.constant 0 : i32
      %dma_start3A_365 = tpu.memref_slice %arg16[%add3A_361, %dma_start3A_364] : memref<256x128xf32, #tpu.memory_space<vmem>> -> memref<1x64xf32, #tpu.memory_space<vmem>>
      %dma_start3A_366 = tpu.memref_squeeze %dma_start3A_365 : memref<1x64xf32, #tpu.memory_space<vmem>> -> memref<64xf32, #tpu.memory_space<vmem>>
      %dma_start3A_367 = arith.constant 0 : i32
      %dma_start3A_368 = tpu.memref_slice %arg2[%squeeze3A_363, %dma_start3A_367] : memref<1000000x64xf32, #tpu.memory_space<hbm>> -> memref<1x64xf32, #tpu.memory_space<hbm>>
      %dma_start3A_369 = tpu.memref_squeeze %dma_start3A_368 : memref<1x64xf32, #tpu.memory_space<hbm>> -> memref<64xf32, #tpu.memory_space<hbm>>
      %dma_start3A_370 = arith.constant 0 : i32
      %dma_start3A_371 = tpu.memref_slice %arg16[%add3A_361, %dma_start3A_370] : memref<256x128xf32, #tpu.memory_space<vmem>> -> memref<1x64xf32, #tpu.memory_space<vmem>>
      %dma_start3A_372 = tpu.memref_squeeze %dma_start3A_371 : memref<1x64xf32, #tpu.memory_space<vmem>> -> memref<64xf32, #tpu.memory_space<vmem>>
      %dma_start3A_373 = arith.constant 0 : i32
      %dma_start3A_374 = tpu.memref_slice %arg2[%squeeze3A_363, %dma_start3A_373] : memref<1000000x64xf32, #tpu.memory_space<hbm>> -> memref<1x64xf32, #tpu.memory_space<hbm>>
      %dma_start3A_375 = tpu.memref_squeeze %dma_start3A_374 : memref<1x64xf32, #tpu.memory_space<hbm>> -> memref<64xf32, #tpu.memory_space<hbm>>
      tpu.enqueue_dma source(%dma_start3A_375 : memref<64xf32, #tpu.memory_space<hbm>>) target(%dma_start3A_372 : memref<64xf32, #tpu.memory_space<vmem>>) target_semaphore(%arg21 : memref<!tpu.dma_semaphore, #tpu.memory_space<semaphore_mem>>)
      %slice3A_376 = vector.extract_strided_slice %get3A_264 {offsets = [2], sizes = [1], strides = [1]} : vector<16xi32> to vector<1xi32>
      %squeeze3A_377 = vector.extract %slice3A_376[0] : i32 from vector<1xi32>
      %dma_start3A_378 = arith.constant 0 : i32
      %dma_start3A_379 = tpu.memref_slice %arg17[%add3A_361, %dma_start3A_378] : memref<256x128xf32, #tpu.memory_space<vmem>> -> memref<1x64xf32, #tpu.memory_space<vmem>>
      %dma_start3A_380 = tpu.memref_squeeze %dma_start3A_379 : memref<1x64xf32, #tpu.memory_space<vmem>> -> memref<64xf32, #tpu.memory_space<vmem>>
      %dma_start3A_381 = arith.constant 0 : i32
      %dma_start3A_382 = tpu.memref_slice %arg2[%squeeze3A_377, %dma_start3A_381] : memref<1000000x64xf32, #tpu.memory_space<hbm>> -> memref<1x64xf32, #tpu.memory_space<hbm>>
      %dma_start3A_383 = tpu.memref_squeeze %dma_start3A_382 : memref<1x64xf32, #tpu.memory_space<hbm>> -> memref<64xf32, #tpu.memory_space<hbm>>
      %dma_start3A_384 = arith.constant 0 : i32
      %dma_start3A_385 = tpu.memref_slice %arg17[%add3A_361, %dma_start3A_384] : memref<256x128xf32, #tpu.memory_space<vmem>> -> memref<1x64xf32, #tpu.memory_space<vmem>>
      %dma_start3A_386 = tpu.memref_squeeze %dma_start3A_385 : memref<1x64xf32, #tpu.memory_space<vmem>> -> memref<64xf32, #tpu.memory_space<vmem>>
      %dma_start3A_387 = arith.constant 0 : i32
      %dma_start3A_388 = tpu.memref_slice %arg2[%squeeze3A_377, %dma_start3A_387] : memref<1000000x64xf32, #tpu.memory_space<hbm>> -> memref<1x64xf32, #tpu.memory_space<hbm>>
      %dma_start3A_389 = tpu.memref_squeeze %dma_start3A_388 : memref<1x64xf32, #tpu.memory_space<hbm>> -> memref<64xf32, #tpu.memory_space<hbm>>
      tpu.enqueue_dma source(%dma_start3A_389 : memref<64xf32, #tpu.memory_space<hbm>>) target(%dma_start3A_386 : memref<64xf32, #tpu.memory_space<vmem>>) target_semaphore(%arg22 : memref<!tpu.dma_semaphore, #tpu.memory_space<semaphore_mem>>)
      %slice3A_390 = vector.extract_strided_slice %get3A_268 {offsets = [2], sizes = [1], strides = [1]} : vector<16xi32> to vector<1xi32>
      %squeeze3A_391 = vector.extract %slice3A_390[0] : i32 from vector<1xi32>
      %dma_start3A_392 = arith.constant 0 : i32
      %dma_start3A_393 = tpu.memref_slice %arg18[%add3A_361, %dma_start3A_392] : memref<256x128xf32, #tpu.memory_space<vmem>> -> memref<1x64xf32, #tpu.memory_space<vmem>>
      %dma_start3A_394 = tpu.memref_squeeze %dma_start3A_393 : memref<1x64xf32, #tpu.memory_space<vmem>> -> memref<64xf32, #tpu.memory_space<vmem>>
      %dma_start3A_395 = arith.constant 0 : i32
      %dma_start3A_396 = tpu.memref_slice %arg3[%squeeze3A_391, %dma_start3A_395] : memref<1000x64xf32, #tpu.memory_space<hbm>> -> memref<1x64xf32, #tpu.memory_space<hbm>>
      %dma_start3A_397 = tpu.memref_squeeze %dma_start3A_396 : memref<1x64xf32, #tpu.memory_space<hbm>> -> memref<64xf32, #tpu.memory_space<hbm>>
      %dma_start3A_398 = arith.constant 0 : i32
      %dma_start3A_399 = tpu.memref_slice %arg18[%add3A_361, %dma_start3A_398] : memref<256x128xf32, #tpu.memory_space<vmem>> -> memref<1x64xf32, #tpu.memory_space<vmem>>
      %dma_start3A_400 = tpu.memref_squeeze %dma_start3A_399 : memref<1x64xf32, #tpu.memory_space<vmem>> -> memref<64xf32, #tpu.memory_space<vmem>>
      %dma_start3A_401 = arith.constant 0 : i32
      %dma_start3A_402 = tpu.memref_slice %arg3[%squeeze3A_391, %dma_start3A_401] : memref<1000x64xf32, #tpu.memory_space<hbm>> -> memref<1x64xf32, #tpu.memory_space<hbm>>
      %dma_start3A_403 = tpu.memref_squeeze %dma_start3A_402 : memref<1x64xf32, #tpu.memory_space<hbm>> -> memref<64xf32, #tpu.memory_space<hbm>>
      tpu.enqueue_dma source(%dma_start3A_403 : memref<64xf32, #tpu.memory_space<hbm>>) target(%dma_start3A_400 : memref<64xf32, #tpu.memory_space<vmem>>) target_semaphore(%arg23 : memref<!tpu.dma_semaphore, #tpu.memory_space<semaphore_mem>>)
      %mul3A_404 = arith.constant 8 : i32
      %mul3A_405 = arith.muli %scan3A_256, %mul3A_404 : i32
      %add3A_406 = arith.constant 1 : i32
      %add3A_407 = arith.addi %mul3A_405, %add3A_406 : i32
      %slice3A_408 = vector.extract_strided_slice %get3A_260 {offsets = [3], sizes = [1], strides = [1]} : vector<16xi32> to vector<1xi32>
      %squeeze3A_409 = vector.extract %slice3A_408[0] : i32 from vector<1xi32>
      %dma_start3A_410 = arith.constant 64 : i32
      %dma_start3A_411 = tpu.memref_slice %arg16[%add3A_407, %dma_start3A_410] : memref<256x128xf32, #tpu.memory_space<vmem>> -> memref<1x64xf32, #tpu.memory_space<vmem>>
      %dma_start3A_412 = tpu.memref_squeeze %dma_start3A_411 : memref<1x64xf32, #tpu.memory_space<vmem>> -> memref<64xf32, #tpu.memory_space<vmem>>
      %dma_start3A_413 = arith.constant 0 : i32
      %dma_start3A_414 = tpu.memref_slice %arg2[%squeeze3A_409, %dma_start3A_413] : memref<1000000x64xf32, #tpu.memory_space<hbm>> -> memref<1x64xf32, #tpu.memory_space<hbm>>
      %dma_start3A_415 = tpu.memref_squeeze %dma_start3A_414 : memref<1x64xf32, #tpu.memory_space<hbm>> -> memref<64xf32, #tpu.memory_space<hbm>>
      %dma_start3A_416 = arith.constant 64 : i32
      %dma_start3A_417 = tpu.memref_slice %arg16[%add3A_407, %dma_start3A_416] : memref<256x128xf32, #tpu.memory_space<vmem>> -> memref<1x64xf32, #tpu.memory_space<vmem>>
      %dma_start3A_418 = tpu.memref_squeeze %dma_start3A_417 : memref<1x64xf32, #tpu.memory_space<vmem>> -> memref<64xf32, #tpu.memory_space<vmem>>
      %dma_start3A_419 = arith.constant 0 : i32
      %dma_start3A_420 = tpu.memref_slice %arg2[%squeeze3A_409, %dma_start3A_419] : memref<1000000x64xf32, #tpu.memory_space<hbm>> -> memref<1x64xf32, #tpu.memory_space<hbm>>
      %dma_start3A_421 = tpu.memref_squeeze %dma_start3A_420 : memref<1x64xf32, #tpu.memory_space<hbm>> -> memref<64xf32, #tpu.memory_space<hbm>>
      tpu.enqueue_dma source(%dma_start3A_421 : memref<64xf32, #tpu.memory_space<hbm>>) target(%dma_start3A_418 : memref<64xf32, #tpu.memory_space<vmem>>) target_semaphore(%arg21 : memref<!tpu.dma_semaphore, #tpu.memory_space<semaphore_mem>>)
      %slice3A_422 = vector.extract_strided_slice %get3A_264 {offsets = [3], sizes = [1], strides = [1]} : vector<16xi32> to vector<1xi32>
      %squeeze3A_423 = vector.extract %slice3A_422[0] : i32 from vector<1xi32>
      %dma_start3A_424 = arith.constant 64 : i32
      %dma_start3A_425 = tpu.memref_slice %arg17[%add3A_407, %dma_start3A_424] : memref<256x128xf32, #tpu.memory_space<vmem>> -> memref<1x64xf32, #tpu.memory_space<vmem>>
      %dma_start3A_426 = tpu.memref_squeeze %dma_start3A_425 : memref<1x64xf32, #tpu.memory_space<vmem>> -> memref<64xf32, #tpu.memory_space<vmem>>
      %dma_start3A_427 = arith.constant 0 : i32
      %dma_start3A_428 = tpu.memref_slice %arg2[%squeeze3A_423, %dma_start3A_427] : memref<1000000x64xf32, #tpu.memory_space<hbm>> -> memref<1x64xf32, #tpu.memory_space<hbm>>
      %dma_start3A_429 = tpu.memref_squeeze %dma_start3A_428 : memref<1x64xf32, #tpu.memory_space<hbm>> -> memref<64xf32, #tpu.memory_space<hbm>>
      %dma_start3A_430 = arith.constant 64 : i32
      %dma_start3A_431 = tpu.memref_slice %arg17[%add3A_407, %dma_start3A_430] : memref<256x128xf32, #tpu.memory_space<vmem>> -> memref<1x64xf32, #tpu.memory_space<vmem>>
      %dma_start3A_432 = tpu.memref_squeeze %dma_start3A_431 : memref<1x64xf32, #tpu.memory_space<vmem>> -> memref<64xf32, #tpu.memory_space<vmem>>
      %dma_start3A_433 = arith.constant 0 : i32
      %dma_start3A_434 = tpu.memref_slice %arg2[%squeeze3A_423, %dma_start3A_433] : memref<1000000x64xf32, #tpu.memory_space<hbm>> -> memref<1x64xf32, #tpu.memory_space<hbm>>
      %dma_start3A_435 = tpu.memref_squeeze %dma_start3A_434 : memref<1x64xf32, #tpu.memory_space<hbm>> -> memref<64xf32, #tpu.memory_space<hbm>>
      tpu.enqueue_dma source(%dma_start3A_435 : memref<64xf32, #tpu.memory_space<hbm>>) target(%dma_start3A_432 : memref<64xf32, #tpu.memory_space<vmem>>) target_semaphore(%arg22 : memref<!tpu.dma_semaphore, #tpu.memory_space<semaphore_mem>>)
      %slice3A_436 = vector.extract_strided_slice %get3A_268 {offsets = [3], sizes = [1], strides = [1]} : vector<16xi32> to vector<1xi32>
      %squeeze3A_437 = vector.extract %slice3A_436[0] : i32 from vector<1xi32>
      %dma_start3A_438 = arith.constant 64 : i32
      %dma_start3A_439 = tpu.memref_slice %arg18[%add3A_407, %dma_start3A_438] : memref<256x128xf32, #tpu.memory_space<vmem>> -> memref<1x64xf32, #tpu.memory_space<vmem>>
      %dma_start3A_440 = tpu.memref_squeeze %dma_start3A_439 : memref<1x64xf32, #tpu.memory_space<vmem>> -> memref<64xf32, #tpu.memory_space<vmem>>
      %dma_start3A_441 = arith.constant 0 : i32
      %dma_start3A_442 = tpu.memref_slice %arg3[%squeeze3A_437, %dma_start3A_441] : memref<1000x64xf32, #tpu.memory_space<hbm>> -> memref<1x64xf32, #tpu.memory_space<hbm>>
      %dma_start3A_443 = tpu.memref_squeeze %dma_start3A_442 : memref<1x64xf32, #tpu.memory_space<hbm>> -> memref<64xf32, #tpu.memory_space<hbm>>
      %dma_start3A_444 = arith.constant 64 : i32
      %dma_start3A_445 = tpu.memref_slice %arg18[%add3A_407, %dma_start3A_444] : memref<256x128xf32, #tpu.memory_space<vmem>> -> memref<1x64xf32, #tpu.memory_space<vmem>>
      %dma_start3A_446 = tpu.memref_squeeze %dma_start3A_445 : memref<1x64xf32, #tpu.memory_space<vmem>> -> memref<64xf32, #tpu.memory_space<vmem>>
      %dma_start3A_447 = arith.constant 0 : i32
      %dma_start3A_448 = tpu.memref_slice %arg3[%squeeze3A_437, %dma_start3A_447] : memref<1000x64xf32, #tpu.memory_space<hbm>> -> memref<1x64xf32, #tpu.memory_space<hbm>>
      %dma_start3A_449 = tpu.memref_squeeze %dma_start3A_448 : memref<1x64xf32, #tpu.memory_space<hbm>> -> memref<64xf32, #tpu.memory_space<hbm>>
      tpu.enqueue_dma source(%dma_start3A_449 : memref<64xf32, #tpu.memory_space<hbm>>) target(%dma_start3A_446 : memref<64xf32, #tpu.memory_space<vmem>>) target_semaphore(%arg23 : memref<!tpu.dma_semaphore, #tpu.memory_space<semaphore_mem>>)
      %mul3A_450 = arith.constant 8 : i32
      %mul3A_451 = arith.muli %scan3A_256, %mul3A_450 : i32
      %add3A_452 = arith.constant 2 : i32
      %add3A_453 = arith.addi %mul3A_451, %add3A_452 : i32
      %slice3A_454 = vector.extract_strided_slice %get3A_260 {offsets = [4], sizes = [1], strides = [1]} : vector<16xi32> to vector<1xi32>
      %squeeze3A_455 = vector.extract %slice3A_454[0] : i32 from vector<1xi32>
      %dma_start3A_456 = arith.constant 0 : i32
      %dma_start3A_457 = tpu.memref_slice %arg16[%add3A_453, %dma_start3A_456] : memref<256x128xf32, #tpu.memory_space<vmem>> -> memref<1x64xf32, #tpu.memory_space<vmem>>
      %dma_start3A_458 = tpu.memref_squeeze %dma_start3A_457 : memref<1x64xf32, #tpu.memory_space<vmem>> -> memref<64xf32, #tpu.memory_space<vmem>>
      %dma_start3A_459 = arith.constant 0 : i32
      %dma_start3A_460 = tpu.memref_slice %arg2[%squeeze3A_455, %dma_start3A_459] : memref<1000000x64xf32, #tpu.memory_space<hbm>> -> memref<1x64xf32, #tpu.memory_space<hbm>>
      %dma_start3A_461 = tpu.memref_squeeze %dma_start3A_460 : memref<1x64xf32, #tpu.memory_space<hbm>> -> memref<64xf32, #tpu.memory_space<hbm>>
      %dma_start3A_462 = arith.constant 0 : i32
      %dma_start3A_463 = tpu.memref_slice %arg16[%add3A_453, %dma_start3A_462] : memref<256x128xf32, #tpu.memory_space<vmem>> -> memref<1x64xf32, #tpu.memory_space<vmem>>
      %dma_start3A_464 = tpu.memref_squeeze %dma_start3A_463 : memref<1x64xf32, #tpu.memory_space<vmem>> -> memref<64xf32, #tpu.memory_space<vmem>>
      %dma_start3A_465 = arith.constant 0 : i32
      %dma_start3A_466 = tpu.memref_slice %arg2[%squeeze3A_455, %dma_start3A_465] : memref<1000000x64xf32, #tpu.memory_space<hbm>> -> memref<1x64xf32, #tpu.memory_space<hbm>>
      %dma_start3A_467 = tpu.memref_squeeze %dma_start3A_466 : memref<1x64xf32, #tpu.memory_space<hbm>> -> memref<64xf32, #tpu.memory_space<hbm>>
      tpu.enqueue_dma source(%dma_start3A_467 : memref<64xf32, #tpu.memory_space<hbm>>) target(%dma_start3A_464 : memref<64xf32, #tpu.memory_space<vmem>>) target_semaphore(%arg21 : memref<!tpu.dma_semaphore, #tpu.memory_space<semaphore_mem>>)
      %slice3A_468 = vector.extract_strided_slice %get3A_264 {offsets = [4], sizes = [1], strides = [1]} : vector<16xi32> to vector<1xi32>
      %squeeze3A_469 = vector.extract %slice3A_468[0] : i32 from vector<1xi32>
      %dma_start3A_470 = arith.constant 0 : i32
      %dma_start3A_471 = tpu.memref_slice %arg17[%add3A_453, %dma_start3A_470] : memref<256x128xf32, #tpu.memory_space<vmem>> -> memref<1x64xf32, #tpu.memory_space<vmem>>
      %dma_start3A_472 = tpu.memref_squeeze %dma_start3A_471 : memref<1x64xf32, #tpu.memory_space<vmem>> -> memref<64xf32, #tpu.memory_space<vmem>>
      %dma_start3A_473 = arith.constant 0 : i32
      %dma_start3A_474 = tpu.memref_slice %arg2[%squeeze3A_469, %dma_start3A_473] : memref<1000000x64xf32, #tpu.memory_space<hbm>> -> memref<1x64xf32, #tpu.memory_space<hbm>>
      %dma_start3A_475 = tpu.memref_squeeze %dma_start3A_474 : memref<1x64xf32, #tpu.memory_space<hbm>> -> memref<64xf32, #tpu.memory_space<hbm>>
      %dma_start3A_476 = arith.constant 0 : i32
      %dma_start3A_477 = tpu.memref_slice %arg17[%add3A_453, %dma_start3A_476] : memref<256x128xf32, #tpu.memory_space<vmem>> -> memref<1x64xf32, #tpu.memory_space<vmem>>
      %dma_start3A_478 = tpu.memref_squeeze %dma_start3A_477 : memref<1x64xf32, #tpu.memory_space<vmem>> -> memref<64xf32, #tpu.memory_space<vmem>>
      %dma_start3A_479 = arith.constant 0 : i32
      %dma_start3A_480 = tpu.memref_slice %arg2[%squeeze3A_469, %dma_start3A_479] : memref<1000000x64xf32, #tpu.memory_space<hbm>> -> memref<1x64xf32, #tpu.memory_space<hbm>>
      %dma_start3A_481 = tpu.memref_squeeze %dma_start3A_480 : memref<1x64xf32, #tpu.memory_space<hbm>> -> memref<64xf32, #tpu.memory_space<hbm>>
      tpu.enqueue_dma source(%dma_start3A_481 : memref<64xf32, #tpu.memory_space<hbm>>) target(%dma_start3A_478 : memref<64xf32, #tpu.memory_space<vmem>>) target_semaphore(%arg22 : memref<!tpu.dma_semaphore, #tpu.memory_space<semaphore_mem>>)
      %slice3A_482 = vector.extract_strided_slice %get3A_268 {offsets = [4], sizes = [1], strides = [1]} : vector<16xi32> to vector<1xi32>
      %squeeze3A_483 = vector.extract %slice3A_482[0] : i32 from vector<1xi32>
      %dma_start3A_484 = arith.constant 0 : i32
      %dma_start3A_485 = tpu.memref_slice %arg18[%add3A_453, %dma_start3A_484] : memref<256x128xf32, #tpu.memory_space<vmem>> -> memref<1x64xf32, #tpu.memory_space<vmem>>
      %dma_start3A_486 = tpu.memref_squeeze %dma_start3A_485 : memref<1x64xf32, #tpu.memory_space<vmem>> -> memref<64xf32, #tpu.memory_space<vmem>>
      %dma_start3A_487 = arith.constant 0 : i32
      %dma_start3A_488 = tpu.memref_slice %arg3[%squeeze3A_483, %dma_start3A_487] : memref<1000x64xf32, #tpu.memory_space<hbm>> -> memref<1x64xf32, #tpu.memory_space<hbm>>
      %dma_start3A_489 = tpu.memref_squeeze %dma_start3A_488 : memref<1x64xf32, #tpu.memory_space<hbm>> -> memref<64xf32, #tpu.memory_space<hbm>>
      %dma_start3A_490 = arith.constant 0 : i32
      %dma_start3A_491 = tpu.memref_slice %arg18[%add3A_453, %dma_start3A_490] : memref<256x128xf32, #tpu.memory_space<vmem>> -> memref<1x64xf32, #tpu.memory_space<vmem>>
      %dma_start3A_492 = tpu.memref_squeeze %dma_start3A_491 : memref<1x64xf32, #tpu.memory_space<vmem>> -> memref<64xf32, #tpu.memory_space<vmem>>
      %dma_start3A_493 = arith.constant 0 : i32
      %dma_start3A_494 = tpu.memref_slice %arg3[%squeeze3A_483, %dma_start3A_493] : memref<1000x64xf32, #tpu.memory_space<hbm>> -> memref<1x64xf32, #tpu.memory_space<hbm>>
      %dma_start3A_495 = tpu.memref_squeeze %dma_start3A_494 : memref<1x64xf32, #tpu.memory_space<hbm>> -> memref<64xf32, #tpu.memory_space<hbm>>
      tpu.enqueue_dma source(%dma_start3A_495 : memref<64xf32, #tpu.memory_space<hbm>>) target(%dma_start3A_492 : memref<64xf32, #tpu.memory_space<vmem>>) target_semaphore(%arg23 : memref<!tpu.dma_semaphore, #tpu.memory_space<semaphore_mem>>)
      %mul3A_496 = arith.constant 8 : i32
      %mul3A_497 = arith.muli %scan3A_256, %mul3A_496 : i32
      %add3A_498 = arith.constant 2 : i32
      %add3A_499 = arith.addi %mul3A_497, %add3A_498 : i32
      %slice3A_500 = vector.extract_strided_slice %get3A_260 {offsets = [5], sizes = [1], strides = [1]} : vector<16xi32> to vector<1xi32>
      %squeeze3A_501 = vector.extract %slice3A_500[0] : i32 from vector<1xi32>
      %dma_start3A_502 = arith.constant 64 : i32
      %dma_start3A_503 = tpu.memref_slice %arg16[%add3A_499, %dma_start3A_502] : memref<256x128xf32, #tpu.memory_space<vmem>> -> memref<1x64xf32, #tpu.memory_space<vmem>>
      %dma_start3A_504 = tpu.memref_squeeze %dma_start3A_503 : memref<1x64xf32, #tpu.memory_space<vmem>> -> memref<64xf32, #tpu.memory_space<vmem>>
      %dma_start3A_505 = arith.constant 0 : i32
      %dma_start3A_506 = tpu.memref_slice %arg2[%squeeze3A_501, %dma_start3A_505] : memref<1000000x64xf32, #tpu.memory_space<hbm>> -> memref<1x64xf32, #tpu.memory_space<hbm>>
      %dma_start3A_507 = tpu.memref_squeeze %dma_start3A_506 : memref<1x64xf32, #tpu.memory_space<hbm>> -> memref<64xf32, #tpu.memory_space<hbm>>
      %dma_start3A_508 = arith.constant 64 : i32
      %dma_start3A_509 = tpu.memref_slice %arg16[%add3A_499, %dma_start3A_508] : memref<256x128xf32, #tpu.memory_space<vmem>> -> memref<1x64xf32, #tpu.memory_space<vmem>>
      %dma_start3A_510 = tpu.memref_squeeze %dma_start3A_509 : memref<1x64xf32, #tpu.memory_space<vmem>> -> memref<64xf32, #tpu.memory_space<vmem>>
      %dma_start3A_511 = arith.constant 0 : i32
      %dma_start3A_512 = tpu.memref_slice %arg2[%squeeze3A_501, %dma_start3A_511] : memref<1000000x64xf32, #tpu.memory_space<hbm>> -> memref<1x64xf32, #tpu.memory_space<hbm>>
      %dma_start3A_513 = tpu.memref_squeeze %dma_start3A_512 : memref<1x64xf32, #tpu.memory_space<hbm>> -> memref<64xf32, #tpu.memory_space<hbm>>
      tpu.enqueue_dma source(%dma_start3A_513 : memref<64xf32, #tpu.memory_space<hbm>>) target(%dma_start3A_510 : memref<64xf32, #tpu.memory_space<vmem>>) target_semaphore(%arg21 : memref<!tpu.dma_semaphore, #tpu.memory_space<semaphore_mem>>)
      %slice3A_514 = vector.extract_strided_slice %get3A_264 {offsets = [5], sizes = [1], strides = [1]} : vector<16xi32> to vector<1xi32>
      %squeeze3A_515 = vector.extract %slice3A_514[0] : i32 from vector<1xi32>
      %dma_start3A_516 = arith.constant 64 : i32
      %dma_start3A_517 = tpu.memref_slice %arg17[%add3A_499, %dma_start3A_516] : memref<256x128xf32, #tpu.memory_space<vmem>> -> memref<1x64xf32, #tpu.memory_space<vmem>>
      %dma_start3A_518 = tpu.memref_squeeze %dma_start3A_517 : memref<1x64xf32, #tpu.memory_space<vmem>> -> memref<64xf32, #tpu.memory_space<vmem>>
      %dma_start3A_519 = arith.constant 0 : i32
      %dma_start3A_520 = tpu.memref_slice %arg2[%squeeze3A_515, %dma_start3A_519] : memref<1000000x64xf32, #tpu.memory_space<hbm>> -> memref<1x64xf32, #tpu.memory_space<hbm>>
      %dma_start3A_521 = tpu.memref_squeeze %dma_start3A_520 : memref<1x64xf32, #tpu.memory_space<hbm>> -> memref<64xf32, #tpu.memory_space<hbm>>
      %dma_start3A_522 = arith.constant 64 : i32
      %dma_start3A_523 = tpu.memref_slice %arg17[%add3A_499, %dma_start3A_522] : memref<256x128xf32, #tpu.memory_space<vmem>> -> memref<1x64xf32, #tpu.memory_space<vmem>>
      %dma_start3A_524 = tpu.memref_squeeze %dma_start3A_523 : memref<1x64xf32, #tpu.memory_space<vmem>> -> memref<64xf32, #tpu.memory_space<vmem>>
      %dma_start3A_525 = arith.constant 0 : i32
      %dma_start3A_526 = tpu.memref_slice %arg2[%squeeze3A_515, %dma_start3A_525] : memref<1000000x64xf32, #tpu.memory_space<hbm>> -> memref<1x64xf32, #tpu.memory_space<hbm>>
      %dma_start3A_527 = tpu.memref_squeeze %dma_start3A_526 : memref<1x64xf32, #tpu.memory_space<hbm>> -> memref<64xf32, #tpu.memory_space<hbm>>
      tpu.enqueue_dma source(%dma_start3A_527 : memref<64xf32, #tpu.memory_space<hbm>>) target(%dma_start3A_524 : memref<64xf32, #tpu.memory_space<vmem>>) target_semaphore(%arg22 : memref<!tpu.dma_semaphore, #tpu.memory_space<semaphore_mem>>)
      %slice3A_528 = vector.extract_strided_slice %get3A_268 {offsets = [5], sizes = [1], strides = [1]} : vector<16xi32> to vector<1xi32>
      %squeeze3A_529 = vector.extract %slice3A_528[0] : i32 from vector<1xi32>
      %dma_start3A_530 = arith.constant 64 : i32
      %dma_start3A_531 = tpu.memref_slice %arg18[%add3A_499, %dma_start3A_530] : memref<256x128xf32, #tpu.memory_space<vmem>> -> memref<1x64xf32, #tpu.memory_space<vmem>>
      %dma_start3A_532 = tpu.memref_squeeze %dma_start3A_531 : memref<1x64xf32, #tpu.memory_space<vmem>> -> memref<64xf32, #tpu.memory_space<vmem>>
      %dma_start3A_533 = arith.constant 0 : i32
      %dma_start3A_534 = tpu.memref_slice %arg3[%squeeze3A_529, %dma_start3A_533] : memref<1000x64xf32, #tpu.memory_space<hbm>> -> memref<1x64xf32, #tpu.memory_space<hbm>>
      %dma_start3A_535 = tpu.memref_squeeze %dma_start3A_534 : memref<1x64xf32, #tpu.memory_space<hbm>> -> memref<64xf32, #tpu.memory_space<hbm>>
      %dma_start3A_536 = arith.constant 64 : i32
      %dma_start3A_537 = tpu.memref_slice %arg18[%add3A_499, %dma_start3A_536] : memref<256x128xf32, #tpu.memory_space<vmem>> -> memref<1x64xf32, #tpu.memory_space<vmem>>
      %dma_start3A_538 = tpu.memref_squeeze %dma_start3A_537 : memref<1x64xf32, #tpu.memory_space<vmem>> -> memref<64xf32, #tpu.memory_space<vmem>>
      %dma_start3A_539 = arith.constant 0 : i32
      %dma_start3A_540 = tpu.memref_slice %arg3[%squeeze3A_529, %dma_start3A_539] : memref<1000x64xf32, #tpu.memory_space<hbm>> -> memref<1x64xf32, #tpu.memory_space<hbm>>
      %dma_start3A_541 = tpu.memref_squeeze %dma_start3A_540 : memref<1x64xf32, #tpu.memory_space<hbm>> -> memref<64xf32, #tpu.memory_space<hbm>>
      tpu.enqueue_dma source(%dma_start3A_541 : memref<64xf32, #tpu.memory_space<hbm>>) target(%dma_start3A_538 : memref<64xf32, #tpu.memory_space<vmem>>) target_semaphore(%arg23 : memref<!tpu.dma_semaphore, #tpu.memory_space<semaphore_mem>>)
      %mul3A_542 = arith.constant 8 : i32
      %mul3A_543 = arith.muli %scan3A_256, %mul3A_542 : i32
      %add3A_544 = arith.constant 3 : i32
      %add3A_545 = arith.addi %mul3A_543, %add3A_544 : i32
      %slice3A_546 = vector.extract_strided_slice %get3A_260 {offsets = [6], sizes = [1], strides = [1]} : vector<16xi32> to vector<1xi32>
      %squeeze3A_547 = vector.extract %slice3A_546[0] : i32 from vector<1xi32>
      %dma_start3A_548 = arith.constant 0 : i32
      %dma_start3A_549 = tpu.memref_slice %arg16[%add3A_545, %dma_start3A_548] : memref<256x128xf32, #tpu.memory_space<vmem>> -> memref<1x64xf32, #tpu.memory_space<vmem>>
      %dma_start3A_550 = tpu.memref_squeeze %dma_start3A_549 : memref<1x64xf32, #tpu.memory_space<vmem>> -> memref<64xf32, #tpu.memory_space<vmem>>
      %dma_start3A_551 = arith.constant 0 : i32
      %dma_start3A_552 = tpu.memref_slice %arg2[%squeeze3A_547, %dma_start3A_551] : memref<1000000x64xf32, #tpu.memory_space<hbm>> -> memref<1x64xf32, #tpu.memory_space<hbm>>
      %dma_start3A_553 = tpu.memref_squeeze %dma_start3A_552 : memref<1x64xf32, #tpu.memory_space<hbm>> -> memref<64xf32, #tpu.memory_space<hbm>>
      %dma_start3A_554 = arith.constant 0 : i32
      %dma_start3A_555 = tpu.memref_slice %arg16[%add3A_545, %dma_start3A_554] : memref<256x128xf32, #tpu.memory_space<vmem>> -> memref<1x64xf32, #tpu.memory_space<vmem>>
      %dma_start3A_556 = tpu.memref_squeeze %dma_start3A_555 : memref<1x64xf32, #tpu.memory_space<vmem>> -> memref<64xf32, #tpu.memory_space<vmem>>
      %dma_start3A_557 = arith.constant 0 : i32
      %dma_start3A_558 = tpu.memref_slice %arg2[%squeeze3A_547, %dma_start3A_557] : memref<1000000x64xf32, #tpu.memory_space<hbm>> -> memref<1x64xf32, #tpu.memory_space<hbm>>
      %dma_start3A_559 = tpu.memref_squeeze %dma_start3A_558 : memref<1x64xf32, #tpu.memory_space<hbm>> -> memref<64xf32, #tpu.memory_space<hbm>>
      tpu.enqueue_dma source(%dma_start3A_559 : memref<64xf32, #tpu.memory_space<hbm>>) target(%dma_start3A_556 : memref<64xf32, #tpu.memory_space<vmem>>) target_semaphore(%arg21 : memref<!tpu.dma_semaphore, #tpu.memory_space<semaphore_mem>>)
      %slice3A_560 = vector.extract_strided_slice %get3A_264 {offsets = [6], sizes = [1], strides = [1]} : vector<16xi32> to vector<1xi32>
      %squeeze3A_561 = vector.extract %slice3A_560[0] : i32 from vector<1xi32>
      %dma_start3A_562 = arith.constant 0 : i32
      %dma_start3A_563 = tpu.memref_slice %arg17[%add3A_545, %dma_start3A_562] : memref<256x128xf32, #tpu.memory_space<vmem>> -> memref<1x64xf32, #tpu.memory_space<vmem>>
      %dma_start3A_564 = tpu.memref_squeeze %dma_start3A_563 : memref<1x64xf32, #tpu.memory_space<vmem>> -> memref<64xf32, #tpu.memory_space<vmem>>
      %dma_start3A_565 = arith.constant 0 : i32
      %dma_start3A_566 = tpu.memref_slice %arg2[%squeeze3A_561, %dma_start3A_565] : memref<1000000x64xf32, #tpu.memory_space<hbm>> -> memref<1x64xf32, #tpu.memory_space<hbm>>
      %dma_start3A_567 = tpu.memref_squeeze %dma_start3A_566 : memref<1x64xf32, #tpu.memory_space<hbm>> -> memref<64xf32, #tpu.memory_space<hbm>>
      %dma_start3A_568 = arith.constant 0 : i32
      %dma_start3A_569 = tpu.memref_slice %arg17[%add3A_545, %dma_start3A_568] : memref<256x128xf32, #tpu.memory_space<vmem>> -> memref<1x64xf32, #tpu.memory_space<vmem>>
      %dma_start3A_570 = tpu.memref_squeeze %dma_start3A_569 : memref<1x64xf32, #tpu.memory_space<vmem>> -> memref<64xf32, #tpu.memory_space<vmem>>
      %dma_start3A_571 = arith.constant 0 : i32
      %dma_start3A_572 = tpu.memref_slice %arg2[%squeeze3A_561, %dma_start3A_571] : memref<1000000x64xf32, #tpu.memory_space<hbm>> -> memref<1x64xf32, #tpu.memory_space<hbm>>
      %dma_start3A_573 = tpu.memref_squeeze %dma_start3A_572 : memref<1x64xf32, #tpu.memory_space<hbm>> -> memref<64xf32, #tpu.memory_space<hbm>>
      tpu.enqueue_dma source(%dma_start3A_573 : memref<64xf32, #tpu.memory_space<hbm>>) target(%dma_start3A_570 : memref<64xf32, #tpu.memory_space<vmem>>) target_semaphore(%arg22 : memref<!tpu.dma_semaphore, #tpu.memory_space<semaphore_mem>>)
      %slice3A_574 = vector.extract_strided_slice %get3A_268 {offsets = [6], sizes = [1], strides = [1]} : vector<16xi32> to vector<1xi32>
      %squeeze3A_575 = vector.extract %slice3A_574[0] : i32 from vector<1xi32>
      %dma_start3A_576 = arith.constant 0 : i32
      %dma_start3A_577 = tpu.memref_slice %arg18[%add3A_545, %dma_start3A_576] : memref<256x128xf32, #tpu.memory_space<vmem>> -> memref<1x64xf32, #tpu.memory_space<vmem>>
      %dma_start3A_578 = tpu.memref_squeeze %dma_start3A_577 : memref<1x64xf32, #tpu.memory_space<vmem>> -> memref<64xf32, #tpu.memory_space<vmem>>
      %dma_start3A_579 = arith.constant 0 : i32
      %dma_start3A_580 = tpu.memref_slice %arg3[%squeeze3A_575, %dma_start3A_579] : memref<1000x64xf32, #tpu.memory_space<hbm>> -> memref<1x64xf32, #tpu.memory_space<hbm>>
      %dma_start3A_581 = tpu.memref_squeeze %dma_start3A_580 : memref<1x64xf32, #tpu.memory_space<hbm>> -> memref<64xf32, #tpu.memory_space<hbm>>
      %dma_start3A_582 = arith.constant 0 : i32
      %dma_start3A_583 = tpu.memref_slice %arg18[%add3A_545, %dma_start3A_582] : memref<256x128xf32, #tpu.memory_space<vmem>> -> memref<1x64xf32, #tpu.memory_space<vmem>>
      %dma_start3A_584 = tpu.memref_squeeze %dma_start3A_583 : memref<1x64xf32, #tpu.memory_space<vmem>> -> memref<64xf32, #tpu.memory_space<vmem>>
      %dma_start3A_585 = arith.constant 0 : i32
      %dma_start3A_586 = tpu.memref_slice %arg3[%squeeze3A_575, %dma_start3A_585] : memref<1000x64xf32, #tpu.memory_space<hbm>> -> memref<1x64xf32, #tpu.memory_space<hbm>>
      %dma_start3A_587 = tpu.memref_squeeze %dma_start3A_586 : memref<1x64xf32, #tpu.memory_space<hbm>> -> memref<64xf32, #tpu.memory_space<hbm>>
      tpu.enqueue_dma source(%dma_start3A_587 : memref<64xf32, #tpu.memory_space<hbm>>) target(%dma_start3A_584 : memref<64xf32, #tpu.memory_space<vmem>>) target_semaphore(%arg23 : memref<!tpu.dma_semaphore, #tpu.memory_space<semaphore_mem>>)
      %mul3A_588 = arith.constant 8 : i32
      %mul3A_589 = arith.muli %scan3A_256, %mul3A_588 : i32
      %add3A_590 = arith.constant 3 : i32
      %add3A_591 = arith.addi %mul3A_589, %add3A_590 : i32
      %slice3A_592 = vector.extract_strided_slice %get3A_260 {offsets = [7], sizes = [1], strides = [1]} : vector<16xi32> to vector<1xi32>
      %squeeze3A_593 = vector.extract %slice3A_592[0] : i32 from vector<1xi32>
      %dma_start3A_594 = arith.constant 64 : i32
      %dma_start3A_595 = tpu.memref_slice %arg16[%add3A_591, %dma_start3A_594] : memref<256x128xf32, #tpu.memory_space<vmem>> -> memref<1x64xf32, #tpu.memory_space<vmem>>
      %dma_start3A_596 = tpu.memref_squeeze %dma_start3A_595 : memref<1x64xf32, #tpu.memory_space<vmem>> -> memref<64xf32, #tpu.memory_space<vmem>>
      %dma_start3A_597 = arith.constant 0 : i32
      %dma_start3A_598 = tpu.memref_slice %arg2[%squeeze3A_593, %dma_start3A_597] : memref<1000000x64xf32, #tpu.memory_space<hbm>> -> memref<1x64xf32, #tpu.memory_space<hbm>>
      %dma_start3A_599 = tpu.memref_squeeze %dma_start3A_598 : memref<1x64xf32, #tpu.memory_space<hbm>> -> memref<64xf32, #tpu.memory_space<hbm>>
      %dma_start3A_600 = arith.constant 64 : i32
      %dma_start3A_601 = tpu.memref_slice %arg16[%add3A_591, %dma_start3A_600] : memref<256x128xf32, #tpu.memory_space<vmem>> -> memref<1x64xf32, #tpu.memory_space<vmem>>
      %dma_start3A_602 = tpu.memref_squeeze %dma_start3A_601 : memref<1x64xf32, #tpu.memory_space<vmem>> -> memref<64xf32, #tpu.memory_space<vmem>>
      %dma_start3A_603 = arith.constant 0 : i32
      %dma_start3A_604 = tpu.memref_slice %arg2[%squeeze3A_593, %dma_start3A_603] : memref<1000000x64xf32, #tpu.memory_space<hbm>> -> memref<1x64xf32, #tpu.memory_space<hbm>>
      %dma_start3A_605 = tpu.memref_squeeze %dma_start3A_604 : memref<1x64xf32, #tpu.memory_space<hbm>> -> memref<64xf32, #tpu.memory_space<hbm>>
      tpu.enqueue_dma source(%dma_start3A_605 : memref<64xf32, #tpu.memory_space<hbm>>) target(%dma_start3A_602 : memref<64xf32, #tpu.memory_space<vmem>>) target_semaphore(%arg21 : memref<!tpu.dma_semaphore, #tpu.memory_space<semaphore_mem>>)
      %slice3A_606 = vector.extract_strided_slice %get3A_264 {offsets = [7], sizes = [1], strides = [1]} : vector<16xi32> to vector<1xi32>
      %squeeze3A_607 = vector.extract %slice3A_606[0] : i32 from vector<1xi32>
      %dma_start3A_608 = arith.constant 64 : i32
      %dma_start3A_609 = tpu.memref_slice %arg17[%add3A_591, %dma_start3A_608] : memref<256x128xf32, #tpu.memory_space<vmem>> -> memref<1x64xf32, #tpu.memory_space<vmem>>
      %dma_start3A_610 = tpu.memref_squeeze %dma_start3A_609 : memref<1x64xf32, #tpu.memory_space<vmem>> -> memref<64xf32, #tpu.memory_space<vmem>>
      %dma_start3A_611 = arith.constant 0 : i32
      %dma_start3A_612 = tpu.memref_slice %arg2[%squeeze3A_607, %dma_start3A_611] : memref<1000000x64xf32, #tpu.memory_space<hbm>> -> memref<1x64xf32, #tpu.memory_space<hbm>>
      %dma_start3A_613 = tpu.memref_squeeze %dma_start3A_612 : memref<1x64xf32, #tpu.memory_space<hbm>> -> memref<64xf32, #tpu.memory_space<hbm>>
      %dma_start3A_614 = arith.constant 64 : i32
      %dma_start3A_615 = tpu.memref_slice %arg17[%add3A_591, %dma_start3A_614] : memref<256x128xf32, #tpu.memory_space<vmem>> -> memref<1x64xf32, #tpu.memory_space<vmem>>
      %dma_start3A_616 = tpu.memref_squeeze %dma_start3A_615 : memref<1x64xf32, #tpu.memory_space<vmem>> -> memref<64xf32, #tpu.memory_space<vmem>>
      %dma_start3A_617 = arith.constant 0 : i32
      %dma_start3A_618 = tpu.memref_slice %arg2[%squeeze3A_607, %dma_start3A_617] : memref<1000000x64xf32, #tpu.memory_space<hbm>> -> memref<1x64xf32, #tpu.memory_space<hbm>>
      %dma_start3A_619 = tpu.memref_squeeze %dma_start3A_618 : memref<1x64xf32, #tpu.memory_space<hbm>> -> memref<64xf32, #tpu.memory_space<hbm>>
      tpu.enqueue_dma source(%dma_start3A_619 : memref<64xf32, #tpu.memory_space<hbm>>) target(%dma_start3A_616 : memref<64xf32, #tpu.memory_space<vmem>>) target_semaphore(%arg22 : memref<!tpu.dma_semaphore, #tpu.memory_space<semaphore_mem>>)
      %slice3A_620 = vector.extract_strided_slice %get3A_268 {offsets = [7], sizes = [1], strides = [1]} : vector<16xi32> to vector<1xi32>
      %squeeze3A_621 = vector.extract %slice3A_620[0] : i32 from vector<1xi32>
      %dma_start3A_622 = arith.constant 64 : i32
      %dma_start3A_623 = tpu.memref_slice %arg18[%add3A_591, %dma_start3A_622] : memref<256x128xf32, #tpu.memory_space<vmem>> -> memref<1x64xf32, #tpu.memory_space<vmem>>
      %dma_start3A_624 = tpu.memref_squeeze %dma_start3A_623 : memref<1x64xf32, #tpu.memory_space<vmem>> -> memref<64xf32, #tpu.memory_space<vmem>>
      %dma_start3A_625 = arith.constant 0 : i32
      %dma_start3A_626 = tpu.memref_slice %arg3[%squeeze3A_621, %dma_start3A_625] : memref<1000x64xf32, #tpu.memory_space<hbm>> -> memref<1x64xf32, #tpu.memory_space<hbm>>
      %dma_start3A_627 = tpu.memref_squeeze %dma_start3A_626 : memref<1x64xf32, #tpu.memory_space<hbm>> -> memref<64xf32, #tpu.memory_space<hbm>>
      %dma_start3A_628 = arith.constant 64 : i32
      %dma_start3A_629 = tpu.memref_slice %arg18[%add3A_591, %dma_start3A_628] : memref<256x128xf32, #tpu.memory_space<vmem>> -> memref<1x64xf32, #tpu.memory_space<vmem>>
      %dma_start3A_630 = tpu.memref_squeeze %dma_start3A_629 : memref<1x64xf32, #tpu.memory_space<vmem>> -> memref<64xf32, #tpu.memory_space<vmem>>
      %dma_start3A_631 = arith.constant 0 : i32
      %dma_start3A_632 = tpu.memref_slice %arg3[%squeeze3A_621, %dma_start3A_631] : memref<1000x64xf32, #tpu.memory_space<hbm>> -> memref<1x64xf32, #tpu.memory_space<hbm>>
      %dma_start3A_633 = tpu.memref_squeeze %dma_start3A_632 : memref<1x64xf32, #tpu.memory_space<hbm>> -> memref<64xf32, #tpu.memory_space<hbm>>
      tpu.enqueue_dma source(%dma_start3A_633 : memref<64xf32, #tpu.memory_space<hbm>>) target(%dma_start3A_630 : memref<64xf32, #tpu.memory_space<vmem>>) target_semaphore(%arg23 : memref<!tpu.dma_semaphore, #tpu.memory_space<semaphore_mem>>)
      %mul3A_634 = arith.constant 8 : i32
      %mul3A_635 = arith.muli %scan3A_256, %mul3A_634 : i32
      %add3A_636 = arith.constant 4 : i32
      %add3A_637 = arith.addi %mul3A_635, %add3A_636 : i32
      %slice3A_638 = vector.extract_strided_slice %get3A_260 {offsets = [8], sizes = [1], strides = [1]} : vector<16xi32> to vector<1xi32>
      %squeeze3A_639 = vector.extract %slice3A_638[0] : i32 from vector<1xi32>
      %dma_start3A_640 = arith.constant 0 : i32
      %dma_start3A_641 = tpu.memref_slice %arg16[%add3A_637, %dma_start3A_640] : memref<256x128xf32, #tpu.memory_space<vmem>> -> memref<1x64xf32, #tpu.memory_space<vmem>>
      %dma_start3A_642 = tpu.memref_squeeze %dma_start3A_641 : memref<1x64xf32, #tpu.memory_space<vmem>> -> memref<64xf32, #tpu.memory_space<vmem>>
      %dma_start3A_643 = arith.constant 0 : i32
      %dma_start3A_644 = tpu.memref_slice %arg2[%squeeze3A_639, %dma_start3A_643] : memref<1000000x64xf32, #tpu.memory_space<hbm>> -> memref<1x64xf32, #tpu.memory_space<hbm>>
      %dma_start3A_645 = tpu.memref_squeeze %dma_start3A_644 : memref<1x64xf32, #tpu.memory_space<hbm>> -> memref<64xf32, #tpu.memory_space<hbm>>
      %dma_start3A_646 = arith.constant 0 : i32
      %dma_start3A_647 = tpu.memref_slice %arg16[%add3A_637, %dma_start3A_646] : memref<256x128xf32, #tpu.memory_space<vmem>> -> memref<1x64xf32, #tpu.memory_space<vmem>>
      %dma_start3A_648 = tpu.memref_squeeze %dma_start3A_647 : memref<1x64xf32, #tpu.memory_space<vmem>> -> memref<64xf32, #tpu.memory_space<vmem>>
      %dma_start3A_649 = arith.constant 0 : i32
      %dma_start3A_650 = tpu.memref_slice %arg2[%squeeze3A_639, %dma_start3A_649] : memref<1000000x64xf32, #tpu.memory_space<hbm>> -> memref<1x64xf32, #tpu.memory_space<hbm>>
      %dma_start3A_651 = tpu.memref_squeeze %dma_start3A_650 : memref<1x64xf32, #tpu.memory_space<hbm>> -> memref<64xf32, #tpu.memory_space<hbm>>
      tpu.enqueue_dma source(%dma_start3A_651 : memref<64xf32, #tpu.memory_space<hbm>>) target(%dma_start3A_648 : memref<64xf32, #tpu.memory_space<vmem>>) target_semaphore(%arg21 : memref<!tpu.dma_semaphore, #tpu.memory_space<semaphore_mem>>)
      %slice3A_652 = vector.extract_strided_slice %get3A_264 {offsets = [8], sizes = [1], strides = [1]} : vector<16xi32> to vector<1xi32>
      %squeeze3A_653 = vector.extract %slice3A_652[0] : i32 from vector<1xi32>
      %dma_start3A_654 = arith.constant 0 : i32
      %dma_start3A_655 = tpu.memref_slice %arg17[%add3A_637, %dma_start3A_654] : memref<256x128xf32, #tpu.memory_space<vmem>> -> memref<1x64xf32, #tpu.memory_space<vmem>>
      %dma_start3A_656 = tpu.memref_squeeze %dma_start3A_655 : memref<1x64xf32, #tpu.memory_space<vmem>> -> memref<64xf32, #tpu.memory_space<vmem>>
      %dma_start3A_657 = arith.constant 0 : i32
      %dma_start3A_658 = tpu.memref_slice %arg2[%squeeze3A_653, %dma_start3A_657] : memref<1000000x64xf32, #tpu.memory_space<hbm>> -> memref<1x64xf32, #tpu.memory_space<hbm>>
      %dma_start3A_659 = tpu.memref_squeeze %dma_start3A_658 : memref<1x64xf32, #tpu.memory_space<hbm>> -> memref<64xf32, #tpu.memory_space<hbm>>
      %dma_start3A_660 = arith.constant 0 : i32
      %dma_start3A_661 = tpu.memref_slice %arg17[%add3A_637, %dma_start3A_660] : memref<256x128xf32, #tpu.memory_space<vmem>> -> memref<1x64xf32, #tpu.memory_space<vmem>>
      %dma_start3A_662 = tpu.memref_squeeze %dma_start3A_661 : memref<1x64xf32, #tpu.memory_space<vmem>> -> memref<64xf32, #tpu.memory_space<vmem>>
      %dma_start3A_663 = arith.constant 0 : i32
      %dma_start3A_664 = tpu.memref_slice %arg2[%squeeze3A_653, %dma_start3A_663] : memref<1000000x64xf32, #tpu.memory_space<hbm>> -> memref<1x64xf32, #tpu.memory_space<hbm>>
      %dma_start3A_665 = tpu.memref_squeeze %dma_start3A_664 : memref<1x64xf32, #tpu.memory_space<hbm>> -> memref<64xf32, #tpu.memory_space<hbm>>
      tpu.enqueue_dma source(%dma_start3A_665 : memref<64xf32, #tpu.memory_space<hbm>>) target(%dma_start3A_662 : memref<64xf32, #tpu.memory_space<vmem>>) target_semaphore(%arg22 : memref<!tpu.dma_semaphore, #tpu.memory_space<semaphore_mem>>)
      %slice3A_666 = vector.extract_strided_slice %get3A_268 {offsets = [8], sizes = [1], strides = [1]} : vector<16xi32> to vector<1xi32>
      %squeeze3A_667 = vector.extract %slice3A_666[0] : i32 from vector<1xi32>
      %dma_start3A_668 = arith.constant 0 : i32
      %dma_start3A_669 = tpu.memref_slice %arg18[%add3A_637, %dma_start3A_668] : memref<256x128xf32, #tpu.memory_space<vmem>> -> memref<1x64xf32, #tpu.memory_space<vmem>>
      %dma_start3A_670 = tpu.memref_squeeze %dma_start3A_669 : memref<1x64xf32, #tpu.memory_space<vmem>> -> memref<64xf32, #tpu.memory_space<vmem>>
      %dma_start3A_671 = arith.constant 0 : i32
      %dma_start3A_672 = tpu.memref_slice %arg3[%squeeze3A_667, %dma_start3A_671] : memref<1000x64xf32, #tpu.memory_space<hbm>> -> memref<1x64xf32, #tpu.memory_space<hbm>>
      %dma_start3A_673 = tpu.memref_squeeze %dma_start3A_672 : memref<1x64xf32, #tpu.memory_space<hbm>> -> memref<64xf32, #tpu.memory_space<hbm>>
      %dma_start3A_674 = arith.constant 0 : i32
      %dma_start3A_675 = tpu.memref_slice %arg18[%add3A_637, %dma_start3A_674] : memref<256x128xf32, #tpu.memory_space<vmem>> -> memref<1x64xf32, #tpu.memory_space<vmem>>
      %dma_start3A_676 = tpu.memref_squeeze %dma_start3A_675 : memref<1x64xf32, #tpu.memory_space<vmem>> -> memref<64xf32, #tpu.memory_space<vmem>>
      %dma_start3A_677 = arith.constant 0 : i32
      %dma_start3A_678 = tpu.memref_slice %arg3[%squeeze3A_667, %dma_start3A_677] : memref<1000x64xf32, #tpu.memory_space<hbm>> -> memref<1x64xf32, #tpu.memory_space<hbm>>
      %dma_start3A_679 = tpu.memref_squeeze %dma_start3A_678 : memref<1x64xf32, #tpu.memory_space<hbm>> -> memref<64xf32, #tpu.memory_space<hbm>>
      tpu.enqueue_dma source(%dma_start3A_679 : memref<64xf32, #tpu.memory_space<hbm>>) target(%dma_start3A_676 : memref<64xf32, #tpu.memory_space<vmem>>) target_semaphore(%arg23 : memref<!tpu.dma_semaphore, #tpu.memory_space<semaphore_mem>>)
      %mul3A_680 = arith.constant 8 : i32
      %mul3A_681 = arith.muli %scan3A_256, %mul3A_680 : i32
      %add3A_682 = arith.constant 4 : i32
      %add3A_683 = arith.addi %mul3A_681, %add3A_682 : i32
      %slice3A_684 = vector.extract_strided_slice %get3A_260 {offsets = [9], sizes = [1], strides = [1]} : vector<16xi32> to vector<1xi32>
      %squeeze3A_685 = vector.extract %slice3A_684[0] : i32 from vector<1xi32>
      %dma_start3A_686 = arith.constant 64 : i32
      %dma_start3A_687 = tpu.memref_slice %arg16[%add3A_683, %dma_start3A_686] : memref<256x128xf32, #tpu.memory_space<vmem>> -> memref<1x64xf32, #tpu.memory_space<vmem>>
      %dma_start3A_688 = tpu.memref_squeeze %dma_start3A_687 : memref<1x64xf32, #tpu.memory_space<vmem>> -> memref<64xf32, #tpu.memory_space<vmem>>
      %dma_start3A_689 = arith.constant 0 : i32
      %dma_start3A_690 = tpu.memref_slice %arg2[%squeeze3A_685, %dma_start3A_689] : memref<1000000x64xf32, #tpu.memory_space<hbm>> -> memref<1x64xf32, #tpu.memory_space<hbm>>
      %dma_start3A_691 = tpu.memref_squeeze %dma_start3A_690 : memref<1x64xf32, #tpu.memory_space<hbm>> -> memref<64xf32, #tpu.memory_space<hbm>>
      %dma_start3A_692 = arith.constant 64 : i32
      %dma_start3A_693 = tpu.memref_slice %arg16[%add3A_683, %dma_start3A_692] : memref<256x128xf32, #tpu.memory_space<vmem>> -> memref<1x64xf32, #tpu.memory_space<vmem>>
      %dma_start3A_694 = tpu.memref_squeeze %dma_start3A_693 : memref<1x64xf32, #tpu.memory_space<vmem>> -> memref<64xf32, #tpu.memory_space<vmem>>
      %dma_start3A_695 = arith.constant 0 : i32
      %dma_start3A_696 = tpu.memref_slice %arg2[%squeeze3A_685, %dma_start3A_695] : memref<1000000x64xf32, #tpu.memory_space<hbm>> -> memref<1x64xf32, #tpu.memory_space<hbm>>
      %dma_start3A_697 = tpu.memref_squeeze %dma_start3A_696 : memref<1x64xf32, #tpu.memory_space<hbm>> -> memref<64xf32, #tpu.memory_space<hbm>>
      tpu.enqueue_dma source(%dma_start3A_697 : memref<64xf32, #tpu.memory_space<hbm>>) target(%dma_start3A_694 : memref<64xf32, #tpu.memory_space<vmem>>) target_semaphore(%arg21 : memref<!tpu.dma_semaphore, #tpu.memory_space<semaphore_mem>>)
      %slice3A_698 = vector.extract_strided_slice %get3A_264 {offsets = [9], sizes = [1], strides = [1]} : vector<16xi32> to vector<1xi32>
      %squeeze3A_699 = vector.extract %slice3A_698[0] : i32 from vector<1xi32>
      %dma_start3A_700 = arith.constant 64 : i32
      %dma_start3A_701 = tpu.memref_slice %arg17[%add3A_683, %dma_start3A_700] : memref<256x128xf32, #tpu.memory_space<vmem>> -> memref<1x64xf32, #tpu.memory_space<vmem>>
      %dma_start3A_702 = tpu.memref_squeeze %dma_start3A_701 : memref<1x64xf32, #tpu.memory_space<vmem>> -> memref<64xf32, #tpu.memory_space<vmem>>
      %dma_start3A_703 = arith.constant 0 : i32
      %dma_start3A_704 = tpu.memref_slice %arg2[%squeeze3A_699, %dma_start3A_703] : memref<1000000x64xf32, #tpu.memory_space<hbm>> -> memref<1x64xf32, #tpu.memory_space<hbm>>
      %dma_start3A_705 = tpu.memref_squeeze %dma_start3A_704 : memref<1x64xf32, #tpu.memory_space<hbm>> -> memref<64xf32, #tpu.memory_space<hbm>>
      %dma_start3A_706 = arith.constant 64 : i32
      %dma_start3A_707 = tpu.memref_slice %arg17[%add3A_683, %dma_start3A_706] : memref<256x128xf32, #tpu.memory_space<vmem>> -> memref<1x64xf32, #tpu.memory_space<vmem>>
      %dma_start3A_708 = tpu.memref_squeeze %dma_start3A_707 : memref<1x64xf32, #tpu.memory_space<vmem>> -> memref<64xf32, #tpu.memory_space<vmem>>
      %dma_start3A_709 = arith.constant 0 : i32
      %dma_start3A_710 = tpu.memref_slice %arg2[%squeeze3A_699, %dma_start3A_709] : memref<1000000x64xf32, #tpu.memory_space<hbm>> -> memref<1x64xf32, #tpu.memory_space<hbm>>
      %dma_start3A_711 = tpu.memref_squeeze %dma_start3A_710 : memref<1x64xf32, #tpu.memory_space<hbm>> -> memref<64xf32, #tpu.memory_space<hbm>>
      tpu.enqueue_dma source(%dma_start3A_711 : memref<64xf32, #tpu.memory_space<hbm>>) target(%dma_start3A_708 : memref<64xf32, #tpu.memory_space<vmem>>) target_semaphore(%arg22 : memref<!tpu.dma_semaphore, #tpu.memory_space<semaphore_mem>>)
      %slice3A_712 = vector.extract_strided_slice %get3A_268 {offsets = [9], sizes = [1], strides = [1]} : vector<16xi32> to vector<1xi32>
      %squeeze3A_713 = vector.extract %slice3A_712[0] : i32 from vector<1xi32>
      %dma_start3A_714 = arith.constant 64 : i32
      %dma_start3A_715 = tpu.memref_slice %arg18[%add3A_683, %dma_start3A_714] : memref<256x128xf32, #tpu.memory_space<vmem>> -> memref<1x64xf32, #tpu.memory_space<vmem>>
      %dma_start3A_716 = tpu.memref_squeeze %dma_start3A_715 : memref<1x64xf32, #tpu.memory_space<vmem>> -> memref<64xf32, #tpu.memory_space<vmem>>
      %dma_start3A_717 = arith.constant 0 : i32
      %dma_start3A_718 = tpu.memref_slice %arg3[%squeeze3A_713, %dma_start3A_717] : memref<1000x64xf32, #tpu.memory_space<hbm>> -> memref<1x64xf32, #tpu.memory_space<hbm>>
      %dma_start3A_719 = tpu.memref_squeeze %dma_start3A_718 : memref<1x64xf32, #tpu.memory_space<hbm>> -> memref<64xf32, #tpu.memory_space<hbm>>
      %dma_start3A_720 = arith.constant 64 : i32
      %dma_start3A_721 = tpu.memref_slice %arg18[%add3A_683, %dma_start3A_720] : memref<256x128xf32, #tpu.memory_space<vmem>> -> memref<1x64xf32, #tpu.memory_space<vmem>>
      %dma_start3A_722 = tpu.memref_squeeze %dma_start3A_721 : memref<1x64xf32, #tpu.memory_space<vmem>> -> memref<64xf32, #tpu.memory_space<vmem>>
      %dma_start3A_723 = arith.constant 0 : i32
      %dma_start3A_724 = tpu.memref_slice %arg3[%squeeze3A_713, %dma_start3A_723] : memref<1000x64xf32, #tpu.memory_space<hbm>> -> memref<1x64xf32, #tpu.memory_space<hbm>>
      %dma_start3A_725 = tpu.memref_squeeze %dma_start3A_724 : memref<1x64xf32, #tpu.memory_space<hbm>> -> memref<64xf32, #tpu.memory_space<hbm>>
      tpu.enqueue_dma source(%dma_start3A_725 : memref<64xf32, #tpu.memory_space<hbm>>) target(%dma_start3A_722 : memref<64xf32, #tpu.memory_space<vmem>>) target_semaphore(%arg23 : memref<!tpu.dma_semaphore, #tpu.memory_space<semaphore_mem>>)
      %mul3A_726 = arith.constant 8 : i32
      %mul3A_727 = arith.muli %scan3A_256, %mul3A_726 : i32
      %add3A_728 = arith.constant 5 : i32
      %add3A_729 = arith.addi %mul3A_727, %add3A_728 : i32
      %slice3A_730 = vector.extract_strided_slice %get3A_260 {offsets = [10], sizes = [1], strides = [1]} : vector<16xi32> to vector<1xi32>
      %squeeze3A_731 = vector.extract %slice3A_730[0] : i32 from vector<1xi32>
      %dma_start3A_732 = arith.constant 0 : i32
      %dma_start3A_733 = tpu.memref_slice %arg16[%add3A_729, %dma_start3A_732] : memref<256x128xf32, #tpu.memory_space<vmem>> -> memref<1x64xf32, #tpu.memory_space<vmem>>
      %dma_start3A_734 = tpu.memref_squeeze %dma_start3A_733 : memref<1x64xf32, #tpu.memory_space<vmem>> -> memref<64xf32, #tpu.memory_space<vmem>>
      %dma_start3A_735 = arith.constant 0 : i32
      %dma_start3A_736 = tpu.memref_slice %arg2[%squeeze3A_731, %dma_start3A_735] : memref<1000000x64xf32, #tpu.memory_space<hbm>> -> memref<1x64xf32, #tpu.memory_space<hbm>>
      %dma_start3A_737 = tpu.memref_squeeze %dma_start3A_736 : memref<1x64xf32, #tpu.memory_space<hbm>> -> memref<64xf32, #tpu.memory_space<hbm>>
      %dma_start3A_738 = arith.constant 0 : i32
      %dma_start3A_739 = tpu.memref_slice %arg16[%add3A_729, %dma_start3A_738] : memref<256x128xf32, #tpu.memory_space<vmem>> -> memref<1x64xf32, #tpu.memory_space<vmem>>
      %dma_start3A_740 = tpu.memref_squeeze %dma_start3A_739 : memref<1x64xf32, #tpu.memory_space<vmem>> -> memref<64xf32, #tpu.memory_space<vmem>>
      %dma_start3A_741 = arith.constant 0 : i32
      %dma_start3A_742 = tpu.memref_slice %arg2[%squeeze3A_731, %dma_start3A_741] : memref<1000000x64xf32, #tpu.memory_space<hbm>> -> memref<1x64xf32, #tpu.memory_space<hbm>>
      %dma_start3A_743 = tpu.memref_squeeze %dma_start3A_742 : memref<1x64xf32, #tpu.memory_space<hbm>> -> memref<64xf32, #tpu.memory_space<hbm>>
      tpu.enqueue_dma source(%dma_start3A_743 : memref<64xf32, #tpu.memory_space<hbm>>) target(%dma_start3A_740 : memref<64xf32, #tpu.memory_space<vmem>>) target_semaphore(%arg21 : memref<!tpu.dma_semaphore, #tpu.memory_space<semaphore_mem>>)
      %slice3A_744 = vector.extract_strided_slice %get3A_264 {offsets = [10], sizes = [1], strides = [1]} : vector<16xi32> to vector<1xi32>
      %squeeze3A_745 = vector.extract %slice3A_744[0] : i32 from vector<1xi32>
      %dma_start3A_746 = arith.constant 0 : i32
      %dma_start3A_747 = tpu.memref_slice %arg17[%add3A_729, %dma_start3A_746] : memref<256x128xf32, #tpu.memory_space<vmem>> -> memref<1x64xf32, #tpu.memory_space<vmem>>
      %dma_start3A_748 = tpu.memref_squeeze %dma_start3A_747 : memref<1x64xf32, #tpu.memory_space<vmem>> -> memref<64xf32, #tpu.memory_space<vmem>>
      %dma_start3A_749 = arith.constant 0 : i32
      %dma_start3A_750 = tpu.memref_slice %arg2[%squeeze3A_745, %dma_start3A_749] : memref<1000000x64xf32, #tpu.memory_space<hbm>> -> memref<1x64xf32, #tpu.memory_space<hbm>>
      %dma_start3A_751 = tpu.memref_squeeze %dma_start3A_750 : memref<1x64xf32, #tpu.memory_space<hbm>> -> memref<64xf32, #tpu.memory_space<hbm>>
      %dma_start3A_752 = arith.constant 0 : i32
      %dma_start3A_753 = tpu.memref_slice %arg17[%add3A_729, %dma_start3A_752] : memref<256x128xf32, #tpu.memory_space<vmem>> -> memref<1x64xf32, #tpu.memory_space<vmem>>
      %dma_start3A_754 = tpu.memref_squeeze %dma_start3A_753 : memref<1x64xf32, #tpu.memory_space<vmem>> -> memref<64xf32, #tpu.memory_space<vmem>>
      %dma_start3A_755 = arith.constant 0 : i32
      %dma_start3A_756 = tpu.memref_slice %arg2[%squeeze3A_745, %dma_start3A_755] : memref<1000000x64xf32, #tpu.memory_space<hbm>> -> memref<1x64xf32, #tpu.memory_space<hbm>>
      %dma_start3A_757 = tpu.memref_squeeze %dma_start3A_756 : memref<1x64xf32, #tpu.memory_space<hbm>> -> memref<64xf32, #tpu.memory_space<hbm>>
      tpu.enqueue_dma source(%dma_start3A_757 : memref<64xf32, #tpu.memory_space<hbm>>) target(%dma_start3A_754 : memref<64xf32, #tpu.memory_space<vmem>>) target_semaphore(%arg22 : memref<!tpu.dma_semaphore, #tpu.memory_space<semaphore_mem>>)
      %slice3A_758 = vector.extract_strided_slice %get3A_268 {offsets = [10], sizes = [1], strides = [1]} : vector<16xi32> to vector<1xi32>
      %squeeze3A_759 = vector.extract %slice3A_758[0] : i32 from vector<1xi32>
      %dma_start3A_760 = arith.constant 0 : i32
      %dma_start3A_761 = tpu.memref_slice %arg18[%add3A_729, %dma_start3A_760] : memref<256x128xf32, #tpu.memory_space<vmem>> -> memref<1x64xf32, #tpu.memory_space<vmem>>
      %dma_start3A_762 = tpu.memref_squeeze %dma_start3A_761 : memref<1x64xf32, #tpu.memory_space<vmem>> -> memref<64xf32, #tpu.memory_space<vmem>>
      %dma_start3A_763 = arith.constant 0 : i32
      %dma_start3A_764 = tpu.memref_slice %arg3[%squeeze3A_759, %dma_start3A_763] : memref<1000x64xf32, #tpu.memory_space<hbm>> -> memref<1x64xf32, #tpu.memory_space<hbm>>
      %dma_start3A_765 = tpu.memref_squeeze %dma_start3A_764 : memref<1x64xf32, #tpu.memory_space<hbm>> -> memref<64xf32, #tpu.memory_space<hbm>>
      %dma_start3A_766 = arith.constant 0 : i32
      %dma_start3A_767 = tpu.memref_slice %arg18[%add3A_729, %dma_start3A_766] : memref<256x128xf32, #tpu.memory_space<vmem>> -> memref<1x64xf32, #tpu.memory_space<vmem>>
      %dma_start3A_768 = tpu.memref_squeeze %dma_start3A_767 : memref<1x64xf32, #tpu.memory_space<vmem>> -> memref<64xf32, #tpu.memory_space<vmem>>
      %dma_start3A_769 = arith.constant 0 : i32
      %dma_start3A_770 = tpu.memref_slice %arg3[%squeeze3A_759, %dma_start3A_769] : memref<1000x64xf32, #tpu.memory_space<hbm>> -> memref<1x64xf32, #tpu.memory_space<hbm>>
      %dma_start3A_771 = tpu.memref_squeeze %dma_start3A_770 : memref<1x64xf32, #tpu.memory_space<hbm>> -> memref<64xf32, #tpu.memory_space<hbm>>
      tpu.enqueue_dma source(%dma_start3A_771 : memref<64xf32, #tpu.memory_space<hbm>>) target(%dma_start3A_768 : memref<64xf32, #tpu.memory_space<vmem>>) target_semaphore(%arg23 : memref<!tpu.dma_semaphore, #tpu.memory_space<semaphore_mem>>)
      %mul3A_772 = arith.constant 8 : i32
      %mul3A_773 = arith.muli %scan3A_256, %mul3A_772 : i32
      %add3A_774 = arith.constant 5 : i32
      %add3A_775 = arith.addi %mul3A_773, %add3A_774 : i32
      %slice3A_776 = vector.extract_strided_slice %get3A_260 {offsets = [11], sizes = [1], strides = [1]} : vector<16xi32> to vector<1xi32>
      %squeeze3A_777 = vector.extract %slice3A_776[0] : i32 from vector<1xi32>
      %dma_start3A_778 = arith.constant 64 : i32
      %dma_start3A_779 = tpu.memref_slice %arg16[%add3A_775, %dma_start3A_778] : memref<256x128xf32, #tpu.memory_space<vmem>> -> memref<1x64xf32, #tpu.memory_space<vmem>>
      %dma_start3A_780 = tpu.memref_squeeze %dma_start3A_779 : memref<1x64xf32, #tpu.memory_space<vmem>> -> memref<64xf32, #tpu.memory_space<vmem>>
      %dma_start3A_781 = arith.constant 0 : i32
      %dma_start3A_782 = tpu.memref_slice %arg2[%squeeze3A_777, %dma_start3A_781] : memref<1000000x64xf32, #tpu.memory_space<hbm>> -> memref<1x64xf32, #tpu.memory_space<hbm>>
      %dma_start3A_783 = tpu.memref_squeeze %dma_start3A_782 : memref<1x64xf32, #tpu.memory_space<hbm>> -> memref<64xf32, #tpu.memory_space<hbm>>
      %dma_start3A_784 = arith.constant 64 : i32
      %dma_start3A_785 = tpu.memref_slice %arg16[%add3A_775, %dma_start3A_784] : memref<256x128xf32, #tpu.memory_space<vmem>> -> memref<1x64xf32, #tpu.memory_space<vmem>>
      %dma_start3A_786 = tpu.memref_squeeze %dma_start3A_785 : memref<1x64xf32, #tpu.memory_space<vmem>> -> memref<64xf32, #tpu.memory_space<vmem>>
      %dma_start3A_787 = arith.constant 0 : i32
      %dma_start3A_788 = tpu.memref_slice %arg2[%squeeze3A_777, %dma_start3A_787] : memref<1000000x64xf32, #tpu.memory_space<hbm>> -> memref<1x64xf32, #tpu.memory_space<hbm>>
      %dma_start3A_789 = tpu.memref_squeeze %dma_start3A_788 : memref<1x64xf32, #tpu.memory_space<hbm>> -> memref<64xf32, #tpu.memory_space<hbm>>
      tpu.enqueue_dma source(%dma_start3A_789 : memref<64xf32, #tpu.memory_space<hbm>>) target(%dma_start3A_786 : memref<64xf32, #tpu.memory_space<vmem>>) target_semaphore(%arg21 : memref<!tpu.dma_semaphore, #tpu.memory_space<semaphore_mem>>)
      %slice3A_790 = vector.extract_strided_slice %get3A_264 {offsets = [11], sizes = [1], strides = [1]} : vector<16xi32> to vector<1xi32>
      %squeeze3A_791 = vector.extract %slice3A_790[0] : i32 from vector<1xi32>
      %dma_start3A_792 = arith.constant 64 : i32
      %dma_start3A_793 = tpu.memref_slice %arg17[%add3A_775, %dma_start3A_792] : memref<256x128xf32, #tpu.memory_space<vmem>> -> memref<1x64xf32, #tpu.memory_space<vmem>>
      %dma_start3A_794 = tpu.memref_squeeze %dma_start3A_793 : memref<1x64xf32, #tpu.memory_space<vmem>> -> memref<64xf32, #tpu.memory_space<vmem>>
      %dma_start3A_795 = arith.constant 0 : i32
      %dma_start3A_796 = tpu.memref_slice %arg2[%squeeze3A_791, %dma_start3A_795] : memref<1000000x64xf32, #tpu.memory_space<hbm>> -> memref<1x64xf32, #tpu.memory_space<hbm>>
      %dma_start3A_797 = tpu.memref_squeeze %dma_start3A_796 : memref<1x64xf32, #tpu.memory_space<hbm>> -> memref<64xf32, #tpu.memory_space<hbm>>
      %dma_start3A_798 = arith.constant 64 : i32
      %dma_start3A_799 = tpu.memref_slice %arg17[%add3A_775, %dma_start3A_798] : memref<256x128xf32, #tpu.memory_space<vmem>> -> memref<1x64xf32, #tpu.memory_space<vmem>>
      %dma_start3A_800 = tpu.memref_squeeze %dma_start3A_799 : memref<1x64xf32, #tpu.memory_space<vmem>> -> memref<64xf32, #tpu.memory_space<vmem>>
      %dma_start3A_801 = arith.constant 0 : i32
      %dma_start3A_802 = tpu.memref_slice %arg2[%squeeze3A_791, %dma_start3A_801] : memref<1000000x64xf32, #tpu.memory_space<hbm>> -> memref<1x64xf32, #tpu.memory_space<hbm>>
      %dma_start3A_803 = tpu.memref_squeeze %dma_start3A_802 : memref<1x64xf32, #tpu.memory_space<hbm>> -> memref<64xf32, #tpu.memory_space<hbm>>
      tpu.enqueue_dma source(%dma_start3A_803 : memref<64xf32, #tpu.memory_space<hbm>>) target(%dma_start3A_800 : memref<64xf32, #tpu.memory_space<vmem>>) target_semaphore(%arg22 : memref<!tpu.dma_semaphore, #tpu.memory_space<semaphore_mem>>)
      %slice3A_804 = vector.extract_strided_slice %get3A_268 {offsets = [11], sizes = [1], strides = [1]} : vector<16xi32> to vector<1xi32>
      %squeeze3A_805 = vector.extract %slice3A_804[0] : i32 from vector<1xi32>
      %dma_start3A_806 = arith.constant 64 : i32
      %dma_start3A_807 = tpu.memref_slice %arg18[%add3A_775, %dma_start3A_806] : memref<256x128xf32, #tpu.memory_space<vmem>> -> memref<1x64xf32, #tpu.memory_space<vmem>>
      %dma_start3A_808 = tpu.memref_squeeze %dma_start3A_807 : memref<1x64xf32, #tpu.memory_space<vmem>> -> memref<64xf32, #tpu.memory_space<vmem>>
      %dma_start3A_809 = arith.constant 0 : i32
      %dma_start3A_810 = tpu.memref_slice %arg3[%squeeze3A_805, %dma_start3A_809] : memref<1000x64xf32, #tpu.memory_space<hbm>> -> memref<1x64xf32, #tpu.memory_space<hbm>>
      %dma_start3A_811 = tpu.memref_squeeze %dma_start3A_810 : memref<1x64xf32, #tpu.memory_space<hbm>> -> memref<64xf32, #tpu.memory_space<hbm>>
      %dma_start3A_812 = arith.constant 64 : i32
      %dma_start3A_813 = tpu.memref_slice %arg18[%add3A_775, %dma_start3A_812] : memref<256x128xf32, #tpu.memory_space<vmem>> -> memref<1x64xf32, #tpu.memory_space<vmem>>
      %dma_start3A_814 = tpu.memref_squeeze %dma_start3A_813 : memref<1x64xf32, #tpu.memory_space<vmem>> -> memref<64xf32, #tpu.memory_space<vmem>>
      %dma_start3A_815 = arith.constant 0 : i32
      %dma_start3A_816 = tpu.memref_slice %arg3[%squeeze3A_805, %dma_start3A_815] : memref<1000x64xf32, #tpu.memory_space<hbm>> -> memref<1x64xf32, #tpu.memory_space<hbm>>
      %dma_start3A_817 = tpu.memref_squeeze %dma_start3A_816 : memref<1x64xf32, #tpu.memory_space<hbm>> -> memref<64xf32, #tpu.memory_space<hbm>>
      tpu.enqueue_dma source(%dma_start3A_817 : memref<64xf32, #tpu.memory_space<hbm>>) target(%dma_start3A_814 : memref<64xf32, #tpu.memory_space<vmem>>) target_semaphore(%arg23 : memref<!tpu.dma_semaphore, #tpu.memory_space<semaphore_mem>>)
      %mul3A_818 = arith.constant 8 : i32
      %mul3A_819 = arith.muli %scan3A_256, %mul3A_818 : i32
      %add3A_820 = arith.constant 6 : i32
      %add3A_821 = arith.addi %mul3A_819, %add3A_820 : i32
      %slice3A_822 = vector.extract_strided_slice %get3A_260 {offsets = [12], sizes = [1], strides = [1]} : vector<16xi32> to vector<1xi32>
      %squeeze3A_823 = vector.extract %slice3A_822[0] : i32 from vector<1xi32>
      %dma_start3A_824 = arith.constant 0 : i32
      %dma_start3A_825 = tpu.memref_slice %arg16[%add3A_821, %dma_start3A_824] : memref<256x128xf32, #tpu.memory_space<vmem>> -> memref<1x64xf32, #tpu.memory_space<vmem>>
      %dma_start3A_826 = tpu.memref_squeeze %dma_start3A_825 : memref<1x64xf32, #tpu.memory_space<vmem>> -> memref<64xf32, #tpu.memory_space<vmem>>
      %dma_start3A_827 = arith.constant 0 : i32
      %dma_start3A_828 = tpu.memref_slice %arg2[%squeeze3A_823, %dma_start3A_827] : memref<1000000x64xf32, #tpu.memory_space<hbm>> -> memref<1x64xf32, #tpu.memory_space<hbm>>
      %dma_start3A_829 = tpu.memref_squeeze %dma_start3A_828 : memref<1x64xf32, #tpu.memory_space<hbm>> -> memref<64xf32, #tpu.memory_space<hbm>>
      %dma_start3A_830 = arith.constant 0 : i32
      %dma_start3A_831 = tpu.memref_slice %arg16[%add3A_821, %dma_start3A_830] : memref<256x128xf32, #tpu.memory_space<vmem>> -> memref<1x64xf32, #tpu.memory_space<vmem>>
      %dma_start3A_832 = tpu.memref_squeeze %dma_start3A_831 : memref<1x64xf32, #tpu.memory_space<vmem>> -> memref<64xf32, #tpu.memory_space<vmem>>
      %dma_start3A_833 = arith.constant 0 : i32
      %dma_start3A_834 = tpu.memref_slice %arg2[%squeeze3A_823, %dma_start3A_833] : memref<1000000x64xf32, #tpu.memory_space<hbm>> -> memref<1x64xf32, #tpu.memory_space<hbm>>
      %dma_start3A_835 = tpu.memref_squeeze %dma_start3A_834 : memref<1x64xf32, #tpu.memory_space<hbm>> -> memref<64xf32, #tpu.memory_space<hbm>>
      tpu.enqueue_dma source(%dma_start3A_835 : memref<64xf32, #tpu.memory_space<hbm>>) target(%dma_start3A_832 : memref<64xf32, #tpu.memory_space<vmem>>) target_semaphore(%arg21 : memref<!tpu.dma_semaphore, #tpu.memory_space<semaphore_mem>>)
      %slice3A_836 = vector.extract_strided_slice %get3A_264 {offsets = [12], sizes = [1], strides = [1]} : vector<16xi32> to vector<1xi32>
      %squeeze3A_837 = vector.extract %slice3A_836[0] : i32 from vector<1xi32>
      %dma_start3A_838 = arith.constant 0 : i32
      %dma_start3A_839 = tpu.memref_slice %arg17[%add3A_821, %dma_start3A_838] : memref<256x128xf32, #tpu.memory_space<vmem>> -> memref<1x64xf32, #tpu.memory_space<vmem>>
      %dma_start3A_840 = tpu.memref_squeeze %dma_start3A_839 : memref<1x64xf32, #tpu.memory_space<vmem>> -> memref<64xf32, #tpu.memory_space<vmem>>
      %dma_start3A_841 = arith.constant 0 : i32
      %dma_start3A_842 = tpu.memref_slice %arg2[%squeeze3A_837, %dma_start3A_841] : memref<1000000x64xf32, #tpu.memory_space<hbm>> -> memref<1x64xf32, #tpu.memory_space<hbm>>
      %dma_start3A_843 = tpu.memref_squeeze %dma_start3A_842 : memref<1x64xf32, #tpu.memory_space<hbm>> -> memref<64xf32, #tpu.memory_space<hbm>>
      %dma_start3A_844 = arith.constant 0 : i32
      %dma_start3A_845 = tpu.memref_slice %arg17[%add3A_821, %dma_start3A_844] : memref<256x128xf32, #tpu.memory_space<vmem>> -> memref<1x64xf32, #tpu.memory_space<vmem>>
      %dma_start3A_846 = tpu.memref_squeeze %dma_start3A_845 : memref<1x64xf32, #tpu.memory_space<vmem>> -> memref<64xf32, #tpu.memory_space<vmem>>
      %dma_start3A_847 = arith.constant 0 : i32
      %dma_start3A_848 = tpu.memref_slice %arg2[%squeeze3A_837, %dma_start3A_847] : memref<1000000x64xf32, #tpu.memory_space<hbm>> -> memref<1x64xf32, #tpu.memory_space<hbm>>
      %dma_start3A_849 = tpu.memref_squeeze %dma_start3A_848 : memref<1x64xf32, #tpu.memory_space<hbm>> -> memref<64xf32, #tpu.memory_space<hbm>>
      tpu.enqueue_dma source(%dma_start3A_849 : memref<64xf32, #tpu.memory_space<hbm>>) target(%dma_start3A_846 : memref<64xf32, #tpu.memory_space<vmem>>) target_semaphore(%arg22 : memref<!tpu.dma_semaphore, #tpu.memory_space<semaphore_mem>>)
      %slice3A_850 = vector.extract_strided_slice %get3A_268 {offsets = [12], sizes = [1], strides = [1]} : vector<16xi32> to vector<1xi32>
      %squeeze3A_851 = vector.extract %slice3A_850[0] : i32 from vector<1xi32>
      %dma_start3A_852 = arith.constant 0 : i32
      %dma_start3A_853 = tpu.memref_slice %arg18[%add3A_821, %dma_start3A_852] : memref<256x128xf32, #tpu.memory_space<vmem>> -> memref<1x64xf32, #tpu.memory_space<vmem>>
      %dma_start3A_854 = tpu.memref_squeeze %dma_start3A_853 : memref<1x64xf32, #tpu.memory_space<vmem>> -> memref<64xf32, #tpu.memory_space<vmem>>
      %dma_start3A_855 = arith.constant 0 : i32
      %dma_start3A_856 = tpu.memref_slice %arg3[%squeeze3A_851, %dma_start3A_855] : memref<1000x64xf32, #tpu.memory_space<hbm>> -> memref<1x64xf32, #tpu.memory_space<hbm>>
      %dma_start3A_857 = tpu.memref_squeeze %dma_start3A_856 : memref<1x64xf32, #tpu.memory_space<hbm>> -> memref<64xf32, #tpu.memory_space<hbm>>
      %dma_start3A_858 = arith.constant 0 : i32
      %dma_start3A_859 = tpu.memref_slice %arg18[%add3A_821, %dma_start3A_858] : memref<256x128xf32, #tpu.memory_space<vmem>> -> memref<1x64xf32, #tpu.memory_space<vmem>>
      %dma_start3A_860 = tpu.memref_squeeze %dma_start3A_859 : memref<1x64xf32, #tpu.memory_space<vmem>> -> memref<64xf32, #tpu.memory_space<vmem>>
      %dma_start3A_861 = arith.constant 0 : i32
      %dma_start3A_862 = tpu.memref_slice %arg3[%squeeze3A_851, %dma_start3A_861] : memref<1000x64xf32, #tpu.memory_space<hbm>> -> memref<1x64xf32, #tpu.memory_space<hbm>>
      %dma_start3A_863 = tpu.memref_squeeze %dma_start3A_862 : memref<1x64xf32, #tpu.memory_space<hbm>> -> memref<64xf32, #tpu.memory_space<hbm>>
      tpu.enqueue_dma source(%dma_start3A_863 : memref<64xf32, #tpu.memory_space<hbm>>) target(%dma_start3A_860 : memref<64xf32, #tpu.memory_space<vmem>>) target_semaphore(%arg23 : memref<!tpu.dma_semaphore, #tpu.memory_space<semaphore_mem>>)
      %mul3A_864 = arith.constant 8 : i32
      %mul3A_865 = arith.muli %scan3A_256, %mul3A_864 : i32
      %add3A_866 = arith.constant 6 : i32
      %add3A_867 = arith.addi %mul3A_865, %add3A_866 : i32
      %slice3A_868 = vector.extract_strided_slice %get3A_260 {offsets = [13], sizes = [1], strides = [1]} : vector<16xi32> to vector<1xi32>
      %squeeze3A_869 = vector.extract %slice3A_868[0] : i32 from vector<1xi32>
      %dma_start3A_870 = arith.constant 64 : i32
      %dma_start3A_871 = tpu.memref_slice %arg16[%add3A_867, %dma_start3A_870] : memref<256x128xf32, #tpu.memory_space<vmem>> -> memref<1x64xf32, #tpu.memory_space<vmem>>
      %dma_start3A_872 = tpu.memref_squeeze %dma_start3A_871 : memref<1x64xf32, #tpu.memory_space<vmem>> -> memref<64xf32, #tpu.memory_space<vmem>>
      %dma_start3A_873 = arith.constant 0 : i32
      %dma_start3A_874 = tpu.memref_slice %arg2[%squeeze3A_869, %dma_start3A_873] : memref<1000000x64xf32, #tpu.memory_space<hbm>> -> memref<1x64xf32, #tpu.memory_space<hbm>>
      %dma_start3A_875 = tpu.memref_squeeze %dma_start3A_874 : memref<1x64xf32, #tpu.memory_space<hbm>> -> memref<64xf32, #tpu.memory_space<hbm>>
      %dma_start3A_876 = arith.constant 64 : i32
      %dma_start3A_877 = tpu.memref_slice %arg16[%add3A_867, %dma_start3A_876] : memref<256x128xf32, #tpu.memory_space<vmem>> -> memref<1x64xf32, #tpu.memory_space<vmem>>
      %dma_start3A_878 = tpu.memref_squeeze %dma_start3A_877 : memref<1x64xf32, #tpu.memory_space<vmem>> -> memref<64xf32, #tpu.memory_space<vmem>>
      %dma_start3A_879 = arith.constant 0 : i32
      %dma_start3A_880 = tpu.memref_slice %arg2[%squeeze3A_869, %dma_start3A_879] : memref<1000000x64xf32, #tpu.memory_space<hbm>> -> memref<1x64xf32, #tpu.memory_space<hbm>>
      %dma_start3A_881 = tpu.memref_squeeze %dma_start3A_880 : memref<1x64xf32, #tpu.memory_space<hbm>> -> memref<64xf32, #tpu.memory_space<hbm>>
      tpu.enqueue_dma source(%dma_start3A_881 : memref<64xf32, #tpu.memory_space<hbm>>) target(%dma_start3A_878 : memref<64xf32, #tpu.memory_space<vmem>>) target_semaphore(%arg21 : memref<!tpu.dma_semaphore, #tpu.memory_space<semaphore_mem>>)
      %slice3A_882 = vector.extract_strided_slice %get3A_264 {offsets = [13], sizes = [1], strides = [1]} : vector<16xi32> to vector<1xi32>
      %squeeze3A_883 = vector.extract %slice3A_882[0] : i32 from vector<1xi32>
      %dma_start3A_884 = arith.constant 64 : i32
      %dma_start3A_885 = tpu.memref_slice %arg17[%add3A_867, %dma_start3A_884] : memref<256x128xf32, #tpu.memory_space<vmem>> -> memref<1x64xf32, #tpu.memory_space<vmem>>
      %dma_start3A_886 = tpu.memref_squeeze %dma_start3A_885 : memref<1x64xf32, #tpu.memory_space<vmem>> -> memref<64xf32, #tpu.memory_space<vmem>>
      %dma_start3A_887 = arith.constant 0 : i32
      %dma_start3A_888 = tpu.memref_slice %arg2[%squeeze3A_883, %dma_start3A_887] : memref<1000000x64xf32, #tpu.memory_space<hbm>> -> memref<1x64xf32, #tpu.memory_space<hbm>>
      %dma_start3A_889 = tpu.memref_squeeze %dma_start3A_888 : memref<1x64xf32, #tpu.memory_space<hbm>> -> memref<64xf32, #tpu.memory_space<hbm>>
      %dma_start3A_890 = arith.constant 64 : i32
      %dma_start3A_891 = tpu.memref_slice %arg17[%add3A_867, %dma_start3A_890] : memref<256x128xf32, #tpu.memory_space<vmem>> -> memref<1x64xf32, #tpu.memory_space<vmem>>
      %dma_start3A_892 = tpu.memref_squeeze %dma_start3A_891 : memref<1x64xf32, #tpu.memory_space<vmem>> -> memref<64xf32, #tpu.memory_space<vmem>>
      %dma_start3A_893 = arith.constant 0 : i32
      %dma_start3A_894 = tpu.memref_slice %arg2[%squeeze3A_883, %dma_start3A_893] : memref<1000000x64xf32, #tpu.memory_space<hbm>> -> memref<1x64xf32, #tpu.memory_space<hbm>>
      %dma_start3A_895 = tpu.memref_squeeze %dma_start3A_894 : memref<1x64xf32, #tpu.memory_space<hbm>> -> memref<64xf32, #tpu.memory_space<hbm>>
      tpu.enqueue_dma source(%dma_start3A_895 : memref<64xf32, #tpu.memory_space<hbm>>) target(%dma_start3A_892 : memref<64xf32, #tpu.memory_space<vmem>>) target_semaphore(%arg22 : memref<!tpu.dma_semaphore, #tpu.memory_space<semaphore_mem>>)
      %slice3A_896 = vector.extract_strided_slice %get3A_268 {offsets = [13], sizes = [1], strides = [1]} : vector<16xi32> to vector<1xi32>
      %squeeze3A_897 = vector.extract %slice3A_896[0] : i32 from vector<1xi32>
      %dma_start3A_898 = arith.constant 64 : i32
      %dma_start3A_899 = tpu.memref_slice %arg18[%add3A_867, %dma_start3A_898] : memref<256x128xf32, #tpu.memory_space<vmem>> -> memref<1x64xf32, #tpu.memory_space<vmem>>
      %dma_start3A_900 = tpu.memref_squeeze %dma_start3A_899 : memref<1x64xf32, #tpu.memory_space<vmem>> -> memref<64xf32, #tpu.memory_space<vmem>>
      %dma_start3A_901 = arith.constant 0 : i32
      %dma_start3A_902 = tpu.memref_slice %arg3[%squeeze3A_897, %dma_start3A_901] : memref<1000x64xf32, #tpu.memory_space<hbm>> -> memref<1x64xf32, #tpu.memory_space<hbm>>
      %dma_start3A_903 = tpu.memref_squeeze %dma_start3A_902 : memref<1x64xf32, #tpu.memory_space<hbm>> -> memref<64xf32, #tpu.memory_space<hbm>>
      %dma_start3A_904 = arith.constant 64 : i32
      %dma_start3A_905 = tpu.memref_slice %arg18[%add3A_867, %dma_start3A_904] : memref<256x128xf32, #tpu.memory_space<vmem>> -> memref<1x64xf32, #tpu.memory_space<vmem>>
      %dma_start3A_906 = tpu.memref_squeeze %dma_start3A_905 : memref<1x64xf32, #tpu.memory_space<vmem>> -> memref<64xf32, #tpu.memory_space<vmem>>
      %dma_start3A_907 = arith.constant 0 : i32
      %dma_start3A_908 = tpu.memref_slice %arg3[%squeeze3A_897, %dma_start3A_907] : memref<1000x64xf32, #tpu.memory_space<hbm>> -> memref<1x64xf32, #tpu.memory_space<hbm>>
      %dma_start3A_909 = tpu.memref_squeeze %dma_start3A_908 : memref<1x64xf32, #tpu.memory_space<hbm>> -> memref<64xf32, #tpu.memory_space<hbm>>
      tpu.enqueue_dma source(%dma_start3A_909 : memref<64xf32, #tpu.memory_space<hbm>>) target(%dma_start3A_906 : memref<64xf32, #tpu.memory_space<vmem>>) target_semaphore(%arg23 : memref<!tpu.dma_semaphore, #tpu.memory_space<semaphore_mem>>)
      %mul3A_910 = arith.constant 8 : i32
      %mul3A_911 = arith.muli %scan3A_256, %mul3A_910 : i32
      %add3A_912 = arith.constant 7 : i32
      %add3A_913 = arith.addi %mul3A_911, %add3A_912 : i32
      %slice3A_914 = vector.extract_strided_slice %get3A_260 {offsets = [14], sizes = [1], strides = [1]} : vector<16xi32> to vector<1xi32>
      %squeeze3A_915 = vector.extract %slice3A_914[0] : i32 from vector<1xi32>
      %dma_start3A_916 = arith.constant 0 : i32
      %dma_start3A_917 = tpu.memref_slice %arg16[%add3A_913, %dma_start3A_916] : memref<256x128xf32, #tpu.memory_space<vmem>> -> memref<1x64xf32, #tpu.memory_space<vmem>>
      %dma_start3A_918 = tpu.memref_squeeze %dma_start3A_917 : memref<1x64xf32, #tpu.memory_space<vmem>> -> memref<64xf32, #tpu.memory_space<vmem>>
      %dma_start3A_919 = arith.constant 0 : i32
      %dma_start3A_920 = tpu.memref_slice %arg2[%squeeze3A_915, %dma_start3A_919] : memref<1000000x64xf32, #tpu.memory_space<hbm>> -> memref<1x64xf32, #tpu.memory_space<hbm>>
      %dma_start3A_921 = tpu.memref_squeeze %dma_start3A_920 : memref<1x64xf32, #tpu.memory_space<hbm>> -> memref<64xf32, #tpu.memory_space<hbm>>
      %dma_start3A_922 = arith.constant 0 : i32
      %dma_start3A_923 = tpu.memref_slice %arg16[%add3A_913, %dma_start3A_922] : memref<256x128xf32, #tpu.memory_space<vmem>> -> memref<1x64xf32, #tpu.memory_space<vmem>>
      %dma_start3A_924 = tpu.memref_squeeze %dma_start3A_923 : memref<1x64xf32, #tpu.memory_space<vmem>> -> memref<64xf32, #tpu.memory_space<vmem>>
      %dma_start3A_925 = arith.constant 0 : i32
      %dma_start3A_926 = tpu.memref_slice %arg2[%squeeze3A_915, %dma_start3A_925] : memref<1000000x64xf32, #tpu.memory_space<hbm>> -> memref<1x64xf32, #tpu.memory_space<hbm>>
      %dma_start3A_927 = tpu.memref_squeeze %dma_start3A_926 : memref<1x64xf32, #tpu.memory_space<hbm>> -> memref<64xf32, #tpu.memory_space<hbm>>
      tpu.enqueue_dma source(%dma_start3A_927 : memref<64xf32, #tpu.memory_space<hbm>>) target(%dma_start3A_924 : memref<64xf32, #tpu.memory_space<vmem>>) target_semaphore(%arg21 : memref<!tpu.dma_semaphore, #tpu.memory_space<semaphore_mem>>)
      %slice3A_928 = vector.extract_strided_slice %get3A_264 {offsets = [14], sizes = [1], strides = [1]} : vector<16xi32> to vector<1xi32>
      %squeeze3A_929 = vector.extract %slice3A_928[0] : i32 from vector<1xi32>
      %dma_start3A_930 = arith.constant 0 : i32
      %dma_start3A_931 = tpu.memref_slice %arg17[%add3A_913, %dma_start3A_930] : memref<256x128xf32, #tpu.memory_space<vmem>> -> memref<1x64xf32, #tpu.memory_space<vmem>>
      %dma_start3A_932 = tpu.memref_squeeze %dma_start3A_931 : memref<1x64xf32, #tpu.memory_space<vmem>> -> memref<64xf32, #tpu.memory_space<vmem>>
      %dma_start3A_933 = arith.constant 0 : i32
      %dma_start3A_934 = tpu.memref_slice %arg2[%squeeze3A_929, %dma_start3A_933] : memref<1000000x64xf32, #tpu.memory_space<hbm>> -> memref<1x64xf32, #tpu.memory_space<hbm>>
      %dma_start3A_935 = tpu.memref_squeeze %dma_start3A_934 : memref<1x64xf32, #tpu.memory_space<hbm>> -> memref<64xf32, #tpu.memory_space<hbm>>
      %dma_start3A_936 = arith.constant 0 : i32
      %dma_start3A_937 = tpu.memref_slice %arg17[%add3A_913, %dma_start3A_936] : memref<256x128xf32, #tpu.memory_space<vmem>> -> memref<1x64xf32, #tpu.memory_space<vmem>>
      %dma_start3A_938 = tpu.memref_squeeze %dma_start3A_937 : memref<1x64xf32, #tpu.memory_space<vmem>> -> memref<64xf32, #tpu.memory_space<vmem>>
      %dma_start3A_939 = arith.constant 0 : i32
      %dma_start3A_940 = tpu.memref_slice %arg2[%squeeze3A_929, %dma_start3A_939] : memref<1000000x64xf32, #tpu.memory_space<hbm>> -> memref<1x64xf32, #tpu.memory_space<hbm>>
      %dma_start3A_941 = tpu.memref_squeeze %dma_start3A_940 : memref<1x64xf32, #tpu.memory_space<hbm>> -> memref<64xf32, #tpu.memory_space<hbm>>
      tpu.enqueue_dma source(%dma_start3A_941 : memref<64xf32, #tpu.memory_space<hbm>>) target(%dma_start3A_938 : memref<64xf32, #tpu.memory_space<vmem>>) target_semaphore(%arg22 : memref<!tpu.dma_semaphore, #tpu.memory_space<semaphore_mem>>)
      %slice3A_942 = vector.extract_strided_slice %get3A_268 {offsets = [14], sizes = [1], strides = [1]} : vector<16xi32> to vector<1xi32>
      %squeeze3A_943 = vector.extract %slice3A_942[0] : i32 from vector<1xi32>
      %dma_start3A_944 = arith.constant 0 : i32
      %dma_start3A_945 = tpu.memref_slice %arg18[%add3A_913, %dma_start3A_944] : memref<256x128xf32, #tpu.memory_space<vmem>> -> memref<1x64xf32, #tpu.memory_space<vmem>>
      %dma_start3A_946 = tpu.memref_squeeze %dma_start3A_945 : memref<1x64xf32, #tpu.memory_space<vmem>> -> memref<64xf32, #tpu.memory_space<vmem>>
      %dma_start3A_947 = arith.constant 0 : i32
      %dma_start3A_948 = tpu.memref_slice %arg3[%squeeze3A_943, %dma_start3A_947] : memref<1000x64xf32, #tpu.memory_space<hbm>> -> memref<1x64xf32, #tpu.memory_space<hbm>>
      %dma_start3A_949 = tpu.memref_squeeze %dma_start3A_948 : memref<1x64xf32, #tpu.memory_space<hbm>> -> memref<64xf32, #tpu.memory_space<hbm>>
      %dma_start3A_950 = arith.constant 0 : i32
      %dma_start3A_951 = tpu.memref_slice %arg18[%add3A_913, %dma_start3A_950] : memref<256x128xf32, #tpu.memory_space<vmem>> -> memref<1x64xf32, #tpu.memory_space<vmem>>
      %dma_start3A_952 = tpu.memref_squeeze %dma_start3A_951 : memref<1x64xf32, #tpu.memory_space<vmem>> -> memref<64xf32, #tpu.memory_space<vmem>>
      %dma_start3A_953 = arith.constant 0 : i32
      %dma_start3A_954 = tpu.memref_slice %arg3[%squeeze3A_943, %dma_start3A_953] : memref<1000x64xf32, #tpu.memory_space<hbm>> -> memref<1x64xf32, #tpu.memory_space<hbm>>
      %dma_start3A_955 = tpu.memref_squeeze %dma_start3A_954 : memref<1x64xf32, #tpu.memory_space<hbm>> -> memref<64xf32, #tpu.memory_space<hbm>>
      tpu.enqueue_dma source(%dma_start3A_955 : memref<64xf32, #tpu.memory_space<hbm>>) target(%dma_start3A_952 : memref<64xf32, #tpu.memory_space<vmem>>) target_semaphore(%arg23 : memref<!tpu.dma_semaphore, #tpu.memory_space<semaphore_mem>>)
      %mul3A_956 = arith.constant 8 : i32
      %mul3A_957 = arith.muli %scan3A_256, %mul3A_956 : i32
      %add3A_958 = arith.constant 7 : i32
      %add3A_959 = arith.addi %mul3A_957, %add3A_958 : i32
      %slice3A_960 = vector.extract_strided_slice %get3A_260 {offsets = [15], sizes = [1], strides = [1]} : vector<16xi32> to vector<1xi32>
      %squeeze3A_961 = vector.extract %slice3A_960[0] : i32 from vector<1xi32>
      %dma_start3A_962 = arith.constant 64 : i32
      %dma_start3A_963 = tpu.memref_slice %arg16[%add3A_959, %dma_start3A_962] : memref<256x128xf32, #tpu.memory_space<vmem>> -> memref<1x64xf32, #tpu.memory_space<vmem>>
      %dma_start3A_964 = tpu.memref_squeeze %dma_start3A_963 : memref<1x64xf32, #tpu.memory_space<vmem>> -> memref<64xf32, #tpu.memory_space<vmem>>
      %dma_start3A_965 = arith.constant 0 : i32
      %dma_start3A_966 = tpu.memref_slice %arg2[%squeeze3A_961, %dma_start3A_965] : memref<1000000x64xf32, #tpu.memory_space<hbm>> -> memref<1x64xf32, #tpu.memory_space<hbm>>
      %dma_start3A_967 = tpu.memref_squeeze %dma_start3A_966 : memref<1x64xf32, #tpu.memory_space<hbm>> -> memref<64xf32, #tpu.memory_space<hbm>>
      %dma_start3A_968 = arith.constant 64 : i32
      %dma_start3A_969 = tpu.memref_slice %arg16[%add3A_959, %dma_start3A_968] : memref<256x128xf32, #tpu.memory_space<vmem>> -> memref<1x64xf32, #tpu.memory_space<vmem>>
      %dma_start3A_970 = tpu.memref_squeeze %dma_start3A_969 : memref<1x64xf32, #tpu.memory_space<vmem>> -> memref<64xf32, #tpu.memory_space<vmem>>
      %dma_start3A_971 = arith.constant 0 : i32
      %dma_start3A_972 = tpu.memref_slice %arg2[%squeeze3A_961, %dma_start3A_971] : memref<1000000x64xf32, #tpu.memory_space<hbm>> -> memref<1x64xf32, #tpu.memory_space<hbm>>
      %dma_start3A_973 = tpu.memref_squeeze %dma_start3A_972 : memref<1x64xf32, #tpu.memory_space<hbm>> -> memref<64xf32, #tpu.memory_space<hbm>>
      tpu.enqueue_dma source(%dma_start3A_973 : memref<64xf32, #tpu.memory_space<hbm>>) target(%dma_start3A_970 : memref<64xf32, #tpu.memory_space<vmem>>) target_semaphore(%arg21 : memref<!tpu.dma_semaphore, #tpu.memory_space<semaphore_mem>>)
      %slice3A_974 = vector.extract_strided_slice %get3A_264 {offsets = [15], sizes = [1], strides = [1]} : vector<16xi32> to vector<1xi32>
      %squeeze3A_975 = vector.extract %slice3A_974[0] : i32 from vector<1xi32>
      %dma_start3A_976 = arith.constant 64 : i32
      %dma_start3A_977 = tpu.memref_slice %arg17[%add3A_959, %dma_start3A_976] : memref<256x128xf32, #tpu.memory_space<vmem>> -> memref<1x64xf32, #tpu.memory_space<vmem>>
      %dma_start3A_978 = tpu.memref_squeeze %dma_start3A_977 : memref<1x64xf32, #tpu.memory_space<vmem>> -> memref<64xf32, #tpu.memory_space<vmem>>
      %dma_start3A_979 = arith.constant 0 : i32
      %dma_start3A_980 = tpu.memref_slice %arg2[%squeeze3A_975, %dma_start3A_979] : memref<1000000x64xf32, #tpu.memory_space<hbm>> -> memref<1x64xf32, #tpu.memory_space<hbm>>
      %dma_start3A_981 = tpu.memref_squeeze %dma_start3A_980 : memref<1x64xf32, #tpu.memory_space<hbm>> -> memref<64xf32, #tpu.memory_space<hbm>>
      %dma_start3A_982 = arith.constant 64 : i32
      %dma_start3A_983 = tpu.memref_slice %arg17[%add3A_959, %dma_start3A_982] : memref<256x128xf32, #tpu.memory_space<vmem>> -> memref<1x64xf32, #tpu.memory_space<vmem>>
      %dma_start3A_984 = tpu.memref_squeeze %dma_start3A_983 : memref<1x64xf32, #tpu.memory_space<vmem>> -> memref<64xf32, #tpu.memory_space<vmem>>
      %dma_start3A_985 = arith.constant 0 : i32
      %dma_start3A_986 = tpu.memref_slice %arg2[%squeeze3A_975, %dma_start3A_985] : memref<1000000x64xf32, #tpu.memory_space<hbm>> -> memref<1x64xf32, #tpu.memory_space<hbm>>
      %dma_start3A_987 = tpu.memref_squeeze %dma_start3A_986 : memref<1x64xf32, #tpu.memory_space<hbm>> -> memref<64xf32, #tpu.memory_space<hbm>>
      tpu.enqueue_dma source(%dma_start3A_987 : memref<64xf32, #tpu.memory_space<hbm>>) target(%dma_start3A_984 : memref<64xf32, #tpu.memory_space<vmem>>) target_semaphore(%arg22 : memref<!tpu.dma_semaphore, #tpu.memory_space<semaphore_mem>>)
      %slice3A_988 = vector.extract_strided_slice %get3A_268 {offsets = [15], sizes = [1], strides = [1]} : vector<16xi32> to vector<1xi32>
      %squeeze3A_989 = vector.extract %slice3A_988[0] : i32 from vector<1xi32>
      %dma_start3A_990 = arith.constant 64 : i32
      %dma_start3A_991 = tpu.memref_slice %arg18[%add3A_959, %dma_start3A_990] : memref<256x128xf32, #tpu.memory_space<vmem>> -> memref<1x64xf32, #tpu.memory_space<vmem>>
      %dma_start3A_992 = tpu.memref_squeeze %dma_start3A_991 : memref<1x64xf32, #tpu.memory_space<vmem>> -> memref<64xf32, #tpu.memory_space<vmem>>
      %dma_start3A_993 = arith.constant 0 : i32
      %dma_start3A_994 = tpu.memref_slice %arg3[%squeeze3A_989, %dma_start3A_993] : memref<1000x64xf32, #tpu.memory_space<hbm>> -> memref<1x64xf32, #tpu.memory_space<hbm>>
      %dma_start3A_995 = tpu.memref_squeeze %dma_start3A_994 : memref<1x64xf32, #tpu.memory_space<hbm>> -> memref<64xf32, #tpu.memory_space<hbm>>
      %dma_start3A_996 = arith.constant 64 : i32
      %dma_start3A_997 = tpu.memref_slice %arg18[%add3A_959, %dma_start3A_996] : memref<256x128xf32, #tpu.memory_space<vmem>> -> memref<1x64xf32, #tpu.memory_space<vmem>>
      %dma_start3A_998 = tpu.memref_squeeze %dma_start3A_997 : memref<1x64xf32, #tpu.memory_space<vmem>> -> memref<64xf32, #tpu.memory_space<vmem>>
      %dma_start3A_999 = arith.constant 0 : i32
      %dma_start3A_1000 = tpu.memref_slice %arg3[%squeeze3A_989, %dma_start3A_999] : memref<1000x64xf32, #tpu.memory_space<hbm>> -> memref<1x64xf32, #tpu.memory_space<hbm>>
      %dma_start3A_1001 = tpu.memref_squeeze %dma_start3A_1000 : memref<1x64xf32, #tpu.memory_space<hbm>> -> memref<64xf32, #tpu.memory_space<hbm>>
      tpu.enqueue_dma source(%dma_start3A_1001 : memref<64xf32, #tpu.memory_space<hbm>>) target(%dma_start3A_998 : memref<64xf32, #tpu.memory_space<vmem>>) target_semaphore(%arg23 : memref<!tpu.dma_semaphore, #tpu.memory_space<semaphore_mem>>)
    }
    %scan3A_9 = arith.constant 32 : i32
    %get3A = arith.constant 0 : index
    %get3A_10 = tpu.vector_load %arg15[%get3A] {strides = array<i32>} : memref<512xi32, #tpu.memory_space<vmem>>, vector<16xi32>,
    %gather3A = tpu.vector_load_idx %arg19[%get3A_10] : memref<1008xf32, #tpu.memory_space<vmem>>[vector<16xi32>], vector<16xf32>,
    %swap3A = arith.constant 0 : i32
    %swap3A_11 = arith.index_cast %swap3A : i32 to index
    %swap3A_12 = arith.constant 0 : index
    %swap3A_13 = tpu.vector_load %arg20[%swap3A_11, %swap3A_12] {strides = array<i32>} : memref<4x128xf32, #tpu.memory_space<vmem>>, vector<16xf32>,
    tpu.vector_store %arg20[%swap3A_11, %swap3A_12], %gather3A {strides = array<i32>} : memref<4x128xf32, #tpu.memory_space<vmem>>, vector<16xf32>,
    %get3A_14 = arith.constant 16 : index
    %get3A_15 = tpu.vector_load %arg15[%get3A_14] {strides = array<i32>} : memref<512xi32, #tpu.memory_space<vmem>>, vector<16xi32>,
    %gather3A_16 = tpu.vector_load_idx %arg19[%get3A_15] : memref<1008xf32, #tpu.memory_space<vmem>>[vector<16xi32>], vector<16xf32>,
    %swap3A_17 = arith.constant 0 : i32
    %swap3A_18 = arith.index_cast %swap3A_17 : i32 to index
    %swap3A_19 = arith.constant 16 : index
    %swap3A_20 = tpu.vector_load %arg20[%swap3A_18, %swap3A_19] {strides = array<i32>} : memref<4x128xf32, #tpu.memory_space<vmem>>, vector<16xf32>,
    tpu.vector_store %arg20[%swap3A_18, %swap3A_19], %gather3A_16 {strides = array<i32>} : memref<4x128xf32, #tpu.memory_space<vmem>>, vector<16xf32>,
    %get3A_21 = arith.constant 32 : index
    %get3A_22 = tpu.vector_load %arg15[%get3A_21] {strides = array<i32>} : memref<512xi32, #tpu.memory_space<vmem>>, vector<16xi32>,
    %gather3A_23 = tpu.vector_load_idx %arg19[%get3A_22] : memref<1008xf32, #tpu.memory_space<vmem>>[vector<16xi32>], vector<16xf32>,
    %swap3A_24 = arith.constant 0 : i32
    %swap3A_25 = arith.index_cast %swap3A_24 : i32 to index
    %swap3A_26 = arith.constant 32 : index
    %swap3A_27 = tpu.vector_load %arg20[%swap3A_25, %swap3A_26] {strides = array<i32>} : memref<4x128xf32, #tpu.memory_space<vmem>>, vector<16xf32>,
    tpu.vector_store %arg20[%swap3A_25, %swap3A_26], %gather3A_23 {strides = array<i32>} : memref<4x128xf32, #tpu.memory_space<vmem>>, vector<16xf32>,
    %get3A_28 = arith.constant 48 : index
    %get3A_29 = tpu.vector_load %arg15[%get3A_28] {strides = array<i32>} : memref<512xi32, #tpu.memory_space<vmem>>, vector<16xi32>,
    %gather3A_30 = tpu.vector_load_idx %arg19[%get3A_29] : memref<1008xf32, #tpu.memory_space<vmem>>[vector<16xi32>], vector<16xf32>,
    %swap3A_31 = arith.constant 0 : i32
    %swap3A_32 = arith.index_cast %swap3A_31 : i32 to index
    %swap3A_33 = arith.constant 48 : index
    %swap3A_34 = tpu.vector_load %arg20[%swap3A_32, %swap3A_33] {strides = array<i32>} : memref<4x128xf32, #tpu.memory_space<vmem>>, vector<16xf32>,
    tpu.vector_store %arg20[%swap3A_32, %swap3A_33], %gather3A_30 {strides = array<i32>} : memref<4x128xf32, #tpu.memory_space<vmem>>, vector<16xf32>,
    %get3A_35 = arith.constant 64 : index
    %get3A_36 = tpu.vector_load %arg15[%get3A_35] {strides = array<i32>} : memref<512xi32, #tpu.memory_space<vmem>>, vector<16xi32>,
    %gather3A_37 = tpu.vector_load_idx %arg19[%get3A_36] : memref<1008xf32, #tpu.memory_space<vmem>>[vector<16xi32>], vector<16xf32>,
    %swap3A_38 = arith.constant 0 : i32
    %swap3A_39 = arith.index_cast %swap3A_38 : i32 to index
    %swap3A_40 = arith.constant 64 : index
    %swap3A_41 = tpu.vector_load %arg20[%swap3A_39, %swap3A_40] {strides = array<i32>} : memref<4x128xf32, #tpu.memory_space<vmem>>, vector<16xf32>,
    tpu.vector_store %arg20[%swap3A_39, %swap3A_40], %gather3A_37 {strides = array<i32>} : memref<4x128xf32, #tpu.memory_space<vmem>>, vector<16xf32>,
    %get3A_42 = arith.constant 80 : index
    %get3A_43 = tpu.vector_load %arg15[%get3A_42] {strides = array<i32>} : memref<512xi32, #tpu.memory_space<vmem>>, vector<16xi32>,
    %gather3A_44 = tpu.vector_load_idx %arg19[%get3A_43] : memref<1008xf32, #tpu.memory_space<vmem>>[vector<16xi32>], vector<16xf32>,
    %swap3A_45 = arith.constant 0 : i32
    %swap3A_46 = arith.index_cast %swap3A_45 : i32 to index
    %swap3A_47 = arith.constant 80 : index
    %swap3A_48 = tpu.vector_load %arg20[%swap3A_46, %swap3A_47] {strides = array<i32>} : memref<4x128xf32, #tpu.memory_space<vmem>>, vector<16xf32>,
    tpu.vector_store %arg20[%swap3A_46, %swap3A_47], %gather3A_44 {strides = array<i32>} : memref<4x128xf32, #tpu.memory_space<vmem>>, vector<16xf32>,
    %get3A_49 = arith.constant 96 : index
    %get3A_50 = tpu.vector_load %arg15[%get3A_49] {strides = array<i32>} : memref<512xi32, #tpu.memory_space<vmem>>, vector<16xi32>,
    %gather3A_51 = tpu.vector_load_idx %arg19[%get3A_50] : memref<1008xf32, #tpu.memory_space<vmem>>[vector<16xi32>], vector<16xf32>,
    %swap3A_52 = arith.constant 0 : i32
    %swap3A_53 = arith.index_cast %swap3A_52 : i32 to index
    %swap3A_54 = arith.constant 96 : index
    %swap3A_55 = tpu.vector_load %arg20[%swap3A_53, %swap3A_54] {strides = array<i32>} : memref<4x128xf32, #tpu.memory_space<vmem>>, vector<16xf32>,
    tpu.vector_store %arg20[%swap3A_53, %swap3A_54], %gather3A_51 {strides = array<i32>} : memref<4x128xf32, #tpu.memory_space<vmem>>, vector<16xf32>,
    %get3A_56 = arith.constant 112 : index
    %get3A_57 = tpu.vector_load %arg15[%get3A_56] {strides = array<i32>} : memref<512xi32, #tpu.memory_space<vmem>>, vector<16xi32>,
    %gather3A_58 = tpu.vector_load_idx %arg19[%get3A_57] : memref<1008xf32, #tpu.memory_space<vmem>>[vector<16xi32>], vector<16xf32>,
    %swap3A_59 = arith.constant 0 : i32
    %swap3A_60 = arith.index_cast %swap3A_59 : i32 to index
    %swap3A_61 = arith.constant 112 : index
    %swap3A_62 = tpu.vector_load %arg20[%swap3A_60, %swap3A_61] {strides = array<i32>} : memref<4x128xf32, #tpu.memory_space<vmem>>, vector<16xf32>,
    tpu.vector_store %arg20[%swap3A_60, %swap3A_61], %gather3A_58 {strides = array<i32>} : memref<4x128xf32, #tpu.memory_space<vmem>>, vector<16xf32>,
    %get3A_63 = arith.constant 128 : index
    %get3A_64 = tpu.vector_load %arg15[%get3A_63] {strides = array<i32>} : memref<512xi32, #tpu.memory_space<vmem>>, vector<16xi32>,
    %gather3A_65 = tpu.vector_load_idx %arg19[%get3A_64] : memref<1008xf32, #tpu.memory_space<vmem>>[vector<16xi32>], vector<16xf32>,
    %swap3A_66 = arith.constant 1 : i32
    %swap3A_67 = arith.index_cast %swap3A_66 : i32 to index
    %swap3A_68 = arith.constant 0 : index
    %swap3A_69 = tpu.vector_load %arg20[%swap3A_67, %swap3A_68] {strides = array<i32>} : memref<4x128xf32, #tpu.memory_space<vmem>>, vector<16xf32>,
    tpu.vector_store %arg20[%swap3A_67, %swap3A_68], %gather3A_65 {strides = array<i32>} : memref<4x128xf32, #tpu.memory_space<vmem>>, vector<16xf32>,
    %get3A_70 = arith.constant 144 : index
    %get3A_71 = tpu.vector_load %arg15[%get3A_70] {strides = array<i32>} : memref<512xi32, #tpu.memory_space<vmem>>, vector<16xi32>,
    %gather3A_72 = tpu.vector_load_idx %arg19[%get3A_71] : memref<1008xf32, #tpu.memory_space<vmem>>[vector<16xi32>], vector<16xf32>,
    %swap3A_73 = arith.constant 1 : i32
    %swap3A_74 = arith.index_cast %swap3A_73 : i32 to index
    %swap3A_75 = arith.constant 16 : index
    %swap3A_76 = tpu.vector_load %arg20[%swap3A_74, %swap3A_75] {strides = array<i32>} : memref<4x128xf32, #tpu.memory_space<vmem>>, vector<16xf32>,
    tpu.vector_store %arg20[%swap3A_74, %swap3A_75], %gather3A_72 {strides = array<i32>} : memref<4x128xf32, #tpu.memory_space<vmem>>, vector<16xf32>,
    %get3A_77 = arith.constant 160 : index
    %get3A_78 = tpu.vector_load %arg15[%get3A_77] {strides = array<i32>} : memref<512xi32, #tpu.memory_space<vmem>>, vector<16xi32>,
    %gather3A_79 = tpu.vector_load_idx %arg19[%get3A_78] : memref<1008xf32, #tpu.memory_space<vmem>>[vector<16xi32>], vector<16xf32>,
    %swap3A_80 = arith.constant 1 : i32
    %swap3A_81 = arith.index_cast %swap3A_80 : i32 to index
    %swap3A_82 = arith.constant 32 : index
    %swap3A_83 = tpu.vector_load %arg20[%swap3A_81, %swap3A_82] {strides = array<i32>} : memref<4x128xf32, #tpu.memory_space<vmem>>, vector<16xf32>,
    tpu.vector_store %arg20[%swap3A_81, %swap3A_82], %gather3A_79 {strides = array<i32>} : memref<4x128xf32, #tpu.memory_space<vmem>>, vector<16xf32>,
    %get3A_84 = arith.constant 176 : index
    %get3A_85 = tpu.vector_load %arg15[%get3A_84] {strides = array<i32>} : memref<512xi32, #tpu.memory_space<vmem>>, vector<16xi32>,
    %gather3A_86 = tpu.vector_load_idx %arg19[%get3A_85] : memref<1008xf32, #tpu.memory_space<vmem>>[vector<16xi32>], vector<16xf32>,
    %swap3A_87 = arith.constant 1 : i32
    %swap3A_88 = arith.index_cast %swap3A_87 : i32 to index
    %swap3A_89 = arith.constant 48 : index
    %swap3A_90 = tpu.vector_load %arg20[%swap3A_88, %swap3A_89] {strides = array<i32>} : memref<4x128xf32, #tpu.memory_space<vmem>>, vector<16xf32>,
    tpu.vector_store %arg20[%swap3A_88, %swap3A_89], %gather3A_86 {strides = array<i32>} : memref<4x128xf32, #tpu.memory_space<vmem>>, vector<16xf32>,
    %get3A_91 = arith.constant 192 : index
    %get3A_92 = tpu.vector_load %arg15[%get3A_91] {strides = array<i32>} : memref<512xi32, #tpu.memory_space<vmem>>, vector<16xi32>,
    %gather3A_93 = tpu.vector_load_idx %arg19[%get3A_92] : memref<1008xf32, #tpu.memory_space<vmem>>[vector<16xi32>], vector<16xf32>,
    %swap3A_94 = arith.constant 1 : i32
    %swap3A_95 = arith.index_cast %swap3A_94 : i32 to index
    %swap3A_96 = arith.constant 64 : index
    %swap3A_97 = tpu.vector_load %arg20[%swap3A_95, %swap3A_96] {strides = array<i32>} : memref<4x128xf32, #tpu.memory_space<vmem>>, vector<16xf32>,
    tpu.vector_store %arg20[%swap3A_95, %swap3A_96], %gather3A_93 {strides = array<i32>} : memref<4x128xf32, #tpu.memory_space<vmem>>, vector<16xf32>,
    %get3A_98 = arith.constant 208 : index
    %get3A_99 = tpu.vector_load %arg15[%get3A_98] {strides = array<i32>} : memref<512xi32, #tpu.memory_space<vmem>>, vector<16xi32>,
    %gather3A_100 = tpu.vector_load_idx %arg19[%get3A_99] : memref<1008xf32, #tpu.memory_space<vmem>>[vector<16xi32>], vector<16xf32>,
    %swap3A_101 = arith.constant 1 : i32
    %swap3A_102 = arith.index_cast %swap3A_101 : i32 to index
    %swap3A_103 = arith.constant 80 : index
    %swap3A_104 = tpu.vector_load %arg20[%swap3A_102, %swap3A_103] {strides = array<i32>} : memref<4x128xf32, #tpu.memory_space<vmem>>, vector<16xf32>,
    tpu.vector_store %arg20[%swap3A_102, %swap3A_103], %gather3A_100 {strides = array<i32>} : memref<4x128xf32, #tpu.memory_space<vmem>>, vector<16xf32>,
    %get3A_105 = arith.constant 224 : index
    %get3A_106 = tpu.vector_load %arg15[%get3A_105] {strides = array<i32>} : memref<512xi32, #tpu.memory_space<vmem>>, vector<16xi32>,
    %gather3A_107 = tpu.vector_load_idx %arg19[%get3A_106] : memref<1008xf32, #tpu.memory_space<vmem>>[vector<16xi32>], vector<16xf32>,
    %swap3A_108 = arith.constant 1 : i32
    %swap3A_109 = arith.index_cast %swap3A_108 : i32 to index
    %swap3A_110 = arith.constant 96 : index
    %swap3A_111 = tpu.vector_load %arg20[%swap3A_109, %swap3A_110] {strides = array<i32>} : memref<4x128xf32, #tpu.memory_space<vmem>>, vector<16xf32>,
    tpu.vector_store %arg20[%swap3A_109, %swap3A_110], %gather3A_107 {strides = array<i32>} : memref<4x128xf32, #tpu.memory_space<vmem>>, vector<16xf32>,
    %get3A_112 = arith.constant 240 : index
    %get3A_113 = tpu.vector_load %arg15[%get3A_112] {strides = array<i32>} : memref<512xi32, #tpu.memory_space<vmem>>, vector<16xi32>,
    %gather3A_114 = tpu.vector_load_idx %arg19[%get3A_113] : memref<1008xf32, #tpu.memory_space<vmem>>[vector<16xi32>], vector<16xf32>,
    %swap3A_115 = arith.constant 1 : i32
    %swap3A_116 = arith.index_cast %swap3A_115 : i32 to index
    %swap3A_117 = arith.constant 112 : index
    %swap3A_118 = tpu.vector_load %arg20[%swap3A_116, %swap3A_117] {strides = array<i32>} : memref<4x128xf32, #tpu.memory_space<vmem>>, vector<16xf32>,
    tpu.vector_store %arg20[%swap3A_116, %swap3A_117], %gather3A_114 {strides = array<i32>} : memref<4x128xf32, #tpu.memory_space<vmem>>, vector<16xf32>,
    %get3A_119 = arith.constant 256 : index
    %get3A_120 = tpu.vector_load %arg15[%get3A_119] {strides = array<i32>} : memref<512xi32, #tpu.memory_space<vmem>>, vector<16xi32>,
    %gather3A_121 = tpu.vector_load_idx %arg19[%get3A_120] : memref<1008xf32, #tpu.memory_space<vmem>>[vector<16xi32>], vector<16xf32>,
    %swap3A_122 = arith.constant 2 : i32
    %swap3A_123 = arith.index_cast %swap3A_122 : i32 to index
    %swap3A_124 = arith.constant 0 : index
    %swap3A_125 = tpu.vector_load %arg20[%swap3A_123, %swap3A_124] {strides = array<i32>} : memref<4x128xf32, #tpu.memory_space<vmem>>, vector<16xf32>,
    tpu.vector_store %arg20[%swap3A_123, %swap3A_124], %gather3A_121 {strides = array<i32>} : memref<4x128xf32, #tpu.memory_space<vmem>>, vector<16xf32>,
    %get3A_126 = arith.constant 272 : index
    %get3A_127 = tpu.vector_load %arg15[%get3A_126] {strides = array<i32>} : memref<512xi32, #tpu.memory_space<vmem>>, vector<16xi32>,
    %gather3A_128 = tpu.vector_load_idx %arg19[%get3A_127] : memref<1008xf32, #tpu.memory_space<vmem>>[vector<16xi32>], vector<16xf32>,
    %swap3A_129 = arith.constant 2 : i32
    %swap3A_130 = arith.index_cast %swap3A_129 : i32 to index
    %swap3A_131 = arith.constant 16 : index
    %swap3A_132 = tpu.vector_load %arg20[%swap3A_130, %swap3A_131] {strides = array<i32>} : memref<4x128xf32, #tpu.memory_space<vmem>>, vector<16xf32>,
    tpu.vector_store %arg20[%swap3A_130, %swap3A_131], %gather3A_128 {strides = array<i32>} : memref<4x128xf32, #tpu.memory_space<vmem>>, vector<16xf32>,
    %get3A_133 = arith.constant 288 : index
    %get3A_134 = tpu.vector_load %arg15[%get3A_133] {strides = array<i32>} : memref<512xi32, #tpu.memory_space<vmem>>, vector<16xi32>,
    %gather3A_135 = tpu.vector_load_idx %arg19[%get3A_134] : memref<1008xf32, #tpu.memory_space<vmem>>[vector<16xi32>], vector<16xf32>,
    %swap3A_136 = arith.constant 2 : i32
    %swap3A_137 = arith.index_cast %swap3A_136 : i32 to index
    %swap3A_138 = arith.constant 32 : index
    %swap3A_139 = tpu.vector_load %arg20[%swap3A_137, %swap3A_138] {strides = array<i32>} : memref<4x128xf32, #tpu.memory_space<vmem>>, vector<16xf32>,
    tpu.vector_store %arg20[%swap3A_137, %swap3A_138], %gather3A_135 {strides = array<i32>} : memref<4x128xf32, #tpu.memory_space<vmem>>, vector<16xf32>,
    %get3A_140 = arith.constant 304 : index
    %get3A_141 = tpu.vector_load %arg15[%get3A_140] {strides = array<i32>} : memref<512xi32, #tpu.memory_space<vmem>>, vector<16xi32>,
    %gather3A_142 = tpu.vector_load_idx %arg19[%get3A_141] : memref<1008xf32, #tpu.memory_space<vmem>>[vector<16xi32>], vector<16xf32>,
    %swap3A_143 = arith.constant 2 : i32
    %swap3A_144 = arith.index_cast %swap3A_143 : i32 to index
    %swap3A_145 = arith.constant 48 : index
    %swap3A_146 = tpu.vector_load %arg20[%swap3A_144, %swap3A_145] {strides = array<i32>} : memref<4x128xf32, #tpu.memory_space<vmem>>, vector<16xf32>,
    tpu.vector_store %arg20[%swap3A_144, %swap3A_145], %gather3A_142 {strides = array<i32>} : memref<4x128xf32, #tpu.memory_space<vmem>>, vector<16xf32>,
    %get3A_147 = arith.constant 320 : index
    %get3A_148 = tpu.vector_load %arg15[%get3A_147] {strides = array<i32>} : memref<512xi32, #tpu.memory_space<vmem>>, vector<16xi32>,
    %gather3A_149 = tpu.vector_load_idx %arg19[%get3A_148] : memref<1008xf32, #tpu.memory_space<vmem>>[vector<16xi32>], vector<16xf32>,
    %swap3A_150 = arith.constant 2 : i32
    %swap3A_151 = arith.index_cast %swap3A_150 : i32 to index
    %swap3A_152 = arith.constant 64 : index
    %swap3A_153 = tpu.vector_load %arg20[%swap3A_151, %swap3A_152] {strides = array<i32>} : memref<4x128xf32, #tpu.memory_space<vmem>>, vector<16xf32>,
    tpu.vector_store %arg20[%swap3A_151, %swap3A_152], %gather3A_149 {strides = array<i32>} : memref<4x128xf32, #tpu.memory_space<vmem>>, vector<16xf32>,
    %get3A_154 = arith.constant 336 : index
    %get3A_155 = tpu.vector_load %arg15[%get3A_154] {strides = array<i32>} : memref<512xi32, #tpu.memory_space<vmem>>, vector<16xi32>,
    %gather3A_156 = tpu.vector_load_idx %arg19[%get3A_155] : memref<1008xf32, #tpu.memory_space<vmem>>[vector<16xi32>], vector<16xf32>,
    %swap3A_157 = arith.constant 2 : i32
    %swap3A_158 = arith.index_cast %swap3A_157 : i32 to index
    %swap3A_159 = arith.constant 80 : index
    %swap3A_160 = tpu.vector_load %arg20[%swap3A_158, %swap3A_159] {strides = array<i32>} : memref<4x128xf32, #tpu.memory_space<vmem>>, vector<16xf32>,
    tpu.vector_store %arg20[%swap3A_158, %swap3A_159], %gather3A_156 {strides = array<i32>} : memref<4x128xf32, #tpu.memory_space<vmem>>, vector<16xf32>,
    %get3A_161 = arith.constant 352 : index
    %get3A_162 = tpu.vector_load %arg15[%get3A_161] {strides = array<i32>} : memref<512xi32, #tpu.memory_space<vmem>>, vector<16xi32>,
    %gather3A_163 = tpu.vector_load_idx %arg19[%get3A_162] : memref<1008xf32, #tpu.memory_space<vmem>>[vector<16xi32>], vector<16xf32>,
    %swap3A_164 = arith.constant 2 : i32
    %swap3A_165 = arith.index_cast %swap3A_164 : i32 to index
    %swap3A_166 = arith.constant 96 : index
    %swap3A_167 = tpu.vector_load %arg20[%swap3A_165, %swap3A_166] {strides = array<i32>} : memref<4x128xf32, #tpu.memory_space<vmem>>, vector<16xf32>,
    tpu.vector_store %arg20[%swap3A_165, %swap3A_166], %gather3A_163 {strides = array<i32>} : memref<4x128xf32, #tpu.memory_space<vmem>>, vector<16xf32>,
    %get3A_168 = arith.constant 368 : index
    %get3A_169 = tpu.vector_load %arg15[%get3A_168] {strides = array<i32>} : memref<512xi32, #tpu.memory_space<vmem>>, vector<16xi32>,
    %gather3A_170 = tpu.vector_load_idx %arg19[%get3A_169] : memref<1008xf32, #tpu.memory_space<vmem>>[vector<16xi32>], vector<16xf32>,
    %swap3A_171 = arith.constant 2 : i32
    %swap3A_172 = arith.index_cast %swap3A_171 : i32 to index
    %swap3A_173 = arith.constant 112 : index
    %swap3A_174 = tpu.vector_load %arg20[%swap3A_172, %swap3A_173] {strides = array<i32>} : memref<4x128xf32, #tpu.memory_space<vmem>>, vector<16xf32>,
    tpu.vector_store %arg20[%swap3A_172, %swap3A_173], %gather3A_170 {strides = array<i32>} : memref<4x128xf32, #tpu.memory_space<vmem>>, vector<16xf32>,
    %get3A_175 = arith.constant 384 : index
    %get3A_176 = tpu.vector_load %arg15[%get3A_175] {strides = array<i32>} : memref<512xi32, #tpu.memory_space<vmem>>, vector<16xi32>,
    %gather3A_177 = tpu.vector_load_idx %arg19[%get3A_176] : memref<1008xf32, #tpu.memory_space<vmem>>[vector<16xi32>], vector<16xf32>,
    %swap3A_178 = arith.constant 3 : i32
    %swap3A_179 = arith.index_cast %swap3A_178 : i32 to index
    %swap3A_180 = arith.constant 0 : index
    %swap3A_181 = tpu.vector_load %arg20[%swap3A_179, %swap3A_180] {strides = array<i32>} : memref<4x128xf32, #tpu.memory_space<vmem>>, vector<16xf32>,
    tpu.vector_store %arg20[%swap3A_179, %swap3A_180], %gather3A_177 {strides = array<i32>} : memref<4x128xf32, #tpu.memory_space<vmem>>, vector<16xf32>,
    %get3A_182 = arith.constant 400 : index
    %get3A_183 = tpu.vector_load %arg15[%get3A_182] {strides = array<i32>} : memref<512xi32, #tpu.memory_space<vmem>>, vector<16xi32>,
    %gather3A_184 = tpu.vector_load_idx %arg19[%get3A_183] : memref<1008xf32, #tpu.memory_space<vmem>>[vector<16xi32>], vector<16xf32>,
    %swap3A_185 = arith.constant 3 : i32
    %swap3A_186 = arith.index_cast %swap3A_185 : i32 to index
    %swap3A_187 = arith.constant 16 : index
    %swap3A_188 = tpu.vector_load %arg20[%swap3A_186, %swap3A_187] {strides = array<i32>} : memref<4x128xf32, #tpu.memory_space<vmem>>, vector<16xf32>,
    tpu.vector_store %arg20[%swap3A_186, %swap3A_187], %gather3A_184 {strides = array<i32>} : memref<4x128xf32, #tpu.memory_space<vmem>>, vector<16xf32>,
    %get3A_189 = arith.constant 416 : index
    %get3A_190 = tpu.vector_load %arg15[%get3A_189] {strides = array<i32>} : memref<512xi32, #tpu.memory_space<vmem>>, vector<16xi32>,
    %gather3A_191 = tpu.vector_load_idx %arg19[%get3A_190] : memref<1008xf32, #tpu.memory_space<vmem>>[vector<16xi32>], vector<16xf32>,
    %swap3A_192 = arith.constant 3 : i32
    %swap3A_193 = arith.index_cast %swap3A_192 : i32 to index
    %swap3A_194 = arith.constant 32 : index
    %swap3A_195 = tpu.vector_load %arg20[%swap3A_193, %swap3A_194] {strides = array<i32>} : memref<4x128xf32, #tpu.memory_space<vmem>>, vector<16xf32>,
    tpu.vector_store %arg20[%swap3A_193, %swap3A_194], %gather3A_191 {strides = array<i32>} : memref<4x128xf32, #tpu.memory_space<vmem>>, vector<16xf32>,
    %get3A_196 = arith.constant 432 : index
    %get3A_197 = tpu.vector_load %arg15[%get3A_196] {strides = array<i32>} : memref<512xi32, #tpu.memory_space<vmem>>, vector<16xi32>,
    %gather3A_198 = tpu.vector_load_idx %arg19[%get3A_197] : memref<1008xf32, #tpu.memory_space<vmem>>[vector<16xi32>], vector<16xf32>,
    %swap3A_199 = arith.constant 3 : i32
    %swap3A_200 = arith.index_cast %swap3A_199 : i32 to index
    %swap3A_201 = arith.constant 48 : index
    %swap3A_202 = tpu.vector_load %arg20[%swap3A_200, %swap3A_201] {strides = array<i32>} : memref<4x128xf32, #tpu.memory_space<vmem>>, vector<16xf32>,
    tpu.vector_store %arg20[%swap3A_200, %swap3A_201], %gather3A_198 {strides = array<i32>} : memref<4x128xf32, #tpu.memory_space<vmem>>, vector<16xf32>,
    %get3A_203 = arith.constant 448 : index
    %get3A_204 = tpu.vector_load %arg15[%get3A_203] {strides = array<i32>} : memref<512xi32, #tpu.memory_space<vmem>>, vector<16xi32>,
    %gather3A_205 = tpu.vector_load_idx %arg19[%get3A_204] : memref<1008xf32, #tpu.memory_space<vmem>>[vector<16xi32>], vector<16xf32>,
    %swap3A_206 = arith.constant 3 : i32
    %swap3A_207 = arith.index_cast %swap3A_206 : i32 to index
    %swap3A_208 = arith.constant 64 : index
    %swap3A_209 = tpu.vector_load %arg20[%swap3A_207, %swap3A_208] {strides = array<i32>} : memref<4x128xf32, #tpu.memory_space<vmem>>, vector<16xf32>,
    tpu.vector_store %arg20[%swap3A_207, %swap3A_208], %gather3A_205 {strides = array<i32>} : memref<4x128xf32, #tpu.memory_space<vmem>>, vector<16xf32>,
    %get3A_210 = arith.constant 464 : index
    %get3A_211 = tpu.vector_load %arg15[%get3A_210] {strides = array<i32>} : memref<512xi32, #tpu.memory_space<vmem>>, vector<16xi32>,
    %gather3A_212 = tpu.vector_load_idx %arg19[%get3A_211] : memref<1008xf32, #tpu.memory_space<vmem>>[vector<16xi32>], vector<16xf32>,
    %swap3A_213 = arith.constant 3 : i32
    %swap3A_214 = arith.index_cast %swap3A_213 : i32 to index
    %swap3A_215 = arith.constant 80 : index
    %swap3A_216 = tpu.vector_load %arg20[%swap3A_214, %swap3A_215] {strides = array<i32>} : memref<4x128xf32, #tpu.memory_space<vmem>>, vector<16xf32>,
    tpu.vector_store %arg20[%swap3A_214, %swap3A_215], %gather3A_212 {strides = array<i32>} : memref<4x128xf32, #tpu.memory_space<vmem>>, vector<16xf32>,
    %get3A_217 = arith.constant 480 : index
    %get3A_218 = tpu.vector_load %arg15[%get3A_217] {strides = array<i32>} : memref<512xi32, #tpu.memory_space<vmem>>, vector<16xi32>,
    %gather3A_219 = tpu.vector_load_idx %arg19[%get3A_218] : memref<1008xf32, #tpu.memory_space<vmem>>[vector<16xi32>], vector<16xf32>,
    %swap3A_220 = arith.constant 3 : i32
    %swap3A_221 = arith.index_cast %swap3A_220 : i32 to index
    %swap3A_222 = arith.constant 96 : index
    %swap3A_223 = tpu.vector_load %arg20[%swap3A_221, %swap3A_222] {strides = array<i32>} : memref<4x128xf32, #tpu.memory_space<vmem>>, vector<16xf32>,
    tpu.vector_store %arg20[%swap3A_221, %swap3A_222], %gather3A_219 {strides = array<i32>} : memref<4x128xf32, #tpu.memory_space<vmem>>, vector<16xf32>,
    %get3A_224 = arith.constant 496 : index
    %get3A_225 = tpu.vector_load %arg15[%get3A_224] {strides = array<i32>} : memref<512xi32, #tpu.memory_space<vmem>>, vector<16xi32>,
    %gather3A_226 = tpu.vector_load_idx %arg19[%get3A_225] : memref<1008xf32, #tpu.memory_space<vmem>>[vector<16xi32>], vector<16xf32>,
    %swap3A_227 = arith.constant 3 : i32
    %swap3A_228 = arith.index_cast %swap3A_227 : i32 to index
    %swap3A_229 = arith.constant 112 : index
    %swap3A_230 = tpu.vector_load %arg20[%swap3A_228, %swap3A_229] {strides = array<i32>} : memref<4x128xf32, #tpu.memory_space<vmem>>, vector<16xf32>,
    tpu.vector_store %arg20[%swap3A_228, %swap3A_229], %gather3A_226 {strides = array<i32>} : memref<4x128xf32, #tpu.memory_space<vmem>>, vector<16xf32>,
    %dma_wait3A = arith.constant 0 : i32
    %dma_wait3A_231 = arith.constant 0 : i32
    %dma_wait3A_232 = tpu.memref_slice %arg9[%dma_wait3A, %dma_wait3A_231] : memref<8192x128xf32, #tpu.memory_space<hbm>> -> memref<256x128xf32, #tpu.memory_space<hbm>>
    %dma_wait3A_233 = arith.constant 0 : i32
    %dma_wait3A_234 = arith.constant 0 : i32
    %dma_wait3A_235 = tpu.memref_slice %arg9[%dma_wait3A_233, %dma_wait3A_234] : memref<8192x128xf32, #tpu.memory_space<hbm>> -> memref<256x128xf32, #tpu.memory_space<hbm>>
    tpu.wait_dma2 semaphore(%arg21 : memref<!tpu.dma_semaphore, #tpu.memory_space<semaphore_mem>>) src(%dma_wait3A_235 : memref<256x128xf32, #tpu.memory_space<hbm>>) dst(%arg16 : memref<256x128xf32, #tpu.memory_space<vmem>>)
    %dma_wait3A_236 = arith.constant 0 : i32
    %dma_wait3A_237 = arith.constant 0 : i32
    %dma_wait3A_238 = tpu.memref_slice %arg9[%dma_wait3A_236, %dma_wait3A_237] : memref<8192x128xf32, #tpu.memory_space<hbm>> -> memref<256x128xf32, #tpu.memory_space<hbm>>
    %dma_wait3A_239 = arith.constant 0 : i32
    %dma_wait3A_240 = arith.constant 0 : i32
    %dma_wait3A_241 = tpu.memref_slice %arg9[%dma_wait3A_239, %dma_wait3A_240] : memref<8192x128xf32, #tpu.memory_space<hbm>> -> memref<256x128xf32, #tpu.memory_space<hbm>>
    tpu.wait_dma2 semaphore(%arg22 : memref<!tpu.dma_semaphore, #tpu.memory_space<semaphore_mem>>) src(%dma_wait3A_241 : memref<256x128xf32, #tpu.memory_space<hbm>>) dst(%arg17 : memref<256x128xf32, #tpu.memory_space<vmem>>)
    %scan3A_242 = arith.constant 0 : i32
    %scan3A_243 = arith.constant 0 : i32
    %scan3A_244 = arith.constant 256 : i32
    %scan3A_245 = arith.addi %scan3A_243, %scan3A_244 : i32
    %scan3A_246 = arith.constant 1 : i32
    scf.for %scan3A_256 = %scan3A_243 to %scan3A_245 step %scan3A_246  : i32 {
      %get3A_257 = arith.index_cast %scan3A_256 : i32 to index
      %get3A_258 = arith.constant 0 : index
      %get3A_259 = tpu.vector_load %arg16[%get3A_257, %get3A_258] {strides = array<i32>} : memref<256x128xf32, #tpu.memory_space<vmem>>, vector<16xf32>,
      %get3A_260 = arith.index_cast %scan3A_256 : i32 to index
      %get3A_261 = arith.constant 0 : index
      %get3A_262 = tpu.vector_load %arg17[%get3A_260, %get3A_261] {strides = array<i32>} : memref<256x128xf32, #tpu.memory_space<vmem>>, vector<16xf32>,
      %sub3A = arith.subf %get3A_259, %get3A_262 : vector<16xf32>
      %swap3A_263 = arith.index_cast %scan3A_256 : i32 to index
      %swap3A_264 = arith.constant 0 : index
      %swap3A_265 = tpu.vector_load %arg16[%swap3A_263, %swap3A_264] {strides = array<i32>} : memref<256x128xf32, #tpu.memory_space<vmem>>, vector<16xf32>,
      tpu.vector_store %arg16[%swap3A_263, %swap3A_264], %sub3A {strides = array<i32>} : memref<256x128xf32, #tpu.memory_space<vmem>>, vector<16xf32>,
      %get3A_266 = arith.index_cast %scan3A_256 : i32 to index
      %get3A_267 = arith.constant 16 : index
      %get3A_268 = tpu.vector_load %arg16[%get3A_266, %get3A_267] {strides = array<i32>} : memref<256x128xf32, #tpu.memory_space<vmem>>, vector<16xf32>,
      %get3A_269 = arith.index_cast %scan3A_256 : i32 to index
      %get3A_270 = arith.constant 16 : index
      %get3A_271 = tpu.vector_load %arg17[%get3A_269, %get3A_270] {strides = array<i32>} : memref<256x128xf32, #tpu.memory_space<vmem>>, vector<16xf32>,
      %sub3A_272 = arith.subf %get3A_268, %get3A_271 : vector<16xf32>
      %swap3A_273 = arith.index_cast %scan3A_256 : i32 to index
      %swap3A_274 = arith.constant 16 : index
      %swap3A_275 = tpu.vector_load %arg16[%swap3A_273, %swap3A_274] {strides = array<i32>} : memref<256x128xf32, #tpu.memory_space<vmem>>, vector<16xf32>,
      tpu.vector_store %arg16[%swap3A_273, %swap3A_274], %sub3A_272 {strides = array<i32>} : memref<256x128xf32, #tpu.memory_space<vmem>>, vector<16xf32>,
      %get3A_276 = arith.index_cast %scan3A_256 : i32 to index
      %get3A_277 = arith.constant 32 : index
      %get3A_278 = tpu.vector_load %arg16[%get3A_276, %get3A_277] {strides = array<i32>} : memref<256x128xf32, #tpu.memory_space<vmem>>, vector<16xf32>,
      %get3A_279 = arith.index_cast %scan3A_256 : i32 to index
      %get3A_280 = arith.constant 32 : index
      %get3A_281 = tpu.vector_load %arg17[%get3A_279, %get3A_280] {strides = array<i32>} : memref<256x128xf32, #tpu.memory_space<vmem>>, vector<16xf32>,
      %sub3A_282 = arith.subf %get3A_278, %get3A_281 : vector<16xf32>
      %swap3A_283 = arith.index_cast %scan3A_256 : i32 to index
      %swap3A_284 = arith.constant 32 : index
      %swap3A_285 = tpu.vector_load %arg16[%swap3A_283, %swap3A_284] {strides = array<i32>} : memref<256x128xf32, #tpu.memory_space<vmem>>, vector<16xf32>,
      tpu.vector_store %arg16[%swap3A_283, %swap3A_284], %sub3A_282 {strides = array<i32>} : memref<256x128xf32, #tpu.memory_space<vmem>>, vector<16xf32>,
      %get3A_286 = arith.index_cast %scan3A_256 : i32 to index
      %get3A_287 = arith.constant 48 : index
      %get3A_288 = tpu.vector_load %arg16[%get3A_286, %get3A_287] {strides = array<i32>} : memref<256x128xf32, #tpu.memory_space<vmem>>, vector<16xf32>,
      %get3A_289 = arith.index_cast %scan3A_256 : i32 to index
      %get3A_290 = arith.constant 48 : index
      %get3A_291 = tpu.vector_load %arg17[%get3A_289, %get3A_290] {strides = array<i32>} : memref<256x128xf32, #tpu.memory_space<vmem>>, vector<16xf32>,
      %sub3A_292 = arith.subf %get3A_288, %get3A_291 : vector<16xf32>
      %swap3A_293 = arith.index_cast %scan3A_256 : i32 to index
      %swap3A_294 = arith.constant 48 : index
      %swap3A_295 = tpu.vector_load %arg16[%swap3A_293, %swap3A_294] {strides = array<i32>} : memref<256x128xf32, #tpu.memory_space<vmem>>, vector<16xf32>,
      tpu.vector_store %arg16[%swap3A_293, %swap3A_294], %sub3A_292 {strides = array<i32>} : memref<256x128xf32, #tpu.memory_space<vmem>>, vector<16xf32>,
      %get3A_296 = arith.index_cast %scan3A_256 : i32 to index
      %get3A_297 = arith.constant 64 : index
      %get3A_298 = tpu.vector_load %arg16[%get3A_296, %get3A_297] {strides = array<i32>} : memref<256x128xf32, #tpu.memory_space<vmem>>, vector<16xf32>,
      %get3A_299 = arith.index_cast %scan3A_256 : i32 to index
      %get3A_300 = arith.constant 64 : index
      %get3A_301 = tpu.vector_load %arg17[%get3A_299, %get3A_300] {strides = array<i32>} : memref<256x128xf32, #tpu.memory_space<vmem>>, vector<16xf32>,
      %sub3A_302 = arith.subf %get3A_298, %get3A_301 : vector<16xf32>
      %swap3A_303 = arith.index_cast %scan3A_256 : i32 to index
      %swap3A_304 = arith.constant 64 : index
      %swap3A_305 = tpu.vector_load %arg16[%swap3A_303, %swap3A_304] {strides = array<i32>} : memref<256x128xf32, #tpu.memory_space<vmem>>, vector<16xf32>,
      tpu.vector_store %arg16[%swap3A_303, %swap3A_304], %sub3A_302 {strides = array<i32>} : memref<256x128xf32, #tpu.memory_space<vmem>>, vector<16xf32>,
      %get3A_306 = arith.index_cast %scan3A_256 : i32 to index
      %get3A_307 = arith.constant 80 : index
      %get3A_308 = tpu.vector_load %arg16[%get3A_306, %get3A_307] {strides = array<i32>} : memref<256x128xf32, #tpu.memory_space<vmem>>, vector<16xf32>,
      %get3A_309 = arith.index_cast %scan3A_256 : i32 to index
      %get3A_310 = arith.constant 80 : index
      %get3A_311 = tpu.vector_load %arg17[%get3A_309, %get3A_310] {strides = array<i32>} : memref<256x128xf32, #tpu.memory_space<vmem>>, vector<16xf32>,
      %sub3A_312 = arith.subf %get3A_308, %get3A_311 : vector<16xf32>
      %swap3A_313 = arith.index_cast %scan3A_256 : i32 to index
      %swap3A_314 = arith.constant 80 : index
      %swap3A_315 = tpu.vector_load %arg16[%swap3A_313, %swap3A_314] {strides = array<i32>} : memref<256x128xf32, #tpu.memory_space<vmem>>, vector<16xf32>,
      tpu.vector_store %arg16[%swap3A_313, %swap3A_314], %sub3A_312 {strides = array<i32>} : memref<256x128xf32, #tpu.memory_space<vmem>>, vector<16xf32>,
      %get3A_316 = arith.index_cast %scan3A_256 : i32 to index
      %get3A_317 = arith.constant 96 : index
      %get3A_318 = tpu.vector_load %arg16[%get3A_316, %get3A_317] {strides = array<i32>} : memref<256x128xf32, #tpu.memory_space<vmem>>, vector<16xf32>,
      %get3A_319 = arith.index_cast %scan3A_256 : i32 to index
      %get3A_320 = arith.constant 96 : index
      %get3A_321 = tpu.vector_load %arg17[%get3A_319, %get3A_320] {strides = array<i32>} : memref<256x128xf32, #tpu.memory_space<vmem>>, vector<16xf32>,
      %sub3A_322 = arith.subf %get3A_318, %get3A_321 : vector<16xf32>
      %swap3A_323 = arith.index_cast %scan3A_256 : i32 to index
      %swap3A_324 = arith.constant 96 : index
      %swap3A_325 = tpu.vector_load %arg16[%swap3A_323, %swap3A_324] {strides = array<i32>} : memref<256x128xf32, #tpu.memory_space<vmem>>, vector<16xf32>,
      tpu.vector_store %arg16[%swap3A_323, %swap3A_324], %sub3A_322 {strides = array<i32>} : memref<256x128xf32, #tpu.memory_space<vmem>>, vector<16xf32>,
      %get3A_326 = arith.index_cast %scan3A_256 : i32 to index
      %get3A_327 = arith.constant 112 : index
      %get3A_328 = tpu.vector_load %arg16[%get3A_326, %get3A_327] {strides = array<i32>} : memref<256x128xf32, #tpu.memory_space<vmem>>, vector<16xf32>,
      %get3A_329 = arith.index_cast %scan3A_256 : i32 to index
      %get3A_330 = arith.constant 112 : index
      %get3A_331 = tpu.vector_load %arg17[%get3A_329, %get3A_330] {strides = array<i32>} : memref<256x128xf32, #tpu.memory_space<vmem>>, vector<16xf32>,
      %sub3A_332 = arith.subf %get3A_328, %get3A_331 : vector<16xf32>
      %swap3A_333 = arith.index_cast %scan3A_256 : i32 to index
      %swap3A_334 = arith.constant 112 : index
      %swap3A_335 = tpu.vector_load %arg16[%swap3A_333, %swap3A_334] {strides = array<i32>} : memref<256x128xf32, #tpu.memory_space<vmem>>, vector<16xf32>,
      tpu.vector_store %arg16[%swap3A_333, %swap3A_334], %sub3A_332 {strides = array<i32>} : memref<256x128xf32, #tpu.memory_space<vmem>>, vector<16xf32>,
    }
    %scan3A_247 = arith.constant 256 : i32
    %dma_wait3A_248 = arith.constant 0 : i32
    %dma_wait3A_249 = arith.constant 0 : i32
    %dma_wait3A_250 = tpu.memref_slice %arg10[%dma_wait3A_248, %dma_wait3A_249] : memref<8192x128xf32, #tpu.memory_space<hbm>> -> memref<256x128xf32, #tpu.memory_space<hbm>>
    %dma_wait3A_251 = arith.constant 0 : i32
    %dma_wait3A_252 = arith.constant 0 : i32
    %dma_wait3A_253 = tpu.memref_slice %arg10[%dma_wait3A_251, %dma_wait3A_252] : memref<8192x128xf32, #tpu.memory_space<hbm>> -> memref<256x128xf32, #tpu.memory_space<hbm>>
    tpu.wait_dma2 semaphore(%arg23 : memref<!tpu.dma_semaphore, #tpu.memory_space<semaphore_mem>>) src(%dma_wait3A_253 : memref<256x128xf32, #tpu.memory_space<hbm>>) dst(%arg18 : memref<256x128xf32, #tpu.memory_space<vmem>>)
    "tpu.region"() ({
      %run_scoped3A = tpu.sem_alloc : memref<!tpu.dma_semaphore, #tpu.memory_space<semaphore_mem>>
      %dma_start3A = arith.constant 0 : i32
      %dma_start3A_256 = tpu.memref_slice %arg9[%mul3A_4, %dma_start3A] : memref<8192x128xf32, #tpu.memory_space<hbm>> -> memref<256x128xf32, #tpu.memory_space<hbm>>
      %dma_start3A_257 = arith.constant 0 : i32
      %dma_start3A_258 = tpu.memref_slice %arg9[%mul3A_4, %dma_start3A_257] : memref<8192x128xf32, #tpu.memory_space<hbm>> -> memref<256x128xf32, #tpu.memory_space<hbm>>
      tpu.enqueue_dma source(%arg16 : memref<256x128xf32, #tpu.memory_space<vmem>>) target(%dma_start3A_258 : memref<256x128xf32, #tpu.memory_space<hbm>>) target_semaphore(%run_scoped3A : memref<!tpu.dma_semaphore, #tpu.memory_space<semaphore_mem>>)
      %dma_wait3A_259 = arith.constant 0 : i32
      %dma_wait3A_260 = tpu.memref_slice %arg9[%mul3A_4, %dma_wait3A_259] : memref<8192x128xf32, #tpu.memory_space<hbm>> -> memref<256x128xf32, #tpu.memory_space<hbm>>
      %dma_wait3A_261 = arith.constant 0 : i32
      %dma_wait3A_262 = tpu.memref_slice %arg9[%mul3A_4, %dma_wait3A_261] : memref<8192x128xf32, #tpu.memory_space<hbm>> -> memref<256x128xf32, #tpu.memory_space<hbm>>
      tpu.wait_dma2 semaphore(%run_scoped3A : memref<!tpu.dma_semaphore, #tpu.memory_space<semaphore_mem>>) src(%arg16 : memref<256x128xf32, #tpu.memory_space<vmem>>) dst(%dma_wait3A_262 : memref<256x128xf32, #tpu.memory_space<hbm>>)
      tpu.yield
    }) : () -> ()
    "tpu.region"() ({
      %run_scoped3A = tpu.sem_alloc : memref<!tpu.dma_semaphore, #tpu.memory_space<semaphore_mem>>
      %dma_start3A = arith.constant 0 : i32
      %dma_start3A_256 = tpu.memref_slice %arg10[%mul3A_4, %dma_start3A] : memref<8192x128xf32, #tpu.memory_space<hbm>> -> memref<256x128xf32, #tpu.memory_space<hbm>>
      %dma_start3A_257 = arith.constant 0 : i32
      %dma_start3A_258 = tpu.memref_slice %arg10[%mul3A_4, %dma_start3A_257] : memref<8192x128xf32, #tpu.memory_space<hbm>> -> memref<256x128xf32, #tpu.memory_space<hbm>>
      tpu.enqueue_dma source(%arg18 : memref<256x128xf32, #tpu.memory_space<vmem>>) target(%dma_start3A_258 : memref<256x128xf32, #tpu.memory_space<hbm>>) target_semaphore(%run_scoped3A : memref<!tpu.dma_semaphore, #tpu.memory_space<semaphore_mem>>)
      %dma_wait3A_259 = arith.constant 0 : i32
      %dma_wait3A_260 = tpu.memref_slice %arg10[%mul3A_4, %dma_wait3A_259] : memref<8192x128xf32, #tpu.memory_space<hbm>> -> memref<256x128xf32, #tpu.memory_space<hbm>>
      %dma_wait3A_261 = arith.constant 0 : i32
      %dma_wait3A_262 = tpu.memref_slice %arg10[%mul3A_4, %dma_wait3A_261] : memref<8192x128xf32, #tpu.memory_space<hbm>> -> memref<256x128xf32, #tpu.memory_space<hbm>>
      tpu.wait_dma2 semaphore(%run_scoped3A : memref<!tpu.dma_semaphore, #tpu.memory_space<semaphore_mem>>) src(%arg18 : memref<256x128xf32, #tpu.memory_space<vmem>>) dst(%dma_wait3A_262 : memref<256x128xf32, #tpu.memory_space<hbm>>)
      tpu.yield
    }) : () -> ()
    %mul3A_254 = arith.constant 4 : i32
    %mul3A_255 = arith.muli %add3A, %mul3A_254 : i32
    "tpu.region"() ({
      %run_scoped3A = tpu.sem_alloc : memref<!tpu.dma_semaphore, #tpu.memory_space<semaphore_mem>>
      %dma_start3A = arith.constant 0 : i32
      %dma_start3A_256 = tpu.memref_slice %arg11[%mul3A_255, %dma_start3A] : memref<128x128xf32, #tpu.memory_space<hbm>> -> memref<4x128xf32, #tpu.memory_space<hbm>>
      %dma_start3A_257 = arith.constant 0 : i32
      %dma_start3A_258 = tpu.memref_slice %arg11[%mul3A_255, %dma_start3A_257] : memref<128x128xf32, #tpu.memory_space<hbm>> -> memref<4x128xf32, #tpu.memory_space<hbm>>
      tpu.enqueue_dma source(%arg20 : memref<4x128xf32, #tpu.memory_space<vmem>>) target(%dma_start3A_258 : memref<4x128xf32, #tpu.memory_space<hbm>>) target_semaphore(%run_scoped3A : memref<!tpu.dma_semaphore, #tpu.memory_space<semaphore_mem>>)
      %dma_wait3A_259 = arith.constant 0 : i32
      %dma_wait3A_260 = tpu.memref_slice %arg11[%mul3A_255, %dma_wait3A_259] : memref<128x128xf32, #tpu.memory_space<hbm>> -> memref<4x128xf32, #tpu.memory_space<hbm>>
      %dma_wait3A_261 = arith.constant 0 : i32
      %dma_wait3A_262 = tpu.memref_slice %arg11[%mul3A_255, %dma_wait3A_261] : memref<128x128xf32, #tpu.memory_space<hbm>> -> memref<4x128xf32, #tpu.memory_space<hbm>>
      tpu.wait_dma2 semaphore(%run_scoped3A : memref<!tpu.dma_semaphore, #tpu.memory_space<semaphore_mem>>) src(%arg20 : memref<4x128xf32, #tpu.memory_space<vmem>>) dst(%dma_wait3A_262 : memref<4x128xf32, #tpu.memory_space<hbm>>)
      tpu.yield
    }) : () -> ()
    return
  }
}

module attributes {stable_mosaic.version = 14 : i64} {
  func.func @_tc_body(%arg0: i32, %arg1: memref<1024x2xi32, #tpu.memory_space<vmem>>, %arg2: memref<1024x2xf32, #tpu.memory_space<vmem>>, %arg3: memref<1024x128xf32, #tpu.memory_space<vmem>>, %arg4: memref<1024x128xf32, #tpu.memory_space<vmem>>, %arg5: memref<1024x128xf32, #tpu.memory_space<vmem>>, %arg6: memref<128x128xf32, #tpu.memory_space<vmem>>, %arg7: memref<1x128xf32, #tpu.memory_space<vmem>>, %arg8: memref<1x128xf32, #tpu.memory_space<vmem>>, %arg9: memref<128x128xf32, #tpu.memory_space<vmem>>, %arg10: memref<1x128xf32, #tpu.memory_space<vmem>>, %arg11: memref<128x2xf32, #tpu.memory_space<vmem>>, %arg12: memref<1024x2xf32, #tpu.memory_space<vmem>>, %arg13: memref<1x128xf32, #tpu.memory_space<vmem>>) attributes {dimension_semantics = [#tpu.dimension_semantics<arbitrary>], iteration_bounds = array<i64: 8>, scalar_prefetch = 0 : i64, scratch_operands = 0 : i64, tpu.core_type = #tpu.core_type<tc>, window_params = [{transform_indices = @transform_0, window_bounds = array<i64: 1024, 2>}, {transform_indices = @transform_1, window_bounds = array<i64: 1024, 2>}, {transform_indices = @transform_2, window_bounds = array<i64: 1024, 128>}, {transform_indices = @transform_3, window_bounds = array<i64: 1024, 128>}, {transform_indices = @transform_4, window_bounds = array<i64: 1024, 128>}, {pipeline_mode = #tpu.pipeline_mode<synchronous>, transform_indices = @transform_5, window_bounds = array<i64: 128, 128>}, {pipeline_mode = #tpu.pipeline_mode<synchronous>, transform_indices = @transform_6, window_bounds = array<i64: 1, 128>}, {pipeline_mode = #tpu.pipeline_mode<synchronous>, transform_indices = @transform_7, window_bounds = array<i64: 1, 128>}, {pipeline_mode = #tpu.pipeline_mode<synchronous>, transform_indices = @transform_8, window_bounds = array<i64: 128, 128>}, {pipeline_mode = #tpu.pipeline_mode<synchronous>, transform_indices = @transform_9, window_bounds = array<i64: 1, 128>}, {pipeline_mode = #tpu.pipeline_mode<synchronous>, transform_indices = @transform_10, window_bounds = array<i64: 128, 2>}, {transform_indices = @transform_11, window_bounds = array<i64: 1024, 2>}, {pipeline_mode = #tpu.pipeline_mode<synchronous>, transform_indices = @transform_12, window_bounds = array<i64: 1, 128>}]} {
    %get3A = arith.constant 0 : index
    %get3A_0 = arith.constant 0 : index
    %get3A_1 = vector.load %arg1[%get3A, %get3A_0] : memref<1024x2xi32, #tpu.memory_space<vmem>>, vector<1024x2xi32>
    %convert_element_type3A = arith.sitofp %get3A_1 : vector<1024x2xi32> to vector<1024x2xf32>
    %mul3A = arith.constant 1.000000e-03 : f32
    %mul3A_2 = vector.broadcast %mul3A : f32 to vector<1024x2xf32>
    %mul3A_3 = arith.mulf %convert_element_type3A, %mul3A_2 : vector<1024x2xf32>
    %sub3A = arith.constant 1.000000e+00 : f32
    %sub3A_4 = vector.broadcast %sub3A : f32 to vector<1024x2xf32>
    %sub3A_5 = arith.subf %sub3A_4, %mul3A_3 : vector<1024x2xf32>
    %slice3A = vector.extract_strided_slice %sub3A_5 {offsets = [0, 0], sizes = [1024, 1], strides = [1, 1]} : vector<1024x2xf32> to vector<1024x1xf32>
    %broadcast_in_dim3A = vector.shape_cast %slice3A : vector<1024x1xf32> to vector<1024x1xf32>
    %broadcast_in_dim3A_6 = vector.broadcast %broadcast_in_dim3A : vector<1024x1xf32> to vector<1024x64xf32>
    %slice3A_7 = vector.extract_strided_slice %sub3A_5 {offsets = [0, 1], sizes = [1024, 1], strides = [1, 1]} : vector<1024x2xf32> to vector<1024x1xf32>
    %broadcast_in_dim3A_8 = vector.shape_cast %slice3A_7 : vector<1024x1xf32> to vector<1024x1xf32>
    %broadcast_in_dim3A_9 = vector.broadcast %broadcast_in_dim3A_8 : vector<1024x1xf32> to vector<1024x64xf32>
    %concatenate3A = tpu.concatenate %broadcast_in_dim3A_6, %broadcast_in_dim3A_9 in 1 : vector<1024x64xf32>, vector<1024x64xf32> -> vector<1024x128xf32>
    %get3A_10 = arith.constant 0 : index
    %get3A_11 = arith.constant 0 : index
    %get3A_12 = vector.load %arg2[%get3A_10, %get3A_11] : memref<1024x2xf32, #tpu.memory_space<vmem>>, vector<1024x2xf32>
    %slice3A_13 = vector.extract_strided_slice %get3A_12 {offsets = [0, 0], sizes = [1024, 1], strides = [1, 1]} : vector<1024x2xf32> to vector<1024x1xf32>
    %broadcast_in_dim3A_14 = vector.shape_cast %slice3A_13 : vector<1024x1xf32> to vector<1024x1xf32>
    %broadcast_in_dim3A_15 = vector.broadcast %broadcast_in_dim3A_14 : vector<1024x1xf32> to vector<1024x64xf32>
    %slice3A_16 = vector.extract_strided_slice %get3A_12 {offsets = [0, 1], sizes = [1024, 1], strides = [1, 1]} : vector<1024x2xf32> to vector<1024x1xf32>
    %broadcast_in_dim3A_17 = vector.shape_cast %slice3A_16 : vector<1024x1xf32> to vector<1024x1xf32>
    %broadcast_in_dim3A_18 = vector.broadcast %broadcast_in_dim3A_17 : vector<1024x1xf32> to vector<1024x64xf32>
    %concatenate3A_19 = tpu.concatenate %broadcast_in_dim3A_15, %broadcast_in_dim3A_18 in 1 : vector<1024x64xf32>, vector<1024x64xf32> -> vector<1024x128xf32>
    %get3A_20 = arith.constant 0 : index
    %get3A_21 = arith.constant 0 : index
    %get3A_22 = vector.load %arg4[%get3A_20, %get3A_21] : memref<1024x128xf32, #tpu.memory_space<vmem>>, vector<1024x128xf32>
    %get3A_23 = arith.constant 0 : index
    %get3A_24 = arith.constant 0 : index
    %get3A_25 = vector.load %arg5[%get3A_23, %get3A_24] : memref<1024x128xf32, #tpu.memory_space<vmem>>, vector<1024x128xf32>
    %mul3A_26 = arith.mulf %concatenate3A, %get3A_22 : vector<1024x128xf32>
    %sub3A_27 = arith.constant 1.000000e+00 : f32
    %sub3A_28 = vector.broadcast %sub3A_27 : f32 to vector<1024x128xf32>
    %sub3A_29 = arith.subf %sub3A_28, %concatenate3A : vector<1024x128xf32>
    %mul3A_30 = arith.mulf %sub3A_29, %get3A_25 : vector<1024x128xf32>
    %add3A = arith.addf %mul3A_26, %mul3A_30 : vector<1024x128xf32>
    %get3A_31 = arith.constant 0 : index
    %get3A_32 = arith.constant 0 : index
    %get3A_33 = vector.load %arg6[%get3A_31, %get3A_32] : memref<128x128xf32, #tpu.memory_space<vmem>>, vector<128x128xf32>
    %dot_general3A = arith.constant dense<0.000000e+00> : vector<1024x128xf32>
    %dot_general3A_34 = tpu.matmul %add3A, %get3A_33, %dot_general3A {dimension_numbers = #tpu.dot_dimension_numbers<[1], [0], [0], [1], [0, 0, 1, 1], [], []>, transpose_lhs_hint = false} : vector<1024x128xf32>, vector<128x128xf32>, vector<1024x128xf32> -> vector<1024x128xf32>
    %get3A_35 = arith.constant 0 : index
    %get3A_36 = arith.constant 0 : index
    %get3A_37 = vector.load %arg7[%get3A_35, %get3A_36] : memref<1x128xf32, #tpu.memory_space<vmem>>, vector<1x128xf32>
    %mul3A_38 = vector.broadcast %get3A_37 : vector<1x128xf32> to vector<1024x128xf32>
    %mul3A_39 = arith.mulf %concatenate3A_19, %mul3A_38 : vector<1024x128xf32>
    %add3A_40 = arith.addf %dot_general3A_34, %mul3A_39 : vector<1024x128xf32>
    %get3A_41 = arith.constant 0 : index
    %get3A_42 = arith.constant 0 : index
    %get3A_43 = vector.load %arg8[%get3A_41, %get3A_42] : memref<1x128xf32, #tpu.memory_space<vmem>>, vector<1x128xf32>
    %add3A_44 = vector.broadcast %get3A_43 : vector<1x128xf32> to vector<1024x128xf32>
    %add3A_45 = arith.addf %add3A_40, %add3A_44 : vector<1024x128xf32>
    %max3A = arith.constant 0.000000e+00 : f32
    %max3A_46 = vector.broadcast %max3A : f32 to vector<1024x128xf32>
    %max3A_47 = arith.maximumf %add3A_45, %max3A_46 : vector<1024x128xf32>
    %get3A_48 = arith.constant 0 : index
    %get3A_49 = arith.constant 0 : index
    %get3A_50 = vector.load %arg9[%get3A_48, %get3A_49] : memref<128x128xf32, #tpu.memory_space<vmem>>, vector<128x128xf32>
    %dot_general3A_51 = arith.constant dense<0.000000e+00> : vector<1024x128xf32>
    %dot_general3A_52 = tpu.matmul %max3A_47, %get3A_50, %dot_general3A_51 {dimension_numbers = #tpu.dot_dimension_numbers<[1], [0], [0], [1], [0, 0, 1, 1], [], []>, transpose_lhs_hint = false} : vector<1024x128xf32>, vector<128x128xf32>, vector<1024x128xf32> -> vector<1024x128xf32>
    %get3A_53 = arith.constant 0 : index
    %get3A_54 = arith.constant 0 : index
    %get3A_55 = vector.load %arg10[%get3A_53, %get3A_54] : memref<1x128xf32, #tpu.memory_space<vmem>>, vector<1x128xf32>
    %add3A_56 = vector.broadcast %get3A_55 : vector<1x128xf32> to vector<1024x128xf32>
    %add3A_57 = arith.addf %dot_general3A_52, %add3A_56 : vector<1024x128xf32>
    %sub3A_58 = arith.subf %add3A_57, %get3A_25 : vector<1024x128xf32>
    %mul3A_59 = arith.mulf %sub3A_58, %sub3A_58 : vector<1024x128xf32>
    %reduce_sum3A = vector.shape_cast %mul3A_59 : vector<1024x128xf32> to vector<1x1024x128xf32>
    %reduce_sum3A_60 = arith.constant dense<0.000000e+00> : vector<1xf32>
    %reduce_sum3A_61 = vector.multi_reduction <add>, %reduce_sum3A, %reduce_sum3A_60 [1, 2] : vector<1x1024x128xf32> to vector<1xf32>
    %reduce_sum3A_62 = vector.shape_cast %reduce_sum3A_61 : vector<1xf32> to vector<1x1x1xf32>
    %reduce_sum3A_63 = vector.extract %reduce_sum3A_62[0, 0, 0] : f32 from vector<1x1x1xf32>
    %mul3A_64 = arith.constant 9.53674316E-7 : f32
    %mul3A_65 = arith.mulf %reduce_sum3A_63, %mul3A_64 : f32
    %eq3A = arith.constant 0 : i32
    %eq3A_66 = arith.cmpi eq, %arg0, %eq3A : i32
    %convert_element_type3A_67 = arith.extui %eq3A_66 : i1 to i32
    %cond3A = arith.constant 0 : i32
    %cond3A_68 = arith.cmpi ne, %convert_element_type3A_67, %cond3A : i32
    scf.if %cond3A_68 {
      %broadcast_in_dim3A_91 = arith.constant 0.000000e+00 : f32
      %broadcast_in_dim3A_92 = vector.broadcast %broadcast_in_dim3A_91 : f32 to vector<1x128xf32>
      %swap3A_93 = arith.constant 0 : index
      %swap3A_94 = arith.constant 0 : index
      %swap3A_95 = vector.load %arg13[%swap3A_93, %swap3A_94] : memref<1x128xf32, #tpu.memory_space<vmem>>, vector<1x128xf32>
      tpu.vector_store %arg13[%swap3A_93, %swap3A_94], %broadcast_in_dim3A_92 {strides = array<i32>} : memref<1x128xf32, #tpu.memory_space<vmem>>, vector<1x128xf32>,
    } else {
    }
    %get3A_69 = arith.constant 0 : index
    %get3A_70 = arith.constant 0 : index
    %get3A_71 = vector.load %arg13[%get3A_69, %get3A_70] : memref<1x128xf32, #tpu.memory_space<vmem>>, vector<1x128xf32>
    %broadcast_in_dim3A_72 = vector.broadcast %mul3A_65 : f32 to vector<1x128xf32>
    %add3A_73 = arith.addf %get3A_71, %broadcast_in_dim3A_72 : vector<1x128xf32>
    %swap3A = arith.constant 0 : index
    %swap3A_74 = arith.constant 0 : index
    %swap3A_75 = vector.load %arg13[%swap3A, %swap3A_74] : memref<1x128xf32, #tpu.memory_space<vmem>>, vector<1x128xf32>
    tpu.vector_store %arg13[%swap3A, %swap3A_74], %add3A_73 {strides = array<i32>} : memref<1x128xf32, #tpu.memory_space<vmem>>, vector<1x128xf32>,
    %get3A_76 = arith.constant 0 : index
    %get3A_77 = arith.constant 0 : index
    %get3A_78 = vector.load %arg3[%get3A_76, %get3A_77] : memref<1024x128xf32, #tpu.memory_space<vmem>>, vector<1024x128xf32>
    %add3A_79 = arith.addf %get3A_78, %add3A : vector<1024x128xf32>
    %mul3A_80 = arith.mulf %add3A_79, %add3A_79 : vector<1024x128xf32>
    %get3A_81 = arith.constant 0 : index
    %get3A_82 = arith.constant 0 : index
    %get3A_83 = vector.load %arg11[%get3A_81, %get3A_82] : memref<128x2xf32, #tpu.memory_space<vmem>>, vector<128x2xf32>
    %dot_general3A_84 = arith.constant dense<0.000000e+00> : vector<1024x2xf32>
    %dot_general3A_85 = tpu.matmul %mul3A_80, %get3A_83, %dot_general3A_84 {dimension_numbers = #tpu.dot_dimension_numbers<[1], [0], [0], [1], [0, 0, 1, 1], [], []>, transpose_lhs_hint = false} : vector<1024x128xf32>, vector<128x2xf32>, vector<1024x2xf32> -> vector<1024x2xf32>
    %sqrt3A = math.sqrt %dot_general3A_85 : vector<1024x2xf32>
    %neg3A = arith.constant 0.000000e+00 : f32
    %neg3A_86 = vector.broadcast %neg3A : f32 to vector<1024x2xf32>
    %neg3A_87 = arith.subf %neg3A_86, %sqrt3A : vector<1024x2xf32>
    %swap3A_88 = arith.constant 0 : index
    %swap3A_89 = arith.constant 0 : index
    %swap3A_90 = vector.load %arg12[%swap3A_88, %swap3A_89] : memref<1024x2xf32, #tpu.memory_space<vmem>>, vector<1024x2xf32>
    tpu.vector_store %arg12[%swap3A_88, %swap3A_89], %neg3A_87 {strides = array<i32>} : memref<1024x2xf32, #tpu.memory_space<vmem>>, vector<1024x2xf32>,
    return
  }
  func.func @transform_0(%arg0: i32) -> (i32, i32) {
    %c0_i32 = arith.constant 0 : i32
    %c0_i32_0 = arith.constant 0 : i32
    return %arg0, %c0_i32 : i32, i32
  }
  func.func @transform_1(%arg0: i32) -> (i32, i32) {
    %c0_i32 = arith.constant 0 : i32
    %c0_i32_0 = arith.constant 0 : i32
    return %arg0, %c0_i32 : i32, i32
  }
  func.func @transform_2(%arg0: i32) -> (i32, i32) {
    %c0_i32 = arith.constant 0 : i32
    %c0_i32_0 = arith.constant 0 : i32
    return %arg0, %c0_i32 : i32, i32
  }
  func.func @transform_3(%arg0: i32) -> (i32, i32) {
    %c0_i32 = arith.constant 0 : i32
    %c0_i32_0 = arith.constant 0 : i32
    return %arg0, %c0_i32 : i32, i32
  }
  func.func @transform_4(%arg0: i32) -> (i32, i32) {
    %c0_i32 = arith.constant 0 : i32
    %c0_i32_0 = arith.constant 0 : i32
    return %arg0, %c0_i32 : i32, i32
  }
  func.func @transform_5(%arg0: i32) -> (i32, i32) {
    %c0_i32 = arith.constant 0 : i32
    %c0_i32_0 = arith.constant 0 : i32
    %c0_i32_1 = arith.constant 0 : i32
    return %c0_i32, %c0_i32_0 : i32, i32
  }
  func.func @transform_6(%arg0: i32) -> (i32, i32) {
    %c0_i32 = arith.constant 0 : i32
    %c0_i32_0 = arith.constant 0 : i32
    %c0_i32_1 = arith.constant 0 : i32
    return %c0_i32, %c0_i32_0 : i32, i32
  }
  func.func @transform_7(%arg0: i32) -> (i32, i32) {
    %c0_i32 = arith.constant 0 : i32
    %c0_i32_0 = arith.constant 0 : i32
    %c0_i32_1 = arith.constant 0 : i32
    return %c0_i32, %c0_i32_0 : i32, i32
  }
  func.func @transform_8(%arg0: i32) -> (i32, i32) {
    %c0_i32 = arith.constant 0 : i32
    %c0_i32_0 = arith.constant 0 : i32
    %c0_i32_1 = arith.constant 0 : i32
    return %c0_i32, %c0_i32_0 : i32, i32
  }
  func.func @transform_9(%arg0: i32) -> (i32, i32) {
    %c0_i32 = arith.constant 0 : i32
    %c0_i32_0 = arith.constant 0 : i32
    %c0_i32_1 = arith.constant 0 : i32
    return %c0_i32, %c0_i32_0 : i32, i32
  }
  func.func @transform_10(%arg0: i32) -> (i32, i32) {
    %c0_i32 = arith.constant 0 : i32
    %c0_i32_0 = arith.constant 0 : i32
    %c0_i32_1 = arith.constant 0 : i32
    return %c0_i32, %c0_i32_0 : i32, i32
  }
  func.func @transform_11(%arg0: i32) -> (i32, i32) {
    %c0_i32 = arith.constant 0 : i32
    %c0_i32_0 = arith.constant 0 : i32
    return %arg0, %c0_i32 : i32, i32
  }
  func.func @transform_12(%arg0: i32) -> (i32, i32) {
    %c0_i32 = arith.constant 0 : i32
    %c0_i32_0 = arith.constant 0 : i32
    %c0_i32_1 = arith.constant 0 : i32
    return %c0_i32, %c0_i32_0 : i32, i32
  }
}

</mosaic_0001>

<sc_bundles>
// kernel: kernel.4.cloned.1.call-start
scs
__scs_entry_jumppad:
0x0: {  	(pc) =	sbr.rel $0x88, $3  }
0x1: {  	(tag) =	ssettag $0x0;
	lr =	simm.s32 $0x1  }
0x2: {  	[smem:$0x3F96] =	sst lr;
	_ =	strace $0xD0000000  }
0x3: {  	_ = 	snop  }
0x4: {  	_ = 	snop  }
0x5: {  	_ = 	snop  }
0x6: {  	_ = 	snop  }
0x7: {  	_ = 	snop  }
__scs_overlays_trampoline_lowered:
0x8: {  	[smem:$0x3FA5] =	sst s0  }
0x9: {  	[smem:$0x3FA6] =	sst s1  }
0xa: {  	[smem:$0x3FA7] =	sst s2  }
0xb: {  	[smem:$0x3FA8] =	sst s3  }
0xc: {  	[smem:$0x3FA9] =	sst s4  }
0xd: {  	[smem:$0x3FAA] =	sst s5  }
0xe: {  	[smem:$0x3FAB] =	sst s6  }
0xf: {  	[smem:$0x3FAC] =	sst s7  }
0x10: {  	[smem:$0x3FAD] =	sst s8  }
0x11: {  	[smem:$0x3FAE] =	sst s9;
	s0 =	simm.s32 @!p0 $0x0  }
0x12: {  	s1 =	sld [smem:$0x3F94];
	s0 =	simm.s32 @p0 $0x1  }
0x13: {  	[smem:$0x3FAF] =	sst s0;
	s0 =	simm.s32 @!p1 $0x0  }
0x14: {  	s2 =	sld [smem:$0x3F93];
	s0 =	simm.s32 @p1 $0x1  }
0x15: {  	[smem:$0x3FB0] =	sst s0;
	s0 =	simm.s32 @!p2 $0x0  }
0x16: {  	s3 =	sld [smem:$0x3FDB];
	s0 =	simm.s32 @p2 $0x1  }
0x17: {  	s4 =	simm.s32 $0x1BF5;
	[smem:$0x3FB2] =	sst s0  }
0x18: {  	s0 =	sld [smem:$0x3F95];
	_ =	swait.ge [sflag:s4], $0x0  }
0x19: {  	s7 =	sld [smem:$0x3F96]  }
0x1a: {  	s8 =	sadd.s32 $0xFFFFE003, lr  }
0x1b: {  	s9 =	sadd.s32 $0xFFFFFEF7, lr;
	s5 =	simm.s32 $0xFFFFFFFF;
	p2 =	slt.u32 s8, $0xFFFFF086  }
0x1c: {  	p1 =	slt.u32 s9, $0xF7A;
	s5 =	simm.s32 @!p2 $0x0  }
0x1d: {  	s5 =	simm.s32 @p1 $0x1;
	p0 =	seq.s32 s7, s2  }
0x1e: {  	s7 =	smul.u32 @!p0 $0xF7A, s2;
	p2 =	seq.s32 @!p0 s5, $0x0  }
0x1f: {  	s9 =	smul.u32 $0xF7A, s1;
	s8 =	simm.s32 @!p0 $0x1BF5;
	p2 =	por !p2, p0  }
0x20: {  	[sflag:s8] =	ssyncset.s32 @!p0 $0xFFFFF086;
	s6 =	sadd.s32 @!p0 s3, s7;
	s7 =	simm.s32 @!p0 $0x108  }
0x21: {  	s3 =	sadd.s32 s3, s9;
	s6 =	sadd.s32 @!p0 $0x88, s6;
	s7 =	simm.s32 @p2 $0x1082  }
0x22: {  	[simem:s7], [sflag:s8] =	dma.local @!p0 [hbm:s6], $0xF7A  }
0x23: {  	s9 =	sor.u32 $0xD0000000, s2;
	s6 =	simm.s32 $0x108;
	_ =	swait.ge @!p0 [sflag:s8], $0x0  }
0x24: {  	s3 =	sadd.s32 $0x88, s3;
	s6 =	simm.s32 @!p1 $0x1082;
	[sflag:s4] =	ssyncset.s32 $0xFFFFF086  }
0x25: {  	[simem:s6], [sflag:s4] =	dma.local [hbm:s3], $0xF7A  }
0x26: {  	[smem:$0x3F96] =	sst s1;
	(tag) =	ssettag s2;
	_ =	strace s9  }
0x27: {  	s1 =	sld [smem:$0x3FA6]  }
0x28: {  	s2 =	sld [smem:$0x3FA7]  }
0x29: {  	s4 =	sld [smem:$0x3FA9]  }
0x2a: {  	p0 =	seq.s32 s5, $0x0;
	s5 =	sld [smem:$0x3FAA]  }
0x2b: {  	s6 =	sld [smem:$0x3FAB]  }
0x2c: {  	s7 =	sld [smem:$0x3FAC]  }
0x2d: {  	s3 =	simm.s32 $0x108;
	s8 =	sld [smem:$0x3FAD]  }
0x2e: {  	s3 =	simm.s32 @!p0 $0x1082;
	s9 =	sld [smem:$0x3FAE]  }
0x2f: {  	lr =	sadd.s32 s0, s3;
	s0 =	sld [smem:$0x3FA5]  }
0x30: {  	s3 =	sld [smem:$0x3FA8]  }
0x31: {  	[smem:$0x3FB1] =	sst s10  }
0x32: {  	s10 =	sld [smem:$0x3FAF];
	_ =	sdelay $0x3  }
0x33: {  	p0 =	seq.s32 s10, $0x1;
	s10 =	sld [smem:$0x3FB1];
	_ =	sdelay $0x3  }
0x34: {  	[smem:$0x3FB1] =	sst s10  }
0x35: {  	s10 =	sld [smem:$0x3FB0];
	_ =	sdelay $0x3  }
0x36: {  	p1 =	seq.s32 s10, $0x1;
	s10 =	sld [smem:$0x3FB1];
	_ =	sdelay $0x3  }
0x37: {  	[smem:$0x3FB1] =	sst s10  }
0x38: {  	s10 =	sld [smem:$0x3FB2]  }
0x39: {  	_ = 	snop;
	(pc) =	sbr.ind lr, $3  }
0x3a: {  	_ = 	snop  }
0x3b: {  	_ = 	snop  }
0x3c: {  	p2 =	seq.s32 s10, $0x1;
	s10 =	sld [smem:$0x3FB1]  }
0x3d: {  	_ =	shalt  }
0x3e: {  	_ =	shalt  }
0x3f: {  	_ =	shalt  }
0x40: {  	_ =	shalt  }
0x41: {  	_ =	shalt  }
0x42: {  	_ =	shalt  }
0x43: {  	_ =	shalt  }
0x44: {  	_ =	shalt  }
0x45: {  	_ =	shalt  }
0x46: {  	_ =	shalt  }
0x47: {  	_ =	shalt  }
0x48: {  	_ =	shalt  }
0x49: {  	_ =	shalt  }
0x4a: {  	_ =	shalt  }
0x4b: {  	_ =	shalt  }
0x4c: {  	_ =	shalt  }
0x4d: {  	_ =	shalt  }
0x4e: {  	_ =	shalt  }
0x4f: {  	_ =	shalt  }
0x50: {  	_ =	shalt  }
0x51: {  	_ =	shalt  }
0x52: {  	_ =	shalt  }
0x53: {  	_ =	shalt  }
0x54: {  	_ =	shalt  }
0x55: {  	_ =	shalt  }
0x56: {  	_ =	shalt  }
0x57: {  	_ =	shalt  }
0x58: {  	_ =	shalt  }
0x59: {  	_ =	shalt  }
0x5a: {  	_ =	shalt  }
0x5b: {  	_ =	shalt  }
0x5c: {  	_ =	shalt  }
0x5d: {  	_ =	shalt  }
0x5e: {  	_ =	shalt  }
0x5f: {  	_ =	shalt  }
0x60: {  	_ =	shalt  }
0x61: {  	_ =	shalt  }
0x62: {  	_ =	shalt  }
0x63: {  	_ =	shalt  }
0x64: {  	_ =	shalt  }
0x65: {  	_ =	shalt  }
0x66: {  	_ =	shalt  }
0x67: {  	_ =	shalt  }
0x68: {  	_ =	shalt  }
0x69: {  	_ =	shalt  }
0x6a: {  	_ =	shalt  }
0x6b: {  	_ =	shalt  }
0x6c: {  	_ =	shalt  }
0x6d: {  	_ =	shalt  }
0x6e: {  	_ =	shalt  }
0x6f: {  	_ =	shalt  }
0x70: {  	_ =	shalt  }
0x71: {  	_ =	shalt  }
0x72: {  	_ =	shalt  }
0x73: {  	_ =	shalt  }
0x74: {  	_ =	shalt  }
0x75: {  	_ =	shalt  }
0x76: {  	_ =	shalt  }
0x77: {  	_ =	shalt  }
0x78: {  	_ =	shalt  }
0x79: {  	_ =	shalt  }
0x7a: {  	_ =	shalt  }
0x7b: {  	_ =	shalt  }
0x7c: {  	_ =	shalt  }
0x7d: {  	_ =	shalt  }
0x7e: {  	_ =	shalt  }
0x7f: {  	_ =	shalt  }
0x80: {  	_ =	shalt  }
0x81: {  	_ =	shalt  }
0x82: {  	_ =	shalt  }
0x83: {  	_ =	shalt  }
0x84: {  	_ =	shalt  }
0x85: {  	_ =	shalt  }
0x86: {  	_ =	shalt  }
0x87: {  	_ =	shalt  }
.Lfunc_end0:
.L_simem_size_0:
called_computation_lowered:
.L_overlay_start_0:
0x88: {  	s2 =	sld [smem:$0x3FD9]  }
0x89: {  	s3 =	sld [smem:$0x3FFE];
	_ =	sdelay $0x1  }
0x8a: {  	s1 =	srdreg.scid  }
0x8b: {  	s0 =	sand.u32 $0x1, s1  }
0x8c: {  	s14 =	sshll.u32 s0, $0xA;
	s2 =	sadd.s32 s3, s2  }
0x8d: {  	s2 =	sadd.s32 s2, s14  }
0x8e: {  	[smem:$0x3FBD] =	sst s2  }
0x8f: {  	_ = 	snop  }
0x90: {  	s2 =	sld [smem:$0x3FC9]  }
0x91: {  	s15 =	sld [smem:$0x3FD0]  }
0x92: {  	s4 =	sld [smem:$0x3FC8]  }
0x93: {  	s5 =	sld [smem:$0x3FC7]  }
0x94: {  	s7 =	simm.s32 $0xA;
	s8 =	simm.s32 $0x10;
	s6 =	sld [smem:$0x3FC6]  }
0x95: {  	[smem:s8], [sflag:s7] =	dma.local [hbm:s15], $0x1  }
0x96: {  	_ =	swait.eq [sflag:s7], $0x1  }
0x97: {  	[sflag:s7] =	ssyncset.done $0x0  }
0x98: {  	[sflag:s7] =	ssyncadd.s32 $0xFFFFFFFF  }
0x99: {  	s16 =	sld [smem:$0x11];
	(tm) =	ssettm $0x1  }
0x9a: {  	s17 =	sld [smem:$0x3FFB];
	_ =	sdelay $0x3  }
0x9b: {  	_ =	strace s17  }
0x9c: {  	s7 =	sld [smem:$0x3FFC];
	_ =	sdelay $0x3  }
0x9d: {  	_ =	strace s7  }
0x9e: {  	s7 =	sld [smem:$0x3FFD];
	_ =	sdelay $0x3  }
0x9f: {  	_ =	strace s7  }
0xa0: {  	_ =	strace $0x8FFFFFFF  }
0xa1: {  	s18 =	sld [smem:$0x3FDB];
	_ =	sdelay $0x1  }
0xa2: {  	s19 =	simm.s32 $_scs_section_size  }
0xa3: {  	s9 =	simm.s32 $_size__tile_overlayer_lowered;
	s10 =	simm.s32 $_tile_overlayer_lowered  }
0xa4: {  	s22 =	simm.s32 $0x1BFF;
	s21 =	sshll.u32 s10, $0x1;
	s7 =	sadd.s32 s19, s18  }
0xa5: {  	s11 =	simm.s32 $0x0;
	s20 =	sshll.u32 s9, $0x1;
	s9 =	sadd.s32 s21, s7  }
0xa6: {  	[timem:s11], [sflag:s22] =	dma.local [hbm:s9], s20  }
0xa7: {  	_ =	swait.ge [sflag:s22], s20  }
0xa8: {  	s8 =	ssub.s32 $0x0, s20;
	[sflag:s22] =	ssyncset.done $0x0  }
0xa9: {  	[sflag:s22] =	ssyncadd.s32 s8;
	_ =	sdelay $0x1  }
0xaa: {  	s23 =	simm.s32 $0x1B8B  }
0xab: {  	_ =	swait.ge [sflag:s23], $0x1  }
0xac: {  	[sflag:s23] =	ssyncset.done $0x0  }
0xad: {  	s25 =	simm.s32 $0x1B8E;
	s24 =	sld [smem:$0x3FFE];
	[sflag:s23] =	ssyncadd.s32 $0xFFFFFFFF  }
0xae: {  	s26 =	simm.s32 $execute0_lowered;
	[smem:$0x3FD2] =	sst s25  }
0xaf: {  	s9 =	sshll.u32 s26, $0x1;
	_ =	strace $0x80000046;
	[dreg:$0x1] =	wrdreg $0xFFFFFFFF  }
0xb0: {  	s28 =	simm.s32 $_size_execute0_lowered;
	s7 =	sadd.s32 s7, s9;
	[dreg:$0x0] =	wrdreg $0x0  }
0xb1: {  	s9 =	sshll.u32 s28, $0x1;
	[dreg:$0x2] =	wrdreg s7  }
0xb2: {  	[dreg:$0x3] =	wrdreg s9  }
0xb3: {  	[dreg:$0x4] =	wrdreg $0xC0  }
0xb4: {  	_ =	task [dreg:s11], $0x5FFFF  }
0xb5: {  	[dreg:$0x1] =	wrdreg $0xFFFFFFFF  }
0xb6: {  	[dreg:$0x0] =	wrdreg $0x60  }
0xb7: {  	[dreg:$0x2] =	wrdreg s24  }
0xb8: {  	[dreg:$0x3] =	wrdreg s2  }
0xb9: {  	[dreg:$0x4] =	wrdreg s5  }
0xba: {  	[dreg:$0x5] =	wrdreg s4  }
0xbb: {  	[dreg:$0x6] =	wrdreg s6  }
0xbc: {  	[dreg:$0x7] =	wrdreg s16  }
0xbd: {  	[dreg:$0x8] =	wrdreg $0x9  }
0xbe: {  	_ =	task.clear_ibuf [dreg:s11], $0x9FFFF;
	_ =	strace $0x90000046  }
0xbf: {  	s29 =	simm.s32 $0x9;
	_ =	strace $0x80000048  }
0xc0: {  	_ =	swait.ge [sflag:s29], $0x1  }
0xc1: {  	[sflag:s29] =	ssyncadd.s32 $0xFFFFFFFF  }
0xc2: {  	_ =	strace $0x90000048  }
0xc3: {  	_ =	sfence  }
0xc4: {  	s30 =	sld [smem:$0x0];
	_ =	sdelay $0x2  }
0xc5: {  	s31 =	sshll.u32 s1, $0xD;
	s1 =	sshrl.u32 s1, $0x2  }
0xc6: {  	s3 =	sand.u32 $0x4000, s31;
	s1 =	sadd.s32 s1, s30  }
0xc7: {  	s0 =	sor.u32 s3, s0;
	s1 =	sshll.u32 s1, $0x11  }
0xc8: {  	s0 =	sor.u32 s1, s0  }
0xc9: {  	s0 =	sadd.s32 $0x8F2B, s0  }
0xca: {  	[sflag:s0] =	ssyncadd.remote.s32 $0x1  }
0xcb: {  	_ =	sfence.sel $0xFFFF  }
0xcc: {  	[dreg:$0x0] =	wrdreg $0xFFFFFFFF;
	(pc) =	sbr.abs _section_cstart, $3  }
0xcd: {  	[dreg:$0x1] =	wrdreg $0xFFFFFFFF  }
0xce: {  	_ =	task.clear_ibuf [dreg:s11], $0x2FFFF;
	_ =	strace $0x9FFFFFFF  }
0xcf: {  	(tm) =	ssettm $0x7FFFFFFF  }
tec
execute0_lowered:
.L_overlay_start_1:
0x0: {  	(tag) =	ssettag $0x1  }
0x1: {  	s0 =	rddreg [dreg:$0x0]  }
0x2: {  	s1 =	rddreg [dreg:$0x1]  }
0x3: {  	s5 =	rddreg [dreg:$0x2]  }
0x4: {  	s6 =	rddreg [dreg:$0x3]  }
0x5: {  	s7 =	rddreg [dreg:$0x4]  }
0x6: {  	s8 =	rddreg [dreg:$0x5]  }
0x7: {  	s2 =	simm.s32 $0x0;
	s3 =	srdreg.scid;
	s13 =	stileid.u32  }
0x8: {  	s16 =	simm.s32 $0x18800;
	s17 =	simm.s32 $0x80;
	[smem:$0x7FF] =	sst s2  }
0x9: {  	s9 =	sand.u32 $0x1, s3;
	s10 =	sshll.u32 s13, $0x1;
	s3 =	sadd.s32 $0x1800, s0  }
0xa: {  	s4 =	sadd.s32 $0xF43C00, s0;
	s11 =	sadd.s32 $0xF47C00, s0;
	s10 =	sor.u32 s9, s10  }
0xb: {  	s29 =	sshll.u32 s13, $0x7;
	s21 =	sshll.u32 s10, $0xC;
	s10 =	sshll.u32 s10, $0x6  }
0xc: {  	_ =	strace $0x80000047;
	[dreg:$0x7] =	wrdreg s11;
	s1 =	sadd.s32 s1, s10  }
0xd: {  	s12 =	ssub.s32 $0x2, s9;
	s23 =	sadd.s32 s5, s10;
	[dreg:$0x8] =	wrdreg s1  }
0xe: {  	s26 =	sshll.u32 s9, $0x6;
	s24 =	sadd.s32 s6, s10;
	[dreg:$0x9] =	wrdreg s23  }
0xf: {  	s0 =	sadd.s32 s21, s0;
	s25 =	sadd.s32 s7, s10;
	[dreg:$0xa] =	wrdreg s24  }
0x10: {  	s22 =	sshrl.u32 s12, $0x1;
	[dreg:$0xb] =	wrdreg s25;
	s28 =	sadd.s32 $0xF47E00, s0  }
0x11: {  	s11 =	ssub.s32 s12, s22;
	s0 =	sadd.s32 $0xF67E00, s0;
	[dreg:$0xc] =	wrdreg s28  }
0x12: {  	s1 =	sadd.s32 s8, s26;
	s31 =	smax.u32 s11, $0x1;
	[dreg:$0xd] =	wrdreg s0  }
0x13: {  	s18 =	simm.s32 $0x400;
	s30 =	sadd.s32 s29, s1;
	[dreg:$0xf] =	wrdreg s31  }
0x14: {  	s5 =	simm.s32 $0x4;
	s1 =	simm.s32 $0x0;
	[dreg:$0xe] =	wrdreg s30  }
.LBB2_1:
0x15: {  	[dreg:$0x10] =	wrdreg s1  }
0x16: {  	s0 =	rddreg [dreg:$0x8]  }
0x17: {  	[tilespmem:s2], [sflag:$0x4] =	stream.linear.gather [hbm4b:s0+s2], $0x200, $0x38;
	[tilespmem:$0x18E00] =	vst v63  }
0x18: {  	_ =	swait.ge [sflag:s5], $0x200  }
0x19: {  	[sflag:s5] =	ssyncset.done $0x0  }
0x1a: {  	s13 =	simm.s32 $0x200;
	s14 =	rddreg [dreg:$0x9];
	[sflag:s5] =	ssyncadd.s32 $0xFFFFFE00  }
0x1b: {  	[tilespmem:s13], [sflag:$0x4] =	stream.linear.gather [hbm4b:s14+s2], $0x200, $0x38;
	[tilespmem:$0x18E00] =	vst v63  }
0x1c: {  	_ =	swait.ge [sflag:s5], $0x200  }
0x1d: {  	[sflag:s5] =	ssyncset.done $0x0  }
0x1e: {  	s15 =	rddreg [dreg:$0xa];
	[sflag:s5] =	ssyncadd.s32 $0xFFFFFE00  }
0x1f: {  	[tilespmem:s18], [sflag:$0x4] =	stream.linear.gather [hbm4b:s15+s2], $0x200, $0x38;
	[tilespmem:$0x18E00] =	vst v63  }
0x20: {  	_ =	swait.ge [sflag:s5], $0x200  }
0x21: {  	[sflag:s5] =	ssyncset.done $0x0  }
0x22: {  	s6 =	simm.s32 $0x600;
	s19 =	rddreg [dreg:$0xb];
	[sflag:s5] =	ssyncadd.s32 $0xFFFFFE00  }
0x23: {  	[tilespmem:s6], [sflag:$0x4] =	stream.linear.gather [hbm4b:s19+s2], $0x200, $0x38;
	[tilespmem:$0x18E00] =	vst v63  }
0x24: {  	_ =	swait.ge [sflag:s5], $0x200  }
0x25: {  	[sflag:s5] =	ssyncset.done $0x0  }
0x26: {  	s20 =	rddreg [dreg:$0x7];
	[sflag:s5] =	ssyncadd.s32 $0xFFFFFE00  }
0x27: {  	[tilespmem:s16], [sflag:$0x4] =	stream.linear.gather [hbm4b:s20+s2], $0x400, $0x38;
	[tilespmem:$0x18E00] =	vst v63  }
0x28: {  	_ =	swait.ge [sflag:s5], $0x400  }
0x29: {  	[sflag:s5] =	ssyncset.done $0x0  }
0x2a: {  	[sflag:s5] =	ssyncadd.s32 $0xFFFFFC00  }
0x2b: {  	v0 =	vld [tilespmem:s2+$0x0];
	_ =	sdelay $0x1  }
0x2c: {  	v1 =	vld [tilespmem:s13+$0x0];
	_ =	sdelay $0x2  }
0x2d: {  	v2 =	vshll.u32 v0, $0x4  }
0x2e: {  	v3 =	vld [tilespmem:s18+$0x0];
	(v2sf) =	vpush v2, $0x0  }
0x2f: {  	v62 =	vshll.u32 v1, $0x4  }
0x30: {  	(v2sf) =	vpush v62, $0x0;
	_ =	sdelay $0x1  }
0x31: {  	(v2sf) =	vpush v2, $0x1  }
0x32: {  	v63 =	vshll.u32 v3, $0x4  }
0x33: {  	(v2sf) =	vpush v63, $0x0;
	_ =	sdelay $0x5  }
0x34: {  	(v2sf) =	vpush v2, $0x2;
	_ =	sdelay $0x1  }
0x35: {  	(v2sf) =	vpush v62, $0x1  }
0x36: {  	s21 =	spop (v2sf)  }
0x37: {  	s0 =	sand.u32 $0x1FFFFFF0, s21  }
0x38: {  	s23 =	simm.s32 $0x800;
	s22 =	spop (v2sf);
	s0 =	sadd.s32 s3, s0  }
0x39: {  	(v2sf) =	vpush v63, $0x1;
	[tilespmem:s23], [sflag:$0x1] =	stream.strided.gather [hbm4b:s0+s17], $0x0, s18, s17, $0x38;
	[tilespmem:$0x18E00] =	vst v63  }
0x3a: {  	s1 =	sand.u32 $0x1FFFFFF0, s22;
	s24 =	spop (v2sf)  }
0x3b: {  	[tilespmem:s23], [sflag:$0x1] =	stream.linear.gather [hbm4b:s0+s2], $0x40, $0x38;
	[tilespmem:$0x18E00] =	vst v63  }
0x3c: {  	s25 =	simm.s32 $0x8800;
	s1 =	sadd.s32 s3, s1;
	s26 =	spop (v2sf)  }
0x3d: {  	[tilespmem:s25], [sflag:$0x2] =	stream.strided.gather [hbm4b:s1+s17], $0x0, s18, s17, $0x38;
	[tilespmem:$0x18E00] =	vst v63  }
0x3e: {  	s5 =	sand.u32 $0x1FFFFFF0, s26  }
0x3f: {  	[tilespmem:s25], [sflag:$0x2] =	stream.linear.gather [hbm4b:s1+s2], $0x40, $0x38;
	[tilespmem:$0x18E00] =	vst v63  }
0x40: {  	s7 =	sadd.s32 s4, s5;
	s1 =	simm.s32 $0x10800  }
0x41: {  	(v2sf) =	vpush v62, $0x2;
	[tilespmem:s1], [sflag:$0x3] =	stream.strided.gather [hbm4b:s7+s17], $0x0, s18, s17, $0x38;
	[tilespmem:$0x18E00] =	vst v63  }
0x42: {  	s8 =	sand.u32 $0x1FFFFFF0, s24;
	s9 =	spop (v2sf)  }
0x43: {  	[tilespmem:s1], [sflag:$0x3] =	stream.linear.gather [hbm4b:s7+s2], $0x40, $0x38;
	[tilespmem:$0x18E00] =	vst v63  }
0x44: {  	s10 =	simm.s32 $0x840;
	s11 =	spop (v2sf);
	s5 =	sadd.s32 s3, s8  }
0x45: {  	(v2sf) =	vpush v63, $0x2;
	[tilespmem:s10], [sflag:$0x1] =	stream.strided.gather [hbm4b:s5+s17], $0x0, s18, s17, $0x38;
	[tilespmem:$0x18E00] =	vst v63  }
0x46: {  	s1 =	sand.u32 $0x1FFFFFF0, s11  }
0x47: {  	[tilespmem:s10], [sflag:$0x1] =	stream.linear.gather [hbm4b:s5+s2], $0x40, $0x38;
	[tilespmem:$0x18E00] =	vst v63  }
0x48: {  	s13 =	simm.s32 $0x8840;
	s1 =	sadd.s32 s3, s1;
	s12 =	spop (v2sf)  }
0x49: {  	(v2sf) =	vpush v2, $0x3;
	[tilespmem:s13], [sflag:$0x2] =	stream.strided.gather [hbm4b:s1+s17], $0x0, s18, s17, $0x38;
	[tilespmem:$0x18E00] =	vst v63  }
0x4a: {  	s0 =	sand.u32 $0x1FFFFFF0, s12  }
0x4b: {  	[tilespmem:s13], [sflag:$0x2] =	stream.linear.gather [hbm4b:s1+s2], $0x40, $0x38;
	[tilespmem:$0x18E00] =	vst v63  }
0x4c: {  	s14 =	simm.s32 $0x10840;
	s0 =	sadd.s32 s4, s0  }
0x4d: {  	(v2sf) =	vpush v62, $0x3;
	[tilespmem:s14], [sflag:$0x3] =	stream.strided.gather [hbm4b:s0+s17], $0x0, s18, s17, $0x38;
	[tilespmem:$0x18E00] =	vst v63  }
0x4e: {  	s15 =	sand.u32 $0x1FFFFFF0, s9  }
0x4f: {  	[tilespmem:s14], [sflag:$0x3] =	stream.linear.gather [hbm4b:s0+s2], $0x40, $0x38;
	[tilespmem:$0x18E00] =	vst v63  }
0x50: {  	s20 =	simm.s32 $0x880;
	s19 =	spop (v2sf);
	s5 =	sadd.s32 s3, s15  }
0x51: {  	(v2sf) =	vpush v63, $0x3;
	[tilespmem:s20], [sflag:$0x1] =	stream.strided.gather [hbm4b:s5+s17], $0x0, s18, s17, $0x38;
	[tilespmem:$0x18E00] =	vst v63  }
0x52: {  	s0 =	sand.u32 $0x1FFFFFF0, s19  }
0x53: {  	[tilespmem:s20], [sflag:$0x1] =	stream.linear.gather [hbm4b:s5+s2], $0x40, $0x38;
	[tilespmem:$0x18E00] =	vst v63  }
0x54: {  	s22 =	simm.s32 $0x8880;
	s21 =	spop (v2sf);
	s0 =	sadd.s32 s3, s0  }
0x55: {  	(v2sf) =	vpush v2, $0x4;
	[tilespmem:s22], [sflag:$0x2] =	stream.strided.gather [hbm4b:s0+s17], $0x0, s18, s17, $0x38;
	[tilespmem:$0x18E00] =	vst v63  }
0x56: {  	s1 =	sand.u32 $0x1FFFFFF0, s21  }
0x57: {  	[tilespmem:s22], [sflag:$0x2] =	stream.linear.gather [hbm4b:s0+s2], $0x40, $0x38;
	[tilespmem:$0x18E00] =	vst v63  }
0x58: {  	s24 =	simm.s32 $0x10880;
	s23 =	spop (v2sf);
	s1 =	sadd.s32 s4, s1  }
0x59: {  	(v2sf) =	vpush v62, $0x4;
	[tilespmem:s24], [sflag:$0x3] =	stream.strided.gather [hbm4b:s1+s17], $0x0, s18, s17, $0x38;
	[tilespmem:$0x18E00] =	vst v63  }
0x5a: {  	s0 =	sand.u32 $0x1FFFFFF0, s23  }
0x5b: {  	[tilespmem:s24], [sflag:$0x3] =	stream.linear.gather [hbm4b:s1+s2], $0x40, $0x38;
	[tilespmem:$0x18E00] =	vst v63  }
0x5c: {  	s26 =	simm.s32 $0x8C0;
	s25 =	spop (v2sf);
	s0 =	sadd.s32 s3, s0  }
0x5d: {  	(v2sf) =	vpush v63, $0x4;
	[tilespmem:s26], [sflag:$0x1] =	stream.strided.gather [hbm4b:s0+s17], $0x0, s18, s17, $0x38;
	[tilespmem:$0x18E00] =	vst v63  }
0x5e: {  	s1 =	sand.u32 $0x1FFFFFF0, s25  }
0x5f: {  	[tilespmem:s26], [sflag:$0x1] =	stream.linear.gather [hbm4b:s0+s2], $0x40, $0x38;
	[tilespmem:$0x18E00] =	vst v63  }
0x60: {  	s7 =	simm.s32 $0x88C0;
	s6 =	spop (v2sf);
	s1 =	sadd.s32 s3, s1  }
0x61: {  	(v2sf) =	vpush v2, $0x5;
	[tilespmem:s7], [sflag:$0x2] =	stream.strided.gather [hbm4b:s1+s17], $0x0, s18, s17, $0x38;
	[tilespmem:$0x18E00] =	vst v63  }
0x62: {  	s0 =	sand.u32 $0x1FFFFFF0, s6  }
0x63: {  	[tilespmem:s7], [sflag:$0x2] =	stream.linear.gather [hbm4b:s1+s2], $0x40, $0x38;
	[tilespmem:$0x18E00] =	vst v63  }
0x64: {  	s9 =	simm.s32 $0x108C0;
	s8 =	spop (v2sf);
	s0 =	sadd.s32 s4, s0  }
0x65: {  	(v2sf) =	vpush v62, $0x5;
	[tilespmem:s9], [sflag:$0x3] =	stream.strided.gather [hbm4b:s0+s17], $0x0, s18, s17, $0x38;
	[tilespmem:$0x18E00] =	vst v63  }
0x66: {  	s1 =	sand.u32 $0x1FFFFFF0, s8  }
0x67: {  	[tilespmem:s9], [sflag:$0x3] =	stream.linear.gather [hbm4b:s0+s2], $0x40, $0x38;
	[tilespmem:$0x18E00] =	vst v63  }
0x68: {  	s11 =	simm.s32 $0x900;
	s10 =	spop (v2sf);
	s1 =	sadd.s32 s3, s1  }
0x69: {  	(v2sf) =	vpush v63, $0x5;
	[tilespmem:s11], [sflag:$0x1] =	stream.strided.gather [hbm4b:s1+s17], $0x0, s18, s17, $0x38;
	[tilespmem:$0x18E00] =	vst v63  }
0x6a: {  	s0 =	sand.u32 $0x1FFFFFF0, s10  }
0x6b: {  	[tilespmem:s11], [sflag:$0x1] =	stream.linear.gather [hbm4b:s1+s2], $0x40, $0x38;
	[tilespmem:$0x18E00] =	vst v63  }
0x6c: {  	s13 =	simm.s32 $0x8900;
	s12 =	spop (v2sf);
	s0 =	sadd.s32 s3, s0  }
0x6d: {  	(v2sf) =	vpush v2, $0x6;
	[tilespmem:s13], [sflag:$0x2] =	stream.strided.gather [hbm4b:s0+s17], $0x0, s18, s17, $0x38;
	[tilespmem:$0x18E00] =	vst v63  }
0x6e: {  	s1 =	sand.u32 $0x1FFFFFF0, s12  }
0x6f: {  	[tilespmem:s13], [sflag:$0x2] =	stream.linear.gather [hbm4b:s0+s2], $0x40, $0x38;
	[tilespmem:$0x18E00] =	vst v63  }
0x70: {  	s15 =	simm.s32 $0x10900;
	s14 =	spop (v2sf);
	s1 =	sadd.s32 s4, s1  }
0x71: {  	(v2sf) =	vpush v62, $0x6;
	[tilespmem:s15], [sflag:$0x3] =	stream.strided.gather [hbm4b:s1+s17], $0x0, s18, s17, $0x38;
	[tilespmem:$0x18E00] =	vst v63  }
0x72: {  	s0 =	sand.u32 $0x1FFFFFF0, s14  }
0x73: {  	[tilespmem:s15], [sflag:$0x3] =	stream.linear.gather [hbm4b:s1+s2], $0x40, $0x38;
	[tilespmem:$0x18E00] =	vst v63  }
0x74: {  	s20 =	simm.s32 $0x940;
	s19 =	spop (v2sf);
	s0 =	sadd.s32 s3, s0  }
0x75: {  	(v2sf) =	vpush v63, $0x6;
	[tilespmem:s20], [sflag:$0x1] =	stream.strided.gather [hbm4b:s0+s17], $0x0, s18, s17, $0x38;
	[tilespmem:$0x18E00] =	vst v63  }
0x76: {  	s1 =	sand.u32 $0x1FFFFFF0, s19  }
0x77: {  	[tilespmem:s20], [sflag:$0x1] =	stream.linear.gather [hbm4b:s0+s2], $0x40, $0x38;
	[tilespmem:$0x18E00] =	vst v63  }
0x78: {  	s22 =	simm.s32 $0x8940;
	s21 =	spop (v2sf);
	s1 =	sadd.s32 s3, s1  }
0x79: {  	(v2sf) =	vpush v2, $0x7;
	[tilespmem:s22], [sflag:$0x2] =	stream.strided.gather [hbm4b:s1+s17], $0x0, s18, s17, $0x38;
	[tilespmem:$0x18E00] =	vst v63  }
0x7a: {  	s0 =	sand.u32 $0x1FFFFFF0, s21  }
0x7b: {  	[tilespmem:s22], [sflag:$0x2] =	stream.linear.gather [hbm4b:s1+s2], $0x40, $0x38;
	[tilespmem:$0x18E00] =	vst v63  }
0x7c: {  	s24 =	simm.s32 $0x10940;
	s23 =	spop (v2sf);
	s0 =	sadd.s32 s4, s0  }
0x7d: {  	(v2sf) =	vpush v62, $0x7;
	[tilespmem:s24], [sflag:$0x3] =	stream.strided.gather [hbm4b:s0+s17], $0x0, s18, s17, $0x38;
	[tilespmem:$0x18E00] =	vst v63  }
0x7e: {  	s1 =	sand.u32 $0x1FFFFFF0, s23  }
0x7f: {  	[tilespmem:s24], [sflag:$0x3] =	stream.linear.gather [hbm4b:s0+s2], $0x40, $0x38;
	[tilespmem:$0x18E00] =	vst v63  }
0x80: {  	s26 =	simm.s32 $0x980;
	s25 =	spop (v2sf);
	s1 =	sadd.s32 s3, s1  }
0x81: {  	(v2sf) =	vpush v63, $0x7;
	[tilespmem:s26], [sflag:$0x1] =	stream.strided.gather [hbm4b:s1+s17], $0x0, s18, s17, $0x38;
	[tilespmem:$0x18E00] =	vst v63  }
0x82: {  	s0 =	sand.u32 $0x1FFFFFF0, s25  }
0x83: {  	[tilespmem:s26], [sflag:$0x1] =	stream.linear.gather [hbm4b:s1+s2], $0x40, $0x38;
	[tilespmem:$0x18E00] =	vst v63  }
0x84: {  	s7 =	simm.s32 $0x8980;
	s6 =	spop (v2sf);
	s0 =	sadd.s32 s3, s0  }
0x85: {  	(v2sf) =	vpush v2, $0x8;
	[tilespmem:s7], [sflag:$0x2] =	stream.strided.gather [hbm4b:s0+s17], $0x0, s18, s17, $0x38;
	[tilespmem:$0x18E00] =	vst v63  }
0x86: {  	s1 =	sand.u32 $0x1FFFFFF0, s6  }
0x87: {  	[tilespmem:s7], [sflag:$0x2] =	stream.linear.gather [hbm4b:s0+s2], $0x40, $0x38;
	[tilespmem:$0x18E00] =	vst v63  }
0x88: {  	s9 =	simm.s32 $0x10980;
	s8 =	spop (v2sf);
	s1 =	sadd.s32 s4, s1  }
0x89: {  	(v2sf) =	vpush v62, $0x8;
	[tilespmem:s9], [sflag:$0x3] =	stream.strided.gather [hbm4b:s1+s17], $0x0, s18, s17, $0x38;
	[tilespmem:$0x18E00] =	vst v63  }
0x8a: {  	s0 =	sand.u32 $0x1FFFFFF0, s8  }
0x8b: {  	[tilespmem:s9], [sflag:$0x3] =	stream.linear.gather [hbm4b:s1+s2], $0x40, $0x38;
	[tilespmem:$0x18E00] =	vst v63  }
0x8c: {  	s11 =	simm.s32 $0x9C0;
	s10 =	spop (v2sf);
	s0 =	sadd.s32 s3, s0  }
0x8d: {  	(v2sf) =	vpush v63, $0x8;
	[tilespmem:s11], [sflag:$0x1] =	stream.strided.gather [hbm4b:s0+s17], $0x0, s18, s17, $0x38;
	[tilespmem:$0x18E00] =	vst v63  }
0x8e: {  	s1 =	sand.u32 $0x1FFFFFF0, s10  }
0x8f: {  	[tilespmem:s11], [sflag:$0x1] =	stream.linear.gather [hbm4b:s0+s2], $0x40, $0x38;
	[tilespmem:$0x18E00] =	vst v63  }
0x90: {  	s13 =	simm.s32 $0x89C0;
	s12 =	spop (v2sf);
	s1 =	sadd.s32 s3, s1  }
0x91: {  	(v2sf) =	vpush v2, $0x9;
	[tilespmem:s13], [sflag:$0x2] =	stream.strided.gather [hbm4b:s1+s17], $0x0, s18, s17, $0x38;
	[tilespmem:$0x18E00] =	vst v63  }
0x92: {  	s0 =	sand.u32 $0x1FFFFFF0, s12  }
0x93: {  	[tilespmem:s13], [sflag:$0x2] =	stream.linear.gather [hbm4b:s1+s2], $0x40, $0x38;
	[tilespmem:$0x18E00] =	vst v63  }
0x94: {  	s15 =	simm.s32 $0x109C0;
	s14 =	spop (v2sf);
	s0 =	sadd.s32 s4, s0  }
0x95: {  	(v2sf) =	vpush v62, $0x9;
	[tilespmem:s15], [sflag:$0x3] =	stream.strided.gather [hbm4b:s0+s17], $0x0, s18, s17, $0x38;
	[tilespmem:$0x18E00] =	vst v63  }
0x96: {  	s1 =	sand.u32 $0x1FFFFFF0, s14  }
0x97: {  	[tilespmem:s15], [sflag:$0x3] =	stream.linear.gather [hbm4b:s0+s2], $0x40, $0x38;
	[tilespmem:$0x18E00] =	vst v63  }
0x98: {  	s20 =	simm.s32 $0xA00;
	s19 =	spop (v2sf);
	s1 =	sadd.s32 s3, s1  }
0x99: {  	(v2sf) =	vpush v63, $0x9;
	[tilespmem:s20], [sflag:$0x1] =	stream.strided.gather [hbm4b:s1+s17], $0x0, s18, s17, $0x38;
	[tilespmem:$0x18E00] =	vst v63  }
0x9a: {  	s0 =	sand.u32 $0x1FFFFFF0, s19  }
0x9b: {  	[tilespmem:s20], [sflag:$0x1] =	stream.linear.gather [hbm4b:s1+s2], $0x40, $0x38;
	[tilespmem:$0x18E00] =	vst v63  }
0x9c: {  	s22 =	simm.s32 $0x8A00;
	s21 =	spop (v2sf);
	s0 =	sadd.s32 s3, s0  }
0x9d: {  	(v2sf) =	vpush v2, $0xA;
	[tilespmem:s22], [sflag:$0x2] =	stream.strided.gather [hbm4b:s0+s17], $0x0, s18, s17, $0x38;
	[tilespmem:$0x18E00] =	vst v63  }
0x9e: {  	s1 =	sand.u32 $0x1FFFFFF0, s21  }
0x9f: {  	[tilespmem:s22], [sflag:$0x2] =	stream.linear.gather [hbm4b:s0+s2], $0x40, $0x38;
	[tilespmem:$0x18E00] =	vst v63  }
0xa0: {  	s24 =	simm.s32 $0x10A00;
	s23 =	spop (v2sf);
	s1 =	sadd.s32 s4, s1  }
0xa1: {  	(v2sf) =	vpush v62, $0xA;
	[tilespmem:s24], [sflag:$0x3] =	stream.strided.gather [hbm4b:s1+s17], $0x0, s18, s17, $0x38;
	[tilespmem:$0x18E00] =	vst v63  }
0xa2: {  	s0 =	sand.u32 $0x1FFFFFF0, s23  }
0xa3: {  	[tilespmem:s24], [sflag:$0x3] =	stream.linear.gather [hbm4b:s1+s2], $0x40, $0x38;
	[tilespmem:$0x18E00] =	vst v63  }
0xa4: {  	s26 =	simm.s32 $0xA40;
	s25 =	spop (v2sf);
	s0 =	sadd.s32 s3, s0  }
0xa5: {  	(v2sf) =	vpush v63, $0xA;
	[tilespmem:s26], [sflag:$0x1] =	stream.strided.gather [hbm4b:s0+s17], $0x0, s18, s17, $0x38;
	[tilespmem:$0x18E00] =	vst v63  }
0xa6: {  	s1 =	sand.u32 $0x1FFFFFF0, s25  }
0xa7: {  	[tilespmem:s26], [sflag:$0x1] =	stream.linear.gather [hbm4b:s0+s2], $0x40, $0x38;
	[tilespmem:$0x18E00] =	vst v63  }
0xa8: {  	s7 =	simm.s32 $0x8A40;
	s6 =	spop (v2sf);
	s1 =	sadd.s32 s3, s1  }
0xa9: {  	(v2sf) =	vpush v2, $0xB;
	[tilespmem:s7], [sflag:$0x2] =	stream.strided.gather [hbm4b:s1+s17], $0x0, s18, s17, $0x38;
	[tilespmem:$0x18E00] =	vst v63  }
0xaa: {  	s0 =	sand.u32 $0x1FFFFFF0, s6  }
0xab: {  	[tilespmem:s7], [sflag:$0x2] =	stream.linear.gather [hbm4b:s1+s2], $0x40, $0x38;
	[tilespmem:$0x18E00] =	vst v63  }
0xac: {  	s9 =	simm.s32 $0x10A40;
	s8 =	spop (v2sf);
	s0 =	sadd.s32 s4, s0  }
0xad: {  	(v2sf) =	vpush v62, $0xB;
	[tilespmem:s9], [sflag:$0x3] =	stream.strided.gather [hbm4b:s0+s17], $0x0, s18, s17, $0x38;
	[tilespmem:$0x18E00] =	vst v63  }
0xae: {  	s1 =	sand.u32 $0x1FFFFFF0, s8  }
0xaf: {  	[tilespmem:s9], [sflag:$0x3] =	stream.linear.gather [hbm4b:s0+s2], $0x40, $0x38;
	[tilespmem:$0x18E00] =	vst v63  }
0xb0: {  	s11 =	simm.s32 $0xA80;
	s10 =	spop (v2sf);
	s1 =	sadd.s32 s3, s1  }
0xb1: {  	(v2sf) =	vpush v63, $0xB;
	[tilespmem:s11], [sflag:$0x1] =	stream.strided.gather [hbm4b:s1+s17], $0x0, s18, s17, $0x38;
	[tilespmem:$0x18E00] =	vst v63  }
0xb2: {  	s0 =	sand.u32 $0x1FFFFFF0, s10  }
0xb3: {  	[tilespmem:s11], [sflag:$0x1] =	stream.linear.gather [hbm4b:s1+s2], $0x40, $0x38;
	[tilespmem:$0x18E00] =	vst v63  }
0xb4: {  	s13 =	simm.s32 $0x8A80;
	s12 =	spop (v2sf);
	s0 =	sadd.s32 s3, s0  }
0xb5: {  	(v2sf) =	vpush v2, $0xC;
	[tilespmem:s13], [sflag:$0x2] =	stream.strided.gather [hbm4b:s0+s17], $0x0, s18, s17, $0x38;
	[tilespmem:$0x18E00] =	vst v63  }
0xb6: {  	s1 =	sand.u32 $0x1FFFFFF0, s12  }
0xb7: {  	[tilespmem:s13], [sflag:$0x2] =	stream.linear.gather [hbm4b:s0+s2], $0x40, $0x38;
	[tilespmem:$0x18E00] =	vst v63  }
0xb8: {  	s15 =	simm.s32 $0x10A80;
	s14 =	spop (v2sf);
	s1 =	sadd.s32 s4, s1  }
0xb9: {  	(v2sf) =	vpush v62, $0xC;
	[tilespmem:s15], [sflag:$0x3] =	stream.strided.gather [hbm4b:s1+s17], $0x0, s18, s17, $0x38;
	[tilespmem:$0x18E00] =	vst v63  }
0xba: {  	s0 =	sand.u32 $0x1FFFFFF0, s14  }
0xbb: {  	[tilespmem:s15], [sflag:$0x3] =	stream.linear.gather [hbm4b:s1+s2], $0x40, $0x38;
	[tilespmem:$0x18E00] =	vst v63  }
0xbc: {  	s20 =	simm.s32 $0xAC0;
	s19 =	spop (v2sf);
	s0 =	sadd.s32 s3, s0  }
0xbd: {  	(v2sf) =	vpush v63, $0xC;
	[tilespmem:s20], [sflag:$0x1] =	stream.strided.gather [hbm4b:s0+s17], $0x0, s18, s17, $0x38;
	[tilespmem:$0x18E00] =	vst v63  }
0xbe: {  	s1 =	sand.u32 $0x1FFFFFF0, s19  }
0xbf: {  	[tilespmem:s20], [sflag:$0x1] =	stream.linear.gather [hbm4b:s0+s2], $0x40, $0x38;
	[tilespmem:$0x18E00] =	vst v63  }
0xc0: {  	s22 =	simm.s32 $0x8AC0;
	s21 =	spop (v2sf);
	s1 =	sadd.s32 s3, s1  }
0xc1: {  	(v2sf) =	vpush v2, $0xD;
	[tilespmem:s22], [sflag:$0x2] =	stream.strided.gather [hbm4b:s1+s17], $0x0, s18, s17, $0x38;
	[tilespmem:$0x18E00] =	vst v63  }
0xc2: {  	s0 =	sand.u32 $0x1FFFFFF0, s21  }
0xc3: {  	[tilespmem:s22], [sflag:$0x2] =	stream.linear.gather [hbm4b:s1+s2], $0x40, $0x38;
	[tilespmem:$0x18E00] =	vst v63  }
0xc4: {  	s24 =	simm.s32 $0x10AC0;
	s23 =	spop (v2sf);
	s0 =	sadd.s32 s4, s0  }
0xc5: {  	(v2sf) =	vpush v62, $0xD;
	[tilespmem:s24], [sflag:$0x3] =	stream.strided.gather [hbm4b:s0+s17], $0x0, s18, s17, $0x38;
	[tilespmem:$0x18E00] =	vst v63  }
0xc6: {  	s1 =	sand.u32 $0x1FFFFFF0, s23  }
0xc7: {  	[tilespmem:s24], [sflag:$0x3] =	stream.linear.gather [hbm4b:s0+s2], $0x40, $0x38;
	[tilespmem:$0x18E00] =	vst v63  }
0xc8: {  	s26 =	simm.s32 $0xB00;
	s25 =	spop (v2sf);
	s1 =	sadd.s32 s3, s1  }
0xc9: {  	(v2sf) =	vpush v63, $0xD;
	[tilespmem:s26], [sflag:$0x1] =	stream.strided.gather [hbm4b:s1+s17], $0x0, s18, s17, $0x38;
	[tilespmem:$0x18E00] =	vst v63  }
0xca: {  	s0 =	sand.u32 $0x1FFFFFF0, s25  }
0xcb: {  	[tilespmem:s26], [sflag:$0x1] =	stream.linear.gather [hbm4b:s1+s2], $0x40, $0x38;
	[tilespmem:$0x18E00] =	vst v63  }
0xcc: {  	s6 =	simm.s32 $0x8B00;
	s5 =	spop (v2sf);
	s0 =	sadd.s32 s3, s0  }
0xcd: {  	(v2sf) =	vpush v2, $0xE;
	[tilespmem:s6], [sflag:$0x2] =	stream.strided.gather [hbm4b:s0+s17], $0x0, s18, s17, $0x38;
	[tilespmem:$0x18E00] =	vst v63  }
0xce: {  	s1 =	sand.u32 $0x1FFFFFF0, s5  }
0xcf: {  	[tilespmem:s6], [sflag:$0x2] =	stream.linear.gather [hbm4b:s0+s2], $0x40, $0x38;
	[tilespmem:$0x18E00] =	vst v63  }
0xd0: {  	s8 =	simm.s32 $0x10B00;
	s7 =	spop (v2sf);
	s1 =	sadd.s32 s4, s1  }
0xd1: {  	(v2sf) =	vpush v62, $0xE;
	[tilespmem:s8], [sflag:$0x3] =	stream.strided.gather [hbm4b:s1+s17], $0x0, s18, s17, $0x38;
	[tilespmem:$0x18E00] =	vst v63  }
0xd2: {  	s0 =	sand.u32 $0x1FFFFFF0, s7  }
0xd3: {  	[tilespmem:s8], [sflag:$0x3] =	stream.linear.gather [hbm4b:s1+s2], $0x40, $0x38;
	[tilespmem:$0x18E00] =	vst v63  }
0xd4: {  	s10 =	simm.s32 $0xB40;
	s9 =	spop (v2sf);
	s0 =	sadd.s32 s3, s0  }
0xd5: {  	(v2sf) =	vpush v63, $0xE;
	[tilespmem:s10], [sflag:$0x1] =	stream.strided.gather [hbm4b:s0+s17], $0x0, s18, s17, $0x38;
	[tilespmem:$0x18E00] =	vst v63  }
0xd6: {  	s1 =	sand.u32 $0x1FFFFFF0, s9  }
0xd7: {  	[tilespmem:s10], [sflag:$0x1] =	stream.linear.gather [hbm4b:s0+s2], $0x40, $0x38;
	[tilespmem:$0x18E00] =	vst v63  }
0xd8: {  	s12 =	simm.s32 $0x8B40;
	s11 =	spop (v2sf);
	s1 =	sadd.s32 s3, s1  }
0xd9: {  	(v2sf) =	vpush v2, $0xF;
	[tilespmem:s12], [sflag:$0x2] =	stream.strided.gather [hbm4b:s1+s17], $0x0, s18, s17, $0x38;
	[tilespmem:$0x18E00] =	vst v63  }
0xda: {  	s0 =	sand.u32 $0x1FFFFFF0, s11  }
0xdb: {  	(v2sf) =	vpush v62, $0xF;
	[tilespmem:s12], [sflag:$0x2] =	stream.linear.gather [hbm4b:s1+s2], $0x40, $0x38;
	[tilespmem:$0x18E00] =	vst v63  }
0xdc: {  	s14 =	simm.s32 $0x10B40;
	s13 =	spop (v2sf);
	s0 =	sadd.s32 s4, s0  }
0xdd: {  	(v2sf) =	vpush v63, $0xF;
	[tilespmem:s14], [sflag:$0x3] =	stream.strided.gather [hbm4b:s0+s17], $0x0, s18, s17, $0x38;
	[tilespmem:$0x18E00] =	vst v63  }
0xde: {  	s1 =	sand.u32 $0x1FFFFFF0, s13  }
0xdf: {  	[tilespmem:s14], [sflag:$0x3] =	stream.linear.gather [hbm4b:s0+s2], $0x40, $0x38;
	[tilespmem:$0x18E00] =	vst v63  }
0xe0: {  	s19 =	simm.s32 $0xB80;
	s15 =	spop (v2sf);
	s1 =	sadd.s32 s3, s1  }
0xe1: {  	[tilespmem:s19], [sflag:$0x1] =	stream.strided.gather [hbm4b:s1+s17], $0x0, s18, s17, $0x38;
	[tilespmem:$0x18E00] =	vst v63  }
0xe2: {  	s31 =	simm.s32 $0x10BC0;
	s0 =	sand.u32 $0x1FFFFFF0, s15  }
0xe3: {  	[tilespmem:s19], [sflag:$0x1] =	stream.linear.gather [hbm4b:s1+s2], $0x40, $0x38;
	[tilespmem:$0x18E00] =	vst v63  }
0xe4: {  	s21 =	simm.s32 $0x8B80;
	s20 =	spop (v2sf);
	s0 =	sadd.s32 s3, s0  }
0xe5: {  	[tilespmem:s21], [sflag:$0x2] =	stream.strided.gather [hbm4b:s0+s17], $0x0, s18, s17, $0x38;
	[tilespmem:$0x18E00] =	vst v63  }
0xe6: {  	s28 =	simm.s32 $0x10;
	s29 =	simm.s32 $0x210;
	s1 =	sand.u32 $0x1FFFFFF0, s20  }
0xe7: {  	[tilespmem:s21], [sflag:$0x2] =	stream.linear.gather [hbm4b:s0+s2], $0x40, $0x38;
	[tilespmem:$0x18E00] =	vst v63  }
0xe8: {  	s23 =	simm.s32 $0x10B80;
	s22 =	spop (v2sf);
	s1 =	sadd.s32 s4, s1  }
0xe9: {  	[tilespmem:s23], [sflag:$0x3] =	stream.strided.gather [hbm4b:s1+s17], $0x0, s18, s17, $0x38;
	[tilespmem:$0x18E00] =	vst v63  }
0xea: {  	s30 =	simm.s32 $0x410;
	s24 =	spop (v2sf);
	s0 =	sand.u32 $0x1FFFFFF0, s22  }
0xeb: {  	[tilespmem:s23], [sflag:$0x3] =	stream.linear.gather [hbm4b:s1+s2], $0x40, $0x38;
	[tilespmem:$0x18E00] =	vst v63  }
0xec: {  	s25 =	simm.s32 $0xBC0;
	s26 =	spop (v2sf);
	s0 =	sadd.s32 s3, s0  }
0xed: {  	[tilespmem:s25], [sflag:$0x1] =	stream.strided.gather [hbm4b:s0+s17], $0x0, s18, s17, $0x38;
	[tilespmem:$0x18E00] =	vst v63  }
0xee: {  	s6 =	sand.u32 $0x1FFFFFF0, s26;
	s26 =	simm.s32 $0x1000;
	s1 =	sand.u32 $0x1FFFFFF0, s24  }
0xef: {  	[tilespmem:s25], [sflag:$0x1] =	stream.linear.gather [hbm4b:s0+s2], $0x40, $0x38;
	[tilespmem:$0x18E00] =	vst v63  }
0xf0: {  	s5 =	sadd.s32 s3, s1;
	s1 =	sadd.s32 s4, s6;
	s0 =	simm.s32 $0x8BC0  }
0xf1: {  	[tilespmem:s0], [sflag:$0x2] =	stream.strided.gather [hbm4b:s5+s17], $0x0, s18, s17, $0x38;
	[tilespmem:$0x18E00] =	vst v63  }
.LBB2_2:
0xf2: {  	[tilespmem:s0], [sflag:$0x2] =	stream.linear.gather [hbm4b:s5+s2], $0x40, $0x38;
	[tilespmem:$0x18E00] =	vst v63  }
0xf3: {  	p0 =	sne.s32 s26, $0x1F000;
	s0 =	smov.u32 s26;
	s26 =	sadd.s32 $0x1000, s26  }
0xf4: {  	[tilespmem:s31], [sflag:$0x3] =	stream.strided.gather [hbm4b:s1+s17], $0x0, s18, s17, $0x38;
	[tilespmem:$0x18E00] =	vst v63  }
0xf5: {  	_ = 	snop  }
0xf6: {  	[tilespmem:s31], [sflag:$0x3] =	stream.linear.gather [hbm4b:s1+s2], $0x40, $0x38;
	[tilespmem:$0x18E00] =	vst v63  }
0xf7: {  	v0 =	vld [tilespmem:s28+$0x0]  }
0xf8: {  	v1 =	vld [tilespmem:s29+$0x0];
	_ =	sdelay $0x3  }
0xf9: {  	v3 =	vld [tilespmem:s30+$0x0];
	v2 =	vshll.u32 v0, $0x4  }
0xfa: {  	v1 =	vshll.u32 v1, $0x4;
	(v2sf) =	vpush v2, $0x0  }
0xfb: {  	(v2sf) =	vpush v1, $0x0;
	_ =	sdelay $0x2  }
0xfc: {  	v0 =	vshll.u32 v3, $0x4;
	(v2sf) =	vpush v2, $0x1;
	_ =	sdelay $0x1  }
0xfd: {  	(v2sf) =	vpush v0, $0x0;
	_ =	sdelay $0x1  }
0xfe: {  	(v2sf) =	vpush v2, $0x2  }
0xff: {  	(v2sf) =	vpush v1, $0x1;
	_ =	sdelay $0x1  }
0x100: {  	(v2sf) =	vpush v0, $0x1;
	_ =	sdelay $0x1  }
0x101: {  	(v2sf) =	vpush v1, $0x2;
	_ =	sdelay $0x1  }
0x102: {  	s0 =	sshra.s32 s0, $0x2;
	s1 =	spop (v2sf);
	(v2sf) =	vpush v0, $0x2  }
0x103: {  	s5 =	sadd.s32 $0x840, s0;
	s1 =	sand.u32 $0x1FFFFFF0, s1;
	s6 =	spop (v2sf)  }
0x104: {  	s7 =	sadd.s32 $0x800, s0;
	s1 =	sadd.s32 s3, s1;
	s6 =	sand.u32 $0x1FFFFFF0, s6;
	(v2sf) =	vpush v2, $0x3  }
0x105: {  	[tilespmem:s7], [sflag:$0x1] =	stream.strided.gather [hbm4b:s1+s17], $0x0, s18, s17, $0x38;
	[tilespmem:$0x18E00] =	vst v63  }
0x106: {  	s31 =	sadd.s32 $0x10BC0, s0;
	s8 =	spop (v2sf);
	(v2sf) =	vpush v1, $0x3  }
0x107: {  	[tilespmem:s7], [sflag:$0x1] =	stream.linear.gather [hbm4b:s1+s2], $0x40, $0x38;
	[tilespmem:$0x18E00] =	vst v63  }
0x108: {  	s6 =	sadd.s32 s3, s6;
	s1 =	sadd.s32 $0x8800, s0;
	s7 =	spop (v2sf);
	(v2sf) =	vpush v0, $0x3  }
0x109: {  	[tilespmem:s1], [sflag:$0x2] =	stream.strided.gather [hbm4b:s6+s17], $0x0, s18, s17, $0x38;
	[tilespmem:$0x18E00] =	vst v63  }
0x10a: {  	s8 =	sand.u32 $0x1FFFFFF0, s8;
	s7 =	sand.u32 $0x1FFFFFF0, s7;
	s9 =	spop (v2sf);
	(v2sf) =	vpush v2, $0x4  }
0x10b: {  	s10 =	sadd.s32 $0x10800, s0;
	s7 =	sadd.s32 s4, s7;
	s11 =	spop (v2sf)  }
0x10c: {  	[tilespmem:s1], [sflag:$0x2] =	stream.linear.gather [hbm4b:s6+s2], $0x40, $0x38;
	(v2sf) =	vpush v1, $0x4;
	[tilespmem:$0x18E00] =	vst v63  }
0x10d: {  	s1 =	sand.u32 $0x1FFFFFF0, s11;
	s6 =	sand.u32 $0x1FFFFFF0, s9;
	s9 =	spop (v2sf)  }
0x10e: {  	[tilespmem:s10], [sflag:$0x3] =	stream.strided.gather [hbm4b:s7+s17], $0x0, s18, s17, $0x38;
	(v2sf) =	vpush v0, $0x4;
	[tilespmem:$0x18E00] =	vst v63  }
0x10f: {  	s9 =	sand.u32 $0x1FFFFFF0, s9;
	s11 =	spop (v2sf)  }
0x110: {  	[tilespmem:s10], [sflag:$0x3] =	stream.linear.gather [hbm4b:s7+s2], $0x40, $0x38;
	(v2sf) =	vpush v2, $0x5;
	[tilespmem:$0x18E00] =	vst v63  }
0x111: {  	s7 =	sadd.s32 s3, s8;
	s10 =	sand.u32 $0x1FFFFFF0, s11;
	s8 =	spop (v2sf)  }
0x112: {  	[tilespmem:s5], [sflag:$0x1] =	stream.strided.gather [hbm4b:s7+s17], $0x0, s18, s17, $0x38;
	(v2sf) =	vpush v1, $0x5;
	[tilespmem:$0x18E00] =	vst v63  }
0x113: {  	s12 =	sadd.s32 $0x8840, s0;
	s13 =	sand.u32 $0x1FFFFFF0, s8;
	s8 =	spop (v2sf)  }
0x114: {  	[tilespmem:s5], [sflag:$0x1] =	stream.linear.gather [hbm4b:s7+s2], $0x40, $0x38;
	(v2sf) =	vpush v0, $0x5;
	[tilespmem:$0x18E00] =	vst v63  }
0x115: {  	s1 =	sadd.s32 s3, s1;
	s7 =	sand.u32 $0x1FFFFFF0, s8;
	s5 =	spop (v2sf)  }
0x116: {  	[tilespmem:s12], [sflag:$0x2] =	stream.strided.gather [hbm4b:s1+s17], $0x0, s18, s17, $0x38;
	(v2sf) =	vpush v2, $0x6;
	[tilespmem:$0x18E00] =	vst v63  }
0x117: {  	s8 =	sadd.s32 $0x10840, s0;
	s11 =	sand.u32 $0x1FFFFFF0, s5;
	s5 =	spop (v2sf)  }
0x118: {  	[tilespmem:s12], [sflag:$0x2] =	stream.linear.gather [hbm4b:s1+s2], $0x40, $0x38;
	[tilespmem:$0x18E00] =	vst v63  }
0x119: {  	s9 =	sadd.s32 s4, s9;
	s12 =	sand.u32 $0x1FFFFFF0, s5;
	s1 =	spop (v2sf)  }
0x11a: {  	[tilespmem:s8], [sflag:$0x3] =	stream.strided.gather [hbm4b:s9+s17], $0x0, s18, s17, $0x38;
	(v2sf) =	vpush v1, $0x6;
	[tilespmem:$0x18E00] =	vst v63  }
0x11b: {  	s15 =	sadd.s32 $0x880, s0;
	s1 =	sand.u32 $0x1FFFFFF0, s1;
	s5 =	spop (v2sf)  }
0x11c: {  	[tilespmem:s8], [sflag:$0x3] =	stream.linear.gather [hbm4b:s9+s2], $0x40, $0x38;
	[tilespmem:$0x18E00] =	vst v63  }
0x11d: {  	s6 =	sadd.s32 s3, s6;
	s5 =	sand.u32 $0x1FFFFFF0, s5;
	s8 =	spop (v2sf)  }
0x11e: {  	[tilespmem:s15], [sflag:$0x1] =	stream.strided.gather [hbm4b:s6+s17], $0x0, s18, s17, $0x38;
	(v2sf) =	vpush v0, $0x6;
	[tilespmem:$0x18E00] =	vst v63  }
0x11f: {  	s9 =	sadd.s32 $0x8880, s0;
	s8 =	sand.u32 $0x1FFFFFF0, s8;
	s19 =	spop (v2sf)  }
0x120: {  	[tilespmem:s15], [sflag:$0x1] =	stream.linear.gather [hbm4b:s6+s2], $0x40, $0x38;
	[tilespmem:$0x18E00] =	vst v63  }
0x121: {  	s15 =	sadd.s32 s3, s10;
	s10 =	sand.u32 $0x1FFFFFF0, s19;
	s6 =	spop (v2sf)  }
0x122: {  	[tilespmem:s9], [sflag:$0x2] =	stream.strided.gather [hbm4b:s15+s17], $0x0, s18, s17, $0x38;
	(v2sf) =	vpush v2, $0x7;
	[tilespmem:$0x18E00] =	vst v63  }
0x123: {  	s19 =	sadd.s32 $0x10880, s0;
	s6 =	sand.u32 $0x1FFFFFF0, s6;
	s22 =	spop (v2sf)  }
0x124: {  	[tilespmem:s9], [sflag:$0x2] =	stream.linear.gather [hbm4b:s15+s2], $0x40, $0x38;
	[tilespmem:$0x18E00] =	vst v63  }
0x125: {  	s13 =	sadd.s32 s4, s13;
	s9 =	sand.u32 $0x1FFFFFF0, s22;
	s15 =	spop (v2sf)  }
0x126: {  	[tilespmem:s19], [sflag:$0x3] =	stream.strided.gather [hbm4b:s13+s17], $0x0, s18, s17, $0x38;
	(v2sf) =	vpush v1, $0x7;
	[tilespmem:$0x18E00] =	vst v63  }
0x127: {  	s23 =	sadd.s32 s3, s7;
	s22 =	sadd.s32 $0x8C0, s0;
	s7 =	sand.u32 $0x1FFFFFF0, s15  }
0x128: {  	[tilespmem:s19], [sflag:$0x3] =	stream.linear.gather [hbm4b:s13+s2], $0x40, $0x38;
	[tilespmem:$0x18E00] =	vst v63  }
0x129: {  	s13 =	spop (v2sf)  }
0x12a: {  	[tilespmem:s22], [sflag:$0x1] =	stream.strided.gather [hbm4b:s23+s17], $0x0, s18, s17, $0x38;
	(v2sf) =	vpush v0, $0x7;
	[tilespmem:$0x18E00] =	vst v63  }
0x12b: {  	s15 =	sadd.s32 $0x88C0, s0;
	s19 =	sadd.s32 s3, s11;
	s11 =	sand.u32 $0x1FFFFFF0, s13  }
0x12c: {  	[tilespmem:s22], [sflag:$0x1] =	stream.linear.gather [hbm4b:s23+s2], $0x40, $0x38;
	[tilespmem:$0x18E00] =	vst v63  }
0x12d: {  	s13 =	spop (v2sf)  }
0x12e: {  	[tilespmem:s15], [sflag:$0x2] =	stream.strided.gather [hbm4b:s19+s17], $0x0, s18, s17, $0x38;
	(v2sf) =	vpush v2, $0x8;
	[tilespmem:$0x18E00] =	vst v63  }
0x12f: {  	s12 =	sadd.s32 s4, s12;
	s22 =	sadd.s32 $0x108C0, s0;
	s13 =	sand.u32 $0x1FFFFFF0, s13  }
0x130: {  	[tilespmem:s15], [sflag:$0x2] =	stream.linear.gather [hbm4b:s19+s2], $0x40, $0x38;
	[tilespmem:$0x18E00] =	vst v63  }
0x131: {  	s15 =	spop (v2sf)  }
0x132: {  	[tilespmem:s22], [sflag:$0x3] =	stream.strided.gather [hbm4b:s12+s17], $0x0, s18, s17, $0x38;
	(v2sf) =	vpush v1, $0x8;
	[tilespmem:$0x18E00] =	vst v63  }
0x133: {  	s23 =	sadd.s32 s3, s1;
	s19 =	sadd.s32 $0x900, s0;
	s1 =	sand.u32 $0x1FFFFFF0, s15  }
0x134: {  	[tilespmem:s22], [sflag:$0x3] =	stream.linear.gather [hbm4b:s12+s2], $0x40, $0x38;
	(v2sf) =	vpush v0, $0x8;
	[tilespmem:$0x18E00] =	vst v63  }
0x135: {  	s12 =	spop (v2sf)  }
0x136: {  	[tilespmem:s19], [sflag:$0x1] =	stream.strided.gather [hbm4b:s23+s17], $0x0, s18, s17, $0x38;
	(v2sf) =	vpush v2, $0x9;
	[tilespmem:$0x18E00] =	vst v63  }
0x137: {  	s15 =	sadd.s32 $0x8900, s0;
	s22 =	sadd.s32 s3, s5;
	s5 =	sand.u32 $0x1FFFFFF0, s12  }
0x138: {  	[tilespmem:s19], [sflag:$0x1] =	stream.linear.gather [hbm4b:s23+s2], $0x40, $0x38;
	[tilespmem:$0x18E00] =	vst v63  }
0x139: {  	s12 =	spop (v2sf)  }
0x13a: {  	[tilespmem:s15], [sflag:$0x2] =	stream.strided.gather [hbm4b:s22+s17], $0x0, s18, s17, $0x38;
	(v2sf) =	vpush v1, $0x9;
	[tilespmem:$0x18E00] =	vst v63  }
0x13b: {  	s19 =	sadd.s32 $0x10900, s0;
	s23 =	sadd.s32 s4, s8;
	s8 =	sand.u32 $0x1FFFFFF0, s12  }
0x13c: {  	[tilespmem:s15], [sflag:$0x2] =	stream.linear.gather [hbm4b:s22+s2], $0x40, $0x38;
	(v2sf) =	vpush v0, $0x9;
	[tilespmem:$0x18E00] =	vst v63  }
0x13d: {  	s12 =	spop (v2sf)  }
0x13e: {  	[tilespmem:s19], [sflag:$0x3] =	stream.strided.gather [hbm4b:s23+s17], $0x0, s18, s17, $0x38;
	(v2sf) =	vpush v2, $0xA;
	[tilespmem:$0x18E00] =	vst v63  }
0x13f: {  	s15 =	sadd.s32 $0x940, s0;
	s22 =	sadd.s32 s3, s10;
	s10 =	sand.u32 $0x1FFFFFF0, s12  }
0x140: {  	[tilespmem:s19], [sflag:$0x3] =	stream.linear.gather [hbm4b:s23+s2], $0x40, $0x38;
	[tilespmem:$0x18E00] =	vst v63  }
0x141: {  	s12 =	spop (v2sf)  }
0x142: {  	[tilespmem:s15], [sflag:$0x1] =	stream.strided.gather [hbm4b:s22+s17], $0x0, s18, s17, $0x38;
	(v2sf) =	vpush v1, $0xA;
	[tilespmem:$0x18E00] =	vst v63  }
0x143: {  	s24 =	sadd.s32 s3, s6;
	s23 =	sadd.s32 $0x8940, s0;
	s6 =	spop (v2sf)  }
0x144: {  	[tilespmem:s15], [sflag:$0x1] =	stream.linear.gather [hbm4b:s22+s2], $0x40, $0x38;
	(v2sf) =	vpush v0, $0xA;
	[tilespmem:$0x18E00] =	vst v63  }
0x145: {  	s19 =	sand.u32 $0x1FFFFFF0, s12;
	s6 =	sand.u32 $0x1FFFFFF0, s6;
	s12 =	spop (v2sf)  }
0x146: {  	[tilespmem:s23], [sflag:$0x2] =	stream.strided.gather [hbm4b:s24+s17], $0x0, s18, s17, $0x38;
	(v2sf) =	vpush v2, $0xB;
	[tilespmem:$0x18E00] =	vst v63  }
0x147: {  	s15 =	sadd.s32 $0x10940, s0;
	s22 =	sadd.s32 s4, s9;
	s12 =	sand.u32 $0x1FFFFFF0, s12  }
0x148: {  	[tilespmem:s23], [sflag:$0x2] =	stream.linear.gather [hbm4b:s24+s2], $0x40, $0x38;
	[tilespmem:$0x18E00] =	vst v63  }
0x149: {  	s9 =	spop (v2sf)  }
0x14a: {  	[tilespmem:s15], [sflag:$0x3] =	stream.strided.gather [hbm4b:s22+s17], $0x0, s18, s17, $0x38;
	(v2sf) =	vpush v1, $0xB;
	[tilespmem:$0x18E00] =	vst v63  }
0x14b: {  	s20 =	sadd.s32 s3, s7;
	s23 =	sadd.s32 $0x980, s0;
	s7 =	spop (v2sf)  }
0x14c: {  	[tilespmem:s15], [sflag:$0x3] =	stream.linear.gather [hbm4b:s22+s2], $0x40, $0x38;
	[tilespmem:$0x18E00] =	vst v63  }
0x14d: {  	s7 =	sand.u32 $0x1FFFFFF0, s7;
	s15 =	spop (v2sf)  }
0x14e: {  	[tilespmem:s23], [sflag:$0x1] =	stream.strided.gather [hbm4b:s20+s17], $0x0, s18, s17, $0x38;
	(v2sf) =	vpush v0, $0xB;
	[tilespmem:$0x18E00] =	vst v63  }
0x14f: {  	s11 =	sadd.s32 s3, s11;
	s22 =	sadd.s32 $0x8980, s0;
	s24 =	sand.u32 $0x1FFFFFF0, s15  }
0x150: {  	[tilespmem:s23], [sflag:$0x1] =	stream.linear.gather [hbm4b:s20+s2], $0x40, $0x38;
	[tilespmem:$0x18E00] =	vst v63  }
0x151: {  	s15 =	spop (v2sf)  }
0x152: {  	[tilespmem:s22], [sflag:$0x2] =	stream.strided.gather [hbm4b:s11+s17], $0x0, s18, s17, $0x38;
	(v2sf) =	vpush v2, $0xC;
	[tilespmem:$0x18E00] =	vst v63  }
0x153: {  	s13 =	sadd.s32 s4, s13;
	s20 =	sadd.s32 $0x10980, s0;
	s23 =	spop (v2sf)  }
0x154: {  	[tilespmem:s22], [sflag:$0x2] =	stream.linear.gather [hbm4b:s11+s2], $0x40, $0x38;
	[tilespmem:$0x18E00] =	vst v63  }
0x155: {  	s11 =	sand.u32 $0x1FFFFFF0, s15;
	s15 =	sand.u32 $0x1FFFFFF0, s23;
	s22 =	spop (v2sf)  }
0x156: {  	[tilespmem:s20], [sflag:$0x3] =	stream.strided.gather [hbm4b:s13+s17], $0x0, s18, s17, $0x38;
	(v2sf) =	vpush v1, $0xC;
	[tilespmem:$0x18E00] =	vst v63  }
0x157: {  	s21 =	sadd.s32 s3, s1;
	s23 =	sadd.s32 $0x9C0, s0;
	s1 =	sand.u32 $0x1FFFFFF0, s22  }
0x158: {  	[tilespmem:s20], [sflag:$0x3] =	stream.linear.gather [hbm4b:s13+s2], $0x40, $0x38;
	(v2sf) =	vpush v0, $0xC;
	[tilespmem:$0x18E00] =	vst v63  }
0x159: {  	s13 =	spop (v2sf)  }
0x15a: {  	[tilespmem:s23], [sflag:$0x1] =	stream.strided.gather [hbm4b:s21+s17], $0x0, s18, s17, $0x38;
	(v2sf) =	vpush v2, $0xD;
	[tilespmem:$0x18E00] =	vst v63  }
0x15b: {  	s5 =	sadd.s32 s3, s5;
	s20 =	sadd.s32 $0x89C0, s0;
	s22 =	sand.u32 $0x1FFFFFF0, s13  }
0x15c: {  	[tilespmem:s23], [sflag:$0x1] =	stream.linear.gather [hbm4b:s21+s2], $0x40, $0x38;
	[tilespmem:$0x18E00] =	vst v63  }
0x15d: {  	s13 =	spop (v2sf)  }
0x15e: {  	[tilespmem:s20], [sflag:$0x2] =	stream.strided.gather [hbm4b:s5+s17], $0x0, s18, s17, $0x38;
	(v2sf) =	vpush v1, $0xD;
	[tilespmem:$0x18E00] =	vst v63  }
0x15f: {  	s25 =	sadd.s32 s4, s8;
	s21 =	sadd.s32 $0x109C0, s0;
	s23 =	sand.u32 $0x1FFFFFF0, s13  }
0x160: {  	[tilespmem:s20], [sflag:$0x2] =	stream.linear.gather [hbm4b:s5+s2], $0x40, $0x38;
	(v2sf) =	vpush v0, $0xD;
	[tilespmem:$0x18E00] =	vst v63  }
0x161: {  	s5 =	spop (v2sf)  }
0x162: {  	[tilespmem:s21], [sflag:$0x3] =	stream.strided.gather [hbm4b:s25+s17], $0x0, s18, s17, $0x38;
	[tilespmem:$0x18E00] =	vst v63  }
0x163: {  	s13 =	sadd.s32 $0xA00, s0;
	s20 =	sadd.s32 s3, s10;
	s8 =	sand.u32 $0x1FFFFFF0, s5  }
0x164: {  	[tilespmem:s21], [sflag:$0x3] =	stream.linear.gather [hbm4b:s25+s2], $0x40, $0x38;
	(v2sf) =	vpush v2, $0xE;
	[tilespmem:$0x18E00] =	vst v63  }
0x165: {  	s10 =	spop (v2sf)  }
0x166: {  	[tilespmem:s13], [sflag:$0x1] =	stream.strided.gather [hbm4b:s20+s17], $0x0, s18, s17, $0x38;
	(v2sf) =	vpush v1, $0xE;
	[tilespmem:$0x18E00] =	vst v63  }
0x167: {  	s19 =	sadd.s32 s3, s19;
	s21 =	sadd.s32 $0x8A00, s0;
	s5 =	spop (v2sf)  }
0x168: {  	[tilespmem:s13], [sflag:$0x1] =	stream.linear.gather [hbm4b:s20+s2], $0x40, $0x38;
	[tilespmem:$0x18E00] =	vst v63  }
0x169: {  	s5 =	sand.u32 $0x1FFFFFF0, s5;
	s13 =	spop (v2sf)  }
0x16a: {  	[tilespmem:s21], [sflag:$0x2] =	stream.strided.gather [hbm4b:s19+s17], $0x0, s18, s17, $0x38;
	(v2sf) =	vpush v0, $0xE;
	[tilespmem:$0x18E00] =	vst v63  }
0x16b: {  	s25 =	sadd.s32 s4, s6;
	s20 =	sadd.s32 $0x10A00, s0;
	s6 =	sand.u32 $0x1FFFFFF0, s13  }
0x16c: {  	[tilespmem:s21], [sflag:$0x2] =	stream.linear.gather [hbm4b:s19+s2], $0x40, $0x38;
	[tilespmem:$0x18E00] =	vst v63  }
0x16d: {  	s13 =	spop (v2sf)  }
0x16e: {  	[tilespmem:s20], [sflag:$0x3] =	stream.strided.gather [hbm4b:s25+s17], $0x0, s18, s17, $0x38;
	(v2sf) =	vpush v2, $0xF;
	[tilespmem:$0x18E00] =	vst v63  }
0x16f: {  	s12 =	sadd.s32 s3, s12;
	s19 =	sadd.s32 $0xA40, s0;
	s21 =	spop (v2sf)  }
0x170: {  	[tilespmem:s20], [sflag:$0x3] =	stream.linear.gather [hbm4b:s25+s2], $0x40, $0x38;
	[tilespmem:$0x18E00] =	vst v63  }
0x171: {  	s13 =	sand.u32 $0x1FFFFFF0, s13;
	s20 =	sand.u32 $0x1FFFFFF0, s9;
	s9 =	sand.u32 $0x1FFFFFF0, s21  }
0x172: {  	[tilespmem:s19], [sflag:$0x1] =	stream.strided.gather [hbm4b:s12+s17], $0x0, s18, s17, $0x38;
	(v2sf) =	vpush v1, $0xF;
	[tilespmem:$0x18E00] =	vst v63  }
0x173: {  	s21 =	sadd.s32 $0x8A40, s0;
	s20 =	sadd.s32 s3, s20;
	s25 =	spop (v2sf)  }
0x174: {  	[tilespmem:s19], [sflag:$0x1] =	stream.linear.gather [hbm4b:s12+s2], $0x40, $0x38;
	[tilespmem:$0x18E00] =	vst v63  }
0x175: {  	s12 =	sand.u32 $0x1FFFFFF0, s25;
	s19 =	spop (v2sf)  }
0x176: {  	[tilespmem:s21], [sflag:$0x2] =	stream.strided.gather [hbm4b:s20+s17], $0x0, s18, s17, $0x38;
	(v2sf) =	vpush v0, $0xF;
	[tilespmem:$0x18E00] =	vst v63  }
0x177: {  	s14 =	sadd.s32 s4, s7;
	s25 =	sadd.s32 $0x10A40, s0;
	s7 =	sand.u32 $0x1FFFFFF0, s19  }
0x178: {  	[tilespmem:s21], [sflag:$0x2] =	stream.linear.gather [hbm4b:s20+s2], $0x40, $0x38;
	[tilespmem:$0x18E00] =	vst v63  }
0x179: {  	s19 =	spop (v2sf)  }
0x17a: {  	[tilespmem:s25], [sflag:$0x3] =	stream.strided.gather [hbm4b:s14+s17], $0x0, s18, s17, $0x38;
	[tilespmem:$0x18E00] =	vst v63  }
0x17b: {  	s20 =	sadd.s32 $0xA80, s0;
	s21 =	sadd.s32 s3, s24;
	s24 =	sand.u32 $0x1FFFFFF0, s19  }
0x17c: {  	[tilespmem:s25], [sflag:$0x3] =	stream.linear.gather [hbm4b:s14+s2], $0x40, $0x38;
	[tilespmem:$0x18E00] =	vst v63  }
0x17d: {  	s14 =	spop (v2sf)  }
0x17e: {  	[tilespmem:s20], [sflag:$0x1] =	stream.strided.gather [hbm4b:s21+s17], $0x0, s18, s17, $0x38;
	[tilespmem:$0x18E00] =	vst v63  }
0x17f: {  	s19 =	sadd.s32 $0x8A80, s0;
	s25 =	sadd.s32 s3, s11;
	s11 =	sand.u32 $0x1FFFFFF0, s14  }
0x180: {  	[tilespmem:s20], [sflag:$0x1] =	stream.linear.gather [hbm4b:s21+s2], $0x40, $0x38;
	[tilespmem:$0x18E00] =	vst v63  }
0x181: {  	s14 =	spop (v2sf)  }
0x182: {  	[tilespmem:s19], [sflag:$0x2] =	stream.strided.gather [hbm4b:s25+s17], $0x0, s18, s17, $0x38;
	[tilespmem:$0x18E00] =	vst v63  }
0x183: {  	s20 =	sadd.s32 $0x10A80, s0;
	s21 =	sadd.s32 s4, s15;
	s15 =	sand.u32 $0x1FFFFFF0, s14  }
0x184: {  	[tilespmem:s19], [sflag:$0x2] =	stream.linear.gather [hbm4b:s25+s2], $0x40, $0x38;
	[tilespmem:$0x18E00] =	vst v63  }
0x185: {  	s14 =	spop (v2sf)  }
0x186: {  	[tilespmem:s20], [sflag:$0x3] =	stream.strided.gather [hbm4b:s21+s17], $0x0, s18, s17, $0x38;
	[tilespmem:$0x18E00] =	vst v63  }
0x187: {  	s19 =	sadd.s32 $0xAC0, s0;
	s25 =	sadd.s32 s3, s1;
	s1 =	sand.u32 $0x1FFFFFF0, s14  }
0x188: {  	[tilespmem:s20], [sflag:$0x3] =	stream.linear.gather [hbm4b:s21+s2], $0x40, $0x38;
	[tilespmem:$0x18E00] =	vst v63  }
0x189: {  	s1 =	sadd.s32 s4, s1  }
0x18a: {  	[tilespmem:s19], [sflag:$0x1] =	stream.strided.gather [hbm4b:s25+s17], $0x0, s18, s17, $0x38;
	[tilespmem:$0x18E00] =	vst v63  }
0x18b: {  	s14 =	sadd.s32 $0x8AC0, s0;
	s20 =	sadd.s32 s3, s22  }
0x18c: {  	[tilespmem:s19], [sflag:$0x1] =	stream.linear.gather [hbm4b:s25+s2], $0x40, $0x38;
	[tilespmem:$0x18E00] =	vst v63  }
0x18d: {  	_ = 	snop  }
0x18e: {  	[tilespmem:s14], [sflag:$0x2] =	stream.strided.gather [hbm4b:s20+s17], $0x0, s18, s17, $0x38;
	[tilespmem:$0x18E00] =	vst v63  }
0x18f: {  	s21 =	sadd.s32 s4, s23;
	s19 =	sadd.s32 $0x10AC0, s0  }
0x190: {  	[tilespmem:s14], [sflag:$0x2] =	stream.linear.gather [hbm4b:s20+s2], $0x40, $0x38;
	[tilespmem:$0x18E00] =	vst v63  }
0x191: {  	_ = 	snop  }
0x192: {  	[tilespmem:s19], [sflag:$0x3] =	stream.strided.gather [hbm4b:s21+s17], $0x0, s18, s17, $0x38;
	[tilespmem:$0x18E00] =	vst v63  }
0x193: {  	s8 =	sadd.s32 s3, s8;
	s14 =	sadd.s32 $0xB00, s0  }
0x194: {  	[tilespmem:s19], [sflag:$0x3] =	stream.linear.gather [hbm4b:s21+s2], $0x40, $0x38;
	[tilespmem:$0x18E00] =	vst v63  }
0x195: {  	s10 =	sand.u32 $0x1FFFFFF0, s10  }
0x196: {  	[tilespmem:s14], [sflag:$0x1] =	stream.strided.gather [hbm4b:s8+s17], $0x0, s18, s17, $0x38;
	[tilespmem:$0x18E00] =	vst v63  }
0x197: {  	s10 =	sadd.s32 s3, s10;
	s19 =	sadd.s32 $0x8B00, s0  }
0x198: {  	[tilespmem:s14], [sflag:$0x1] =	stream.linear.gather [hbm4b:s8+s2], $0x40, $0x38;
	[tilespmem:$0x18E00] =	vst v63  }
0x199: {  	_ = 	snop  }
0x19a: {  	[tilespmem:s19], [sflag:$0x2] =	stream.strided.gather [hbm4b:s10+s17], $0x0, s18, s17, $0x38;
	[tilespmem:$0x18E00] =	vst v63  }
0x19b: {  	s5 =	sadd.s32 s4, s5;
	s8 =	sadd.s32 $0x10B00, s0  }
0x19c: {  	[tilespmem:s19], [sflag:$0x2] =	stream.linear.gather [hbm4b:s10+s2], $0x40, $0x38;
	[tilespmem:$0x18E00] =	vst v63  }
0x19d: {  	_ = 	snop  }
0x19e: {  	[tilespmem:s8], [sflag:$0x3] =	stream.strided.gather [hbm4b:s5+s17], $0x0, s18, s17, $0x38;
	[tilespmem:$0x18E00] =	vst v63  }
0x19f: {  	s6 =	sadd.s32 s3, s6;
	s10 =	sadd.s32 $0xB40, s0  }
0x1a0: {  	[tilespmem:s8], [sflag:$0x3] =	stream.linear.gather [hbm4b:s5+s2], $0x40, $0x38;
	[tilespmem:$0x18E00] =	vst v63  }
0x1a1: {  	_ = 	snop  }
0x1a2: {  	[tilespmem:s10], [sflag:$0x1] =	stream.strided.gather [hbm4b:s6+s17], $0x0, s18, s17, $0x38;
	[tilespmem:$0x18E00] =	vst v63  }
0x1a3: {  	s5 =	sadd.s32 $0x8B40, s0;
	s8 =	sadd.s32 s3, s13  }
0x1a4: {  	[tilespmem:s10], [sflag:$0x1] =	stream.linear.gather [hbm4b:s6+s2], $0x40, $0x38;
	[tilespmem:$0x18E00] =	vst v63  }
0x1a5: {  	_ = 	snop  }
0x1a6: {  	[tilespmem:s5], [sflag:$0x2] =	stream.strided.gather [hbm4b:s8+s17], $0x0, s18, s17, $0x38;
	[tilespmem:$0x18E00] =	vst v63  }
0x1a7: {  	s9 =	sadd.s32 s4, s9;
	s6 =	sadd.s32 $0x10B40, s0  }
0x1a8: {  	[tilespmem:s5], [sflag:$0x2] =	stream.linear.gather [hbm4b:s8+s2], $0x40, $0x38;
	[tilespmem:$0x18E00] =	vst v63  }
0x1a9: {  	_ = 	snop  }
0x1aa: {  	[tilespmem:s6], [sflag:$0x3] =	stream.strided.gather [hbm4b:s9+s17], $0x0, s18, s17, $0x38;
	[tilespmem:$0x18E00] =	vst v63  }
0x1ab: {  	s5 =	sadd.s32 $0xB80, s0;
	s8 =	sadd.s32 s3, s12  }
0x1ac: {  	[tilespmem:s6], [sflag:$0x3] =	stream.linear.gather [hbm4b:s9+s2], $0x40, $0x38;
	[tilespmem:$0x18E00] =	vst v63  }
0x1ad: {  	_ = 	snop  }
0x1ae: {  	[tilespmem:s5], [sflag:$0x1] =	stream.strided.gather [hbm4b:s8+s17], $0x0, s18, s17, $0x38;
	[tilespmem:$0x18E00] =	vst v63  }
0x1af: {  	s7 =	sadd.s32 s3, s7;
	s6 =	sadd.s32 $0x8B80, s0  }
0x1b0: {  	[tilespmem:s5], [sflag:$0x1] =	stream.linear.gather [hbm4b:s8+s2], $0x40, $0x38;
	[tilespmem:$0x18E00] =	vst v63  }
0x1b1: {  	_ = 	snop  }
0x1b2: {  	[tilespmem:s6], [sflag:$0x2] =	stream.strided.gather [hbm4b:s7+s17], $0x0, s18, s17, $0x38;
	[tilespmem:$0x18E00] =	vst v63  }
0x1b3: {  	s5 =	sadd.s32 $0x10B80, s0;
	s8 =	sadd.s32 s4, s24  }
0x1b4: {  	[tilespmem:s6], [sflag:$0x2] =	stream.linear.gather [hbm4b:s7+s2], $0x40, $0x38;
	[tilespmem:$0x18E00] =	vst v63  }
0x1b5: {  	_ = 	snop  }
0x1b6: {  	[tilespmem:s5], [sflag:$0x3] =	stream.strided.gather [hbm4b:s8+s17], $0x0, s18, s17, $0x38;
	[tilespmem:$0x18E00] =	vst v63  }
0x1b7: {  	s6 =	sadd.s32 $0xBC0, s0;
	s7 =	sadd.s32 s3, s11  }
0x1b8: {  	[tilespmem:s5], [sflag:$0x3] =	stream.linear.gather [hbm4b:s8+s2], $0x40, $0x38;
	[tilespmem:$0x18E00] =	vst v63  }
0x1b9: {  	_ = 	snop  }
0x1ba: {  	[tilespmem:s6], [sflag:$0x1] =	stream.strided.gather [hbm4b:s7+s17], $0x0, s18, s17, $0x38;
	[tilespmem:$0x18E00] =	vst v63  }
.Ltmp0:
0x1bb: {  	s0 =	sadd.s32 $0x8BC0, s0;
	s5 =	sadd.s32 s3, s15;
	(pc) =	sbr.rel @p0 .LBB2_2-.Ltmp0, $4  }
0x1bc: {  	[tilespmem:s6], [sflag:$0x1] =	stream.linear.gather [hbm4b:s7+s2], $0x40, $0x38;
	[tilespmem:$0x18E00] =	vst v63  }
0x1bd: {  	_ = 	snop  }
0x1be: {  	[tilespmem:s0], [sflag:$0x2] =	stream.strided.gather [hbm4b:s5+s17], $0x0, s18, s17, $0x38;
	[tilespmem:$0x18E00] =	vst v63  }
0x1bf: {  	s28 =	sadd.s32 $0x10, s28;
	s29 =	sadd.s32 $0x10, s29;
	s30 =	sadd.s32 $0x10, s30  }
0x1c0: {  	[tilespmem:s0], [sflag:$0x2] =	stream.linear.gather [hbm4b:s5+s2], $0x40, $0x38;
	[tilespmem:$0x18E00] =	vst v63  }
0x1c1: {  	_ = 	snop  }
0x1c2: {  	[tilespmem:s31], [sflag:$0x3] =	stream.strided.gather [hbm4b:s1+s17], $0x0, s18, s17, $0x38;
	[tilespmem:$0x18E00] =	vst v63  }
0x1c3: {  	_ = 	snop  }
0x1c4: {  	[tilespmem:s31], [sflag:$0x3] =	stream.linear.gather [hbm4b:s1+s2], $0x40, $0x38;
	[tilespmem:$0x18E00] =	vst v63  }
0x1c5: {  	v0 =	vld [tilespmem:$0x600];
	_ =	sdelay $0x5  }
0x1c6: {  	v1 =	vld [tilespmem:$0x610];
	_ =	sdelay $0x1  }
0x1c7: {  	v0 =	vld.idx.msk [tilespmem:v0+s16+$0x0], $0xffff;
	_ =	sdelay $0x3  }
0x1c8: {  	v2 =	vld [tilespmem:$0x620]  }
0x1c9: {  	[tilespmem:$0x18C00] =	vst v0  }
0x1ca: {  	v0 =	vld.idx.msk [tilespmem:v1+s16+$0x0], $0xffff;
	_ =	sdelay $0x3  }
0x1cb: {  	v1 =	vld [tilespmem:$0x630]  }
0x1cc: {  	[tilespmem:$0x18C10] =	vst v0  }
0x1cd: {  	v0 =	vld.idx.msk [tilespmem:v2+s16+$0x0], $0xffff;
	_ =	sdelay $0x3  }
0x1ce: {  	v2 =	vld [tilespmem:$0x640]  }
0x1cf: {  	[tilespmem:$0x18C20] =	vst v0  }
0x1d0: {  	v0 =	vld.idx.msk [tilespmem:v1+s16+$0x0], $0xffff;
	_ =	sdelay $0x3  }
0x1d1: {  	v1 =	vld [tilespmem:$0x650]  }
0x1d2: {  	[tilespmem:$0x18C30] =	vst v0  }
0x1d3: {  	v0 =	vld.idx.msk [tilespmem:v2+s16+$0x0], $0xffff;
	_ =	sdelay $0x3  }
0x1d4: {  	v2 =	vld [tilespmem:$0x660]  }
0x1d5: {  	[tilespmem:$0x18C40] =	vst v0  }
0x1d6: {  	v0 =	vld.idx.msk [tilespmem:v1+s16+$0x0], $0xffff;
	_ =	sdelay $0x3  }
0x1d7: {  	v1 =	vld [tilespmem:$0x670]  }
0x1d8: {  	[tilespmem:$0x18C50] =	vst v0  }
0x1d9: {  	v0 =	vld.idx.msk [tilespmem:v2+s16+$0x0], $0xffff;
	_ =	sdelay $0x3  }
0x1da: {  	v2 =	vld [tilespmem:$0x680]  }
0x1db: {  	[tilespmem:$0x18C60] =	vst v0  }
0x1dc: {  	v0 =	vld.idx.msk [tilespmem:v1+s16+$0x0], $0xffff;
	_ =	sdelay $0x3  }
0x1dd: {  	v1 =	vld [tilespmem:$0x690]  }
0x1de: {  	[tilespmem:$0x18C70] =	vst v0  }
0x1df: {  	v0 =	vld.idx.msk [tilespmem:v2+s16+$0x0], $0xffff;
	_ =	sdelay $0x3  }
0x1e0: {  	v2 =	vld [tilespmem:$0x6A0]  }
0x1e1: {  	[tilespmem:$0x18C80] =	vst v0  }
0x1e2: {  	v0 =	vld.idx.msk [tilespmem:v1+s16+$0x0], $0xffff;
	_ =	sdelay $0x3  }
0x1e3: {  	v1 =	vld [tilespmem:$0x6B0]  }
0x1e4: {  	[tilespmem:$0x18C90] =	vst v0  }
0x1e5: {  	v0 =	vld.idx.msk [tilespmem:v2+s16+$0x0], $0xffff;
	_ =	sdelay $0x3  }
0x1e6: {  	v2 =	vld [tilespmem:$0x6C0]  }
0x1e7: {  	[tilespmem:$0x18CA0] =	vst v0  }
0x1e8: {  	v0 =	vld.idx.msk [tilespmem:v1+s16+$0x0], $0xffff;
	_ =	sdelay $0x3  }
0x1e9: {  	v1 =	vld [tilespmem:$0x6D0]  }
0x1ea: {  	[tilespmem:$0x18CB0] =	vst v0  }
0x1eb: {  	v0 =	vld.idx.msk [tilespmem:v2+s16+$0x0], $0xffff;
	_ =	sdelay $0x3  }
0x1ec: {  	v2 =	vld [tilespmem:$0x6E0]  }
0x1ed: {  	[tilespmem:$0x18CC0] =	vst v0  }
0x1ee: {  	v0 =	vld.idx.msk [tilespmem:v1+s16+$0x0], $0xffff;
	_ =	sdelay $0x3  }
0x1ef: {  	v1 =	vld [tilespmem:$0x6F0]  }
0x1f0: {  	[tilespmem:$0x18CD0] =	vst v0  }
0x1f1: {  	v0 =	vld.idx.msk [tilespmem:v2+s16+$0x0], $0xffff;
	_ =	sdelay $0x3  }
0x1f2: {  	v2 =	vld [tilespmem:$0x700]  }
0x1f3: {  	[tilespmem:$0x18CE0] =	vst v0  }
0x1f4: {  	v0 =	vld.idx.msk [tilespmem:v1+s16+$0x0], $0xffff;
	_ =	sdelay $0x3  }
0x1f5: {  	v1 =	vld [tilespmem:$0x710]  }
0x1f6: {  	[tilespmem:$0x18CF0] =	vst v0  }
0x1f7: {  	v0 =	vld.idx.msk [tilespmem:v2+s16+$0x0], $0xffff;
	_ =	sdelay $0x3  }
0x1f8: {  	v2 =	vld [tilespmem:$0x720]  }
0x1f9: {  	[tilespmem:$0x18D00] =	vst v0  }
0x1fa: {  	v0 =	vld.idx.msk [tilespmem:v1+s16+$0x0], $0xffff;
	_ =	sdelay $0x3  }
0x1fb: {  	v1 =	vld [tilespmem:$0x730]  }
0x1fc: {  	[tilespmem:$0x18D10] =	vst v0  }
0x1fd: {  	v0 =	vld.idx.msk [tilespmem:v2+s16+$0x0], $0xffff;
	_ =	sdelay $0x3  }
0x1fe: {  	v2 =	vld [tilespmem:$0x740]  }
0x1ff: {  	[tilespmem:$0x18D20] =	vst v0  }
0x200: {  	v0 =	vld.idx.msk [tilespmem:v1+s16+$0x0], $0xffff;
	_ =	sdelay $0x3  }
0x201: {  	v1 =	vld [tilespmem:$0x750]  }
0x202: {  	[tilespmem:$0x18D30] =	vst v0  }
0x203: {  	v0 =	vld.idx.msk [tilespmem:v2+s16+$0x0], $0xffff;
	_ =	sdelay $0x3  }
0x204: {  	v2 =	vld [tilespmem:$0x760]  }
0x205: {  	[tilespmem:$0x18D40] =	vst v0  }
0x206: {  	v0 =	vld.idx.msk [tilespmem:v1+s16+$0x0], $0xffff;
	_ =	sdelay $0x3  }
0x207: {  	v1 =	vld [tilespmem:$0x770]  }
0x208: {  	[tilespmem:$0x18D50] =	vst v0  }
0x209: {  	v0 =	vld.idx.msk [tilespmem:v2+s16+$0x0], $0xffff;
	_ =	sdelay $0x3  }
0x20a: {  	v2 =	vld [tilespmem:$0x780]  }
0x20b: {  	[tilespmem:$0x18D60] =	vst v0  }
0x20c: {  	v0 =	vld.idx.msk [tilespmem:v1+s16+$0x0], $0xffff;
	_ =	sdelay $0x3  }
0x20d: {  	v1 =	vld [tilespmem:$0x790]  }
0x20e: {  	[tilespmem:$0x18D70] =	vst v0  }
0x20f: {  	v0 =	vld.idx.msk [tilespmem:v2+s16+$0x0], $0xffff;
	_ =	sdelay $0x3  }
0x210: {  	v2 =	vld [tilespmem:$0x7A0]  }
0x211: {  	[tilespmem:$0x18D80] =	vst v0  }
0x212: {  	v0 =	vld.idx.msk [tilespmem:v1+s16+$0x0], $0xffff;
	_ =	sdelay $0x3  }
0x213: {  	v1 =	vld [tilespmem:$0x7B0]  }
0x214: {  	[tilespmem:$0x18D90] =	vst v0  }
0x215: {  	v0 =	vld.idx.msk [tilespmem:v2+s16+$0x0], $0xffff;
	_ =	sdelay $0x3  }
0x216: {  	v2 =	vld [tilespmem:$0x7C0]  }
0x217: {  	[tilespmem:$0x18DA0] =	vst v0  }
0x218: {  	v0 =	vld.idx.msk [tilespmem:v1+s16+$0x0], $0xffff;
	_ =	sdelay $0x3  }
0x219: {  	v1 =	vld [tilespmem:$0x7D0]  }
0x21a: {  	[tilespmem:$0x18DB0] =	vst v0  }
0x21b: {  	v0 =	vld.idx.msk [tilespmem:v2+s16+$0x0], $0xffff;
	_ =	sdelay $0x3  }
0x21c: {  	v2 =	vld [tilespmem:$0x7E0]  }
0x21d: {  	[tilespmem:$0x18DC0] =	vst v0  }
0x21e: {  	v0 =	vld.idx.msk [tilespmem:v1+s16+$0x0], $0xffff;
	_ =	sdelay $0x3  }
0x21f: {  	v1 =	vld [tilespmem:$0x7F0]  }
0x220: {  	[tilespmem:$0x18DD0] =	vst v0  }
0x221: {  	v0 =	vld.idx.msk [tilespmem:v2+s16+$0x0], $0xffff;
	_ =	sdelay $0x4  }
0x222: {  	[tilespmem:$0x18DE0] =	vst v0  }
0x223: {  	v0 =	vld.idx.msk [tilespmem:v1+s16+$0x0], $0xffff;
	_ =	sdelay $0x4  }
0x224: {  	s30 =	simm.s32 $0x1;
	[tilespmem:$0x18DF0] =	vst v0  }
0x225: {  	_ =	swait.ge [sflag:s30], $0x8000  }
0x226: {  	[sflag:s30] =	ssyncset.done $0x0  }
0x227: {  	s31 =	simm.s32 $0x2;
	[sflag:s30] =	ssyncadd.s32 $0xFFFF8000  }
0x228: {  	_ =	swait.ge [sflag:s31], $0x8000  }
0x229: {  	[sflag:s31] =	ssyncset.done $0x0  }
0x22a: {  	s0 =	simm.s32 $0x0;
	[sflag:s31] =	ssyncadd.s32 $0xFFFF8000  }
0x22b: {  	v7 =	vld [tilespmem:s0+$0x8800]  }
0x22c: {  	v11 =	vld [tilespmem:s0+$0x8810]  }
0x22d: {  	v5 =	vld [tilespmem:s0+$0x8820]  }
0x22e: {  	v4 =	vld [tilespmem:s0+$0x8830]  }
0x22f: {  	v3 =	vld [tilespmem:s0+$0x8840]  }
0x230: {  	v2 =	vld [tilespmem:s0+$0x8850]  }
0x231: {  	v1 =	vld [tilespmem:s0+$0x8860]  }
0x232: {  	v0 =	vld [tilespmem:s0+$0x8870]  }
0x233: {  	v12 =	vld [tilespmem:s0+$0x800]  }
0x234: {  	v13 =	vld [tilespmem:s0+$0x810]  }
0x235: {  	v10 =	vld [tilespmem:s0+$0x820]  }
0x236: {  	v9 =	vld [tilespmem:s0+$0x830]  }
0x237: {  	v8 =	vld [tilespmem:s0+$0x840]  }
0x238: {  	v6 =	vld [tilespmem:s0+$0x850];
	v12 =	vsub.f32 v12, v7  }
0x239: {  	s1 =	simm.s32 $0x200;
	v11 =	vsub.f32 v13, v11;
	v7 =	vld [tilespmem:s0+$0x860]  }
.LBB2_4:
0x23a: {  	s5 =	sshra.s32 s1, $0x2;
	p0 =	sne.s32 s1, $0x1FE00;
	[tilespmem:s0+$0x800] =	vst v12;
	v5 =	vsub.f32 v10, v5;
	v10 =	vld [tilespmem:s0+$0x870]  }
0x23b: {  	v12 =	vld [tilespmem:s5+$0x8800];
	[tilespmem:s0+$0x810] =	vst v11;
	v4 =	vsub.f32 v9, v4  }
0x23c: {  	v11 =	vld [tilespmem:s5+$0x8810];
	[tilespmem:s0+$0x820] =	vst v5;
	v3 =	vsub.f32 v8, v3  }
0x23d: {  	v5 =	vld [tilespmem:s5+$0x8820];
	[tilespmem:s0+$0x830] =	vst v4;
	v2 =	vsub.f32 v6, v2  }
0x23e: {  	v4 =	vld [tilespmem:s5+$0x8830];
	[tilespmem:s0+$0x840] =	vst v3;
	v1 =	vsub.f32 v7, v1  }
0x23f: {  	v3 =	vld [tilespmem:s5+$0x8840];
	[tilespmem:s0+$0x850] =	vst v2;
	v0 =	vsub.f32 v10, v0  }
0x240: {  	v2 =	vld [tilespmem:s5+$0x8850];
	[tilespmem:s0+$0x860] =	vst v1  }
0x241: {  	v1 =	vld [tilespmem:s5+$0x8860];
	[tilespmem:s0+$0x870] =	vst v0;
	s0 =	smov.u32 s5  }
0x242: {  	v0 =	vld [tilespmem:s0+$0x8870]  }
0x243: {  	v6 =	vld [tilespmem:s0+$0x800]  }
0x244: {  	v7 =	vld [tilespmem:s0+$0x810]  }
.Ltmp1:
0x245: {  	v10 =	vld [tilespmem:s0+$0x820];
	(pc) =	sbr.rel @p0 .LBB2_4-.Ltmp1, $4  }
0x246: {  	v9 =	vld [tilespmem:s0+$0x830]  }
0x247: {  	v8 =	vld [tilespmem:s0+$0x840]  }
0x248: {  	v12 =	vsub.f32 v6, v12;
	v6 =	vld [tilespmem:s0+$0x850]  }
0x249: {  	s1 =	sadd.s32 $0x200, s1;
	v11 =	vsub.f32 v7, v11;
	v7 =	vld [tilespmem:s0+$0x860]  }
0x24a: {  	[tilespmem:s0+$0x800] =	vst v12;
	v5 =	vsub.f32 v10, v5;
	v63 =	vld [tilespmem:s0+$0x870]  }
0x24b: {  	[tilespmem:s0+$0x810] =	vst v11;
	v4 =	vsub.f32 v9, v4  }
0x24c: {  	[tilespmem:s0+$0x820] =	vst v5;
	v3 =	vsub.f32 v8, v3  }
0x24d: {  	[tilespmem:s0+$0x830] =	vst v4;
	v2 =	vsub.f32 v6, v2  }
0x24e: {  	[tilespmem:s0+$0x840] =	vst v3;
	v1 =	vsub.f32 v7, v1  }
0x24f: {  	[tilespmem:s0+$0x850] =	vst v2;
	v0 =	vsub.f32 v63, v0  }
0x250: {  	[tilespmem:s0+$0x860] =	vst v1  }
0x251: {  	s23 =	simm.s32 $0x3;
	[tilespmem:s0+$0x870] =	vst v0  }
0x252: {  	_ =	swait.ge [sflag:s23], $0x8000  }
0x253: {  	s1 =	simm.s32 $0x800;
	[sflag:s23] =	ssyncset.done $0x0  }
0x254: {  	s5 =	simm.s32 $0x4;
	s24 =	rddreg [dreg:$0xc];
	[sflag:s23] =	ssyncadd.s32 $0xFFFF8000  }
0x255: {  	[hbm4b:s24+s2] =	stream.linear.scatter [tilespmem:s1], [sflag:$0x4], $0x8000, $0x38;
	[tilespmem:$0x18E00] =	vst v63  }
0x256: {  	_ =	swait.ge [sflag:s5], $0x8000  }
0x257: {  	[sflag:s5] =	ssyncset.done $0x0  }
0x258: {  	s26 =	simm.s32 $0x10800;
	s25 =	rddreg [dreg:$0xd];
	[sflag:s5] =	ssyncadd.s32 $0xFFFF8000  }
0x259: {  	[hbm4b:s25+s2] =	stream.linear.scatter [tilespmem:s26], [sflag:$0x4], $0x8000, $0x38;
	[tilespmem:$0x18E00] =	vst v63  }
0x25a: {  	_ =	swait.ge [sflag:s5], $0x8000  }
0x25b: {  	[sflag:s5] =	ssyncset.done $0x0  }
0x25c: {  	s29 =	simm.s32 $0x18C00;
	s28 =	rddreg [dreg:$0xe];
	[sflag:s5] =	ssyncadd.s32 $0xFFFF8000  }
0x25d: {  	[hbm4b:s28+s2] =	stream.linear.scatter [tilespmem:s29], [sflag:$0x4], $0x200, $0x38;
	[tilespmem:$0x18E00] =	vst v63  }
0x25e: {  	_ =	swait.ge [sflag:s5], $0x200  }
0x25f: {  	s30 =	rddreg [dreg:$0x10]  }
0x260: {  	s31 =	rddreg [dreg:$0xf];
	s1 =	sadd.s32 $0x1, s30  }
0x261: {  	p0 =	sne.s32 s1, s31  }
.Ltmp2:
0x262: {  	_ = 	snop;
	(pc) =	sbr.rel @p0 .LBB2_1-.Ltmp2, $3  }
0x263: {  	_ =	sdelay $0x1  }
0x264: {  	[sflag:s5] =	ssyncset.done $0x0  }
0x265: {  	[sflag:s5] =	ssyncadd.s32 $0xFFFFFE00  }
0x266: {  	_ =	sfence.sel $0x180000  }
0x267: {  	[bflag:$0x0] =	sbarrier.arrive $0xFFFF  }
0x268: {  	_ =	strace $0x90000047  }
0x269: {  	s0 =	stileid.u32;
	[bflag:$0x2] =	sbarrier.arrive $0xFFFF  }
0x26a: {  	p0 =	sne.s32 s0, $0x0;
	s0 =	rddreg [dreg:$0x6]  }
0x26b: {  	s0 =	sadd.s32 @!p0 $0x100000, s0  }
0x26c: {  	[sflag:s0] =	ssyncadd.tile.s32 @!p0 $0x1;
	_ =	shalt  }
.Lfunc_end2:
_tile_overlayer_lowered:
.L_overlay_start_2:
0x26d: {  	(tag) =	ssettag $0x2  }
0x26e: {  	s0 =	rddreg [dreg:$0x0];
	s2 =	stileid.u32  }
0x26f: {  	s1 =	rddreg [dreg:$0x1];
	p0 =	sne.s32 s2, $0x0  }
0x270: {  	s3 =	rddreg [dreg:$0x2];
	[bflag:$0x3] =	sbarrier.arrive $0xFFFF;
	s2 =	simm.s32 @!p0 $0x1C04  }
0x271: {  	[timem:s3], [sflag:s2] =	dma.local @!p0 [hbm:s0], s1  }
0x272: {  	s0 =	simm.s32 @!p0 $0x4  }
0x273: {  	_ =	swait.ge @!p0 [sflag:s0], s1  }
0x274: {  	s1 =	ssub.s32 @!p0 $0x0, s1;
	[sflag:s0] =	ssyncset.done @!p0 $0x0  }
0x275: {  	[sflag:s0] =	ssyncadd.s32 @!p0 s1  }
0x276: {  	[bflag:$0x3] =	sbarrier.arrive $0xFFFF  }
0x277: {  	_ =	shalt  }

</sc_bundles>
